<compile_context>
chip_gen: v7x
topology: tpu7x:2x2x1
jax: 0.10.2.dev20260603
libtpu: 0.0.44.dev20260713+nightly
codegen_flags: <defaults>
</compile_context>

<pallas_src>
import functools

import jax
import jax.numpy as jnp
from jax import lax
from jax.experimental import pallas as pl
from jax.experimental.pallas import tpu as pltpu
from jax.experimental.pallas import tpu_sc as plsc

N = 10000
NA = N + 8
D = 128
OUT = 128
NE = 320000

NUM_CORES = 2
NUM_SUBCORES = 16
LANES = 16

IROWS = 5120
NGRP = IROWS // 16
KMAX = NGRP // NUM_SUBCORES
K2MAX = NGRP // (2 * NUM_SUBCORES)
NPAIR = KMAX * 8
NCH2 = K2MAX * 16
ROWS_PER_TILE = 624


def _sc_segment_sums(eidx, x):
  mesh = plsc.VectorSubcoreMesh(
      core_axis_name="c", subcore_axis_name="s",
      num_cores=NUM_CORES, num_subcores=NUM_SUBCORES)

  @functools.partial(
      pl.kernel,
      out_type=[
          jax.ShapeDtypeStruct((N, D), jnp.float32),
          jax.ShapeDtypeStruct((N, D), jnp.float32),
          jax.ShapeDtypeStruct((N, D), jnp.float32),
          jax.ShapeDtypeStruct((N, D), jnp.float32),
      ],
      mesh=mesh,
      scratch_types=[
          pltpu.VMEM_SHARED((NA, D), jnp.float32),
          pltpu.VMEM((32, 64), jnp.int32),
          pltpu.VMEM((32, 64), jnp.int32),
          pltpu.VMEM((2048,), jnp.int32),
          pltpu.VMEM((2048,), jnp.int32),
          pltpu.VMEM((64, D), jnp.float32),
          pltpu.VMEM((64, D), jnp.float32),
          pltpu.SemaphoreType.DMA,
          pltpu.SemaphoreType.DMA,
          pltpu.SemaphoreType.DMA,
          pltpu.SemaphoreType.DMA,
          pltpu.SemaphoreType.DMA,
      ],
  )
  def k(eidx_h, x_h, s0_out, s1_out, ca_out, cb_out,
        acc_sp, sidx_v, didx_v, rawS_v, rawD_v, rows0_v, rows1_v,
        gsem0, gsem1, ssem0, ssem1, isem):
    c = lax.axis_index("c")
    s = lax.axis_index("s")
    base = s * ROWS_PER_TILE

    zero16 = jnp.zeros((LANES,), jnp.float32)
    one16 = jnp.full((LANES,), 1.0, jnp.float32)

    def fill(ref, vec):
      def body(i, _):
        for j in range(D // LANES):
          ref[i, pl.ds(j * LANES, LANES)] = vec
        return 0
      lax.fori_loop(0, 64, body, 0)

    def zero_my_slice():
      for t in range(13):
        pltpu.sync_copy(rows0_v.at[pl.ds(0, 48)],
                        acc_sp.at[pl.ds(base + t * 48, 48)])

      @pl.when(s == NUM_SUBCORES - 1)
      def _():
        pltpu.sync_copy(rows0_v.at[pl.ds(0, 24)], acc_sp.at[pl.ds(N - 16, 24)])

    def write_my_slice(out_h):
      pltpu.sync_copy(acc_sp.at[pl.ds(base, ROWS_PER_TILE)],
                      out_h.at[pl.ds(base, ROWS_PER_TILE)])

      @pl.when(s == NUM_SUBCORES - 1)
      def _():
        pltpu.sync_copy(acc_sp.at[pl.ds(N - 16, 16)],
                        out_h.at[pl.ds(N - 16, 16)])

    def load_raw_group(g, with_src):
      if with_src:
        pltpu.async_copy(eidx_h.at[0, pl.ds(g * 2048, 2048)], rawS_v, isem)
      pltpu.async_copy(eidx_h.at[1, pl.ds(g * 2048, 2048)], rawD_v, isem)

    def wait_isem(n):
      for _ in range(n):
        pltpu.make_async_copy(eidx_h.at[1, pl.ds(0, 2048)], rawD_v,
                              isem).wait()

    def extract_group(slot16, with_src):
      lane = lax.iota(jnp.int32, LANES)
      perm = jnp.where(lane < 8, 2 * lane, 2 * lane - LANES)

      dnums = lax.GatherDimensionNumbers(
          offset_dims=(), collapsed_slice_dims=(0,), start_index_map=(0,))

      def vgather(v, idx):
        return lax.gather(v, idx[:, None], dnums, (1,),
                          mode=lax.GatherScatterMode.PROMISE_IN_BOUNDS)

      def deint(ref, off, u):
        va = ref[pl.ds(u * 32, LANES)]
        vb = ref[pl.ds(u * 32 + LANES, LANES)]
        pidx = perm + off
        return jnp.where(lane < 8, vgather(va, pidx), vgather(vb, pidx))

      def eblk(u, _):
        r = u // 4
        tt = u % 4
        didx_v[slot16 + r, pl.ds(tt * LANES, LANES)] = deint(rawD_v, 0, u)
        if with_src:
          sidx_v[slot16 + r, pl.ds(tt * LANES, LANES)] = deint(rawS_v, c, u)
        return 0
      lax.fori_loop(0, 64, eblk, 0)

    fill(rows0_v, zero16)
    fill(rows1_v, zero16)
    zero_my_slice()
    plsc.subcore_barrier()

    load_raw_group(s, True)

    def pair(p, _):
      kk = p // 8
      slot16 = (kk % 2) * 16
      jj0 = slot16 + 2 * (p % 8)

      @pl.when(p % 8 == 0)
      def _():
        wait_isem(2)
        extract_group(slot16, True)

        @pl.when(kk < KMAX - 1)
        def _():
          load_raw_group(s + NUM_SUBCORES * (kk + 1), True)

      @pl.when(p > 0)
      def _():
        pltpu.make_async_copy(rows0_v, acc_sp.at[didx_v.at[jj0]],
                              ssem0).wait()
      g0 = pltpu.async_copy(x_h.at[sidx_v.at[jj0]], rows0_v, gsem0)

      @pl.when(p > 0)
      def _():
        pltpu.make_async_copy(rows1_v, acc_sp.at[didx_v.at[jj0 + 1]],
                              ssem1).wait()
      g1 = pltpu.async_copy(x_h.at[sidx_v.at[jj0 + 1]], rows1_v, gsem1)

      g0.wait()
      pltpu.async_copy(rows0_v, acc_sp.at[didx_v.at[jj0]], ssem0, add=True)
      g1.wait()
      pltpu.async_copy(rows1_v, acc_sp.at[didx_v.at[jj0 + 1]], ssem1,
                       add=True)
      return 0
    lax.fori_loop(0, NPAIR, pair, 0)

    pltpu.make_async_copy(rows0_v, acc_sp.at[didx_v.at[0]], ssem0).wait()
    pltpu.make_async_copy(rows1_v, acc_sp.at[didx_v.at[1]], ssem1).wait()

    plsc.subcore_barrier()

    @pl.when(c == 0)
    def _():
      write_my_slice(s0_out)

    @pl.when(c == 1)
    def _():
      write_my_slice(s1_out)

    fill(rows0_v, zero16)
    zero_my_slice()
    fill(rows0_v, one16)
    plsc.subcore_barrier()

    gbase = c * (NGRP // 2) + s
    load_raw_group(gbase, False)

    def body2(p2, _):
      kk = p2 // 16
      slot16 = (kk % 2) * 16
      jj = slot16 + (p2 % 16)

      @pl.when(p2 % 16 == 0)
      def _():
        wait_isem(1)
        extract_group(slot16, False)

        @pl.when(kk < K2MAX - 1)
        def _():
          load_raw_group(gbase + NUM_SUBCORES * (kk + 1), False)

      @pl.when(p2 >= 2)
      def _():
        pltpu.make_async_copy(rows0_v, acc_sp.at[didx_v.at[jj]],
                              ssem0).wait()
      pltpu.async_copy(rows0_v, acc_sp.at[didx_v.at[jj]], ssem0, add=True)
      return 0
    lax.fori_loop(0, NCH2, body2, 0)

    pltpu.make_async_copy(rows0_v, acc_sp.at[didx_v.at[0]], ssem0).wait()
    pltpu.make_async_copy(rows0_v, acc_sp.at[didx_v.at[0]], ssem0).wait()

    plsc.subcore_barrier()

    @pl.when(c == 0)
    def _():
      write_my_slice(ca_out)

    @pl.when(c == 1)
    def _():
      write_my_slice(cb_out)

  return k(eidx, x)


def _dense_body(x_ref, s0_ref, s1_ref, ca_ref, cb_ref, cwt_ref, a0_ref,
                a1_ref, b_ref, o_ref):
  cnt = ca_ref[:, 0:1] + cb_ref[:, 0:1]
  recip = jnp.where(cnt > 0.0, 1.0 / cnt, 0.0)
  acc = jnp.dot(x_ref[:], cwt_ref[:], preferred_element_type=jnp.float32)
  acc = acc + jnp.dot(s0_ref[:] * recip, a0_ref[:],
                      preferred_element_type=jnp.float32)
  acc = acc + jnp.dot(s1_ref[:] * recip, a1_ref[:],
                      preferred_element_type=jnp.float32)
  o_ref[:] = acc + b_ref[:]


def _dense(x, s0, s1, cnt_a, cnt_b, cwt, a0, a1, cb):
  blk = 1000
  grid = (N // blk,)
  return pl.pallas_call(
      _dense_body,
      grid=grid,
      in_specs=[
          pl.BlockSpec((blk, D), lambda i: (i, 0)),
          pl.BlockSpec((blk, D), lambda i: (i, 0)),
          pl.BlockSpec((blk, D), lambda i: (i, 0)),
          pl.BlockSpec((blk, D), lambda i: (i, 0)),
          pl.BlockSpec((blk, D), lambda i: (i, 0)),
          pl.BlockSpec((D, OUT), lambda i: (0, 0)),
          pl.BlockSpec((D, OUT), lambda i: (0, 0)),
          pl.BlockSpec((D, OUT), lambda i: (0, 0)),
          pl.BlockSpec((1, OUT), lambda i: (0, 0)),
      ],
      out_specs=pl.BlockSpec((blk, OUT), lambda i: (i, 0)),
      out_shape=jax.ShapeDtypeStruct((N, OUT), jnp.float32),
  )(x, s0, s1, cnt_a, cnt_b, cwt, a0, a1, cb)


@jax.jit
def kernel(x, edge_index, A_rel, C_w, C_b):
  ei = edge_index.astype(jnp.int32)
  pad = IROWS * 128 - 2 * NE
  pad_block = jnp.stack([jnp.zeros((pad,), jnp.int32),
                         jnp.full((pad,), N, jnp.int32)])
  eidx = jnp.concatenate([ei, pad_block], axis=1)

  s0, s1, cnt_a, cnt_b = _sc_segment_sums(eidx, x)

  cwt = C_w.T
  a0 = A_rel[:D, :]
  a1 = A_rel[D:, :]
  cb = C_b.reshape(1, OUT)
  return _dense(x, s0, s1, cnt_a, cnt_b, cwt, a0, a1, cb)

# --- scband reference (transcript-rebuilt; emitter-appended) ---
"""Pipeline reference for scband-hgnnlayer-3049426780188 (READ-ONLY COPY).

The authoritative reference and input builder live on the scoring server;
editing this copy changes nothing except your own understanding.
"""

import jax, jax.numpy as jnp
import numpy as np

N = 10000       # n_nodes
D = 128         # input_dim
OUT = 128       # output_dim
ARITY = 2       # shapes_dict['rel']
NE = 320000     # number of hyperedges of type 'rel'


def setup_inputs(seed: int = 0) -> dict:
    key = jax.random.key(seed)
    k1, k2, k3, k4 = jax.random.split(key, 4)
    x = jax.random.normal(k1, (N, D), dtype=jnp.float32)
    # indices_dict['rel'] : int[2, NE*ARITY]; row0 = source node ids (ARITY per hyperedge),
    # row1 = destination ids (repeated ARITY times per hyperedge; only column 0 after reshape is used)
    edge_index = jax.random.randint(k2, (2, NE * ARITY), 0, N)
    # self.A['rel'] : Parameter[input_dim*shape, output_dim], He-style init as in torch module
    std = float(np.sqrt(2.0 / (1 * D * ARITY + 1 * OUT)))
    A_rel = jax.random.normal(k3, (D * ARITY, OUT), dtype=jnp.float32) * std
    # self.C : Linear(input_dim, output_dim)
    kw, kb = jax.random.split(k4)
    bound = float(1.0 / np.sqrt(D))
    C_w = jax.random.uniform(kw, (OUT, D), dtype=jnp.float32, minval=-bound, maxval=bound)
    C_b = jax.random.uniform(kb, (OUT,), dtype=jnp.float32, minval=-bound, maxval=bound)
    return {"x": x, "edge_index": edge_index, "A_rel": A_rel, "C_w": C_w, "C_b": C_b}


def reference(x, edge_index, A_rel, C_w, C_b):
    # single edge type 'rel' with arity ARITY; max_aggr=False -> scatter_add
    src = edge_index[0]
    dst = edge_index[1].reshape(-1, ARITY)[:, 0]            # i = edge_indices[1].reshape(-1,shape)[:,0]
    tmp = jnp.take(x, src, axis=0)                           # x[edge_indices[0]]  (gather)
    tmp = tmp.reshape(-1, D * ARITY)                         # reshape to (-1, input_dim*shape)
    tmp = tmp @ A_rel                                        # tmp.mm(weights)
    # torch.unique(i, return_inverse, return_counts); norm = 1/counts[revers_i]
    counts = jnp.bincount(dst, length=N)
    norm = 1.0 / counts[dst]
    tmp = norm[:, None] * tmp
    # scatter_add into zeros(N, OUT) along dim 0
    agg = jnp.zeros((N, OUT), dtype=tmp.dtype).at[dst].add(tmp)
    h = x @ C_w.T + C_b + agg                                # self.C(x) + agg
    return h

if __name__ == "__main__":
    import jax
    _d = setup_inputs()
    print(jax.jit(kernel)(*tuple(_d.values())))

</pallas_src>

<mosaic_0001>
#map = affine_map<(d0, d1) -> (0, 0)>
module attributes {stable_mosaic.version = 14 : i64} {
  func.func @k(%arg0: i32, %arg1: i32, %arg2: memref<2x655360xi32, #tpu.memory_space<hbm>>, %arg3: memref<10000x128xf32, #tpu.memory_space<hbm>>, %arg4: memref<10000x128xf32, #tpu.memory_space<hbm>>, %arg5: memref<10000x128xf32, #tpu.memory_space<hbm>>, %arg6: memref<10000x128xf32, #tpu.memory_space<hbm>>, %arg7: memref<10000x128xf32, #tpu.memory_space<hbm>>, %arg8: memref<10008x128xf32, #tpu.memory_space<vmem_shared>>, %arg9: memref<32x64xi32, #tpu.memory_space<vmem>>, %arg10: memref<32x64xi32, #tpu.memory_space<vmem>>, %arg11: memref<2048xi32, #tpu.memory_space<vmem>>, %arg12: memref<2048xi32, #tpu.memory_space<vmem>>, %arg13: memref<64x128xf32, #tpu.memory_space<vmem>>, %arg14: memref<64x128xf32, #tpu.memory_space<vmem>>, %arg15: memref<!tpu.dma_semaphore, #tpu.memory_space<semaphore_mem>>, %arg16: memref<!tpu.dma_semaphore, #tpu.memory_space<semaphore_mem>>, %arg17: memref<!tpu.dma_semaphore, #tpu.memory_space<semaphore_mem>>, %arg18: memref<!tpu.dma_semaphore, #tpu.memory_space<semaphore_mem>>, %arg19: memref<!tpu.dma_semaphore, #tpu.memory_space<semaphore_mem>>) attributes {dimension_semantics = [#tpu.dimension_semantics<core_parallel>, #tpu.dimension_semantics<subcore_parallel>], iteration_bounds = array<i64: 2, 16>, scalar_prefetch = 0 : i64, scratch_operands = 12 : i64, tpu.core_type = #tpu.core_type<sc_vector_subcore>, window_params = [{transform_indices = #map}, {transform_indices = #map}, {transform_indices = #map}, {transform_indices = #map}, {transform_indices = #map}, {transform_indices = #map}]} {
    %mul3A = arith.constant 624 : i32
    %mul3A_0 = arith.muli %arg1, %mul3A : i32
    %broadcast_in_dim3A = arith.constant 0.000000e+00 : f32
    %broadcast_in_dim3A_1 = vector.broadcast %broadcast_in_dim3A : f32 to vector<16xf32>
    %broadcast_in_dim3A_2 = arith.constant 1.000000e+00 : f32
    %broadcast_in_dim3A_3 = vector.broadcast %broadcast_in_dim3A_2 : f32 to vector<16xf32>
    %scan3A = arith.constant 0 : i32
    %scan3A_4 = arith.constant 0 : i32
    %scan3A_5 = arith.constant 64 : i32
    %scan3A_6 = arith.addi %scan3A_4, %scan3A_5 : i32
    %scan3A_7 = arith.constant 1 : i32
    %scan3A_8 = scf.for %scan3A_176 = %scan3A_4 to %scan3A_6 step %scan3A_7 iter_args(%scan3A_177 = %scan3A) -> (i32)  : i32 {
      %swap3A = arith.index_cast %scan3A_176 : i32 to index
      %swap3A_178 = arith.constant 0 : index
      %swap3A_179 = tpu.vector_load %arg13[%swap3A, %swap3A_178] {strides = array<i32>} : memref<64x128xf32, #tpu.memory_space<vmem>>, vector<1x16xf32>,
      %swap3A_180 = vector.shape_cast %swap3A_179 : vector<1x16xf32> to vector<16xf32>
      %swap3A_181 = vector.shape_cast %broadcast_in_dim3A_1 : vector<16xf32> to vector<1x16xf32>
      tpu.vector_store %arg13[%swap3A, %swap3A_178], %swap3A_181 {strides = array<i32>} : memref<64x128xf32, #tpu.memory_space<vmem>>, vector<1x16xf32>,
      %swap3A_182 = arith.index_cast %scan3A_176 : i32 to index
      %swap3A_183 = arith.constant 16 : index
      %swap3A_184 = tpu.vector_load %arg13[%swap3A_182, %swap3A_183] {strides = array<i32>} : memref<64x128xf32, #tpu.memory_space<vmem>>, vector<1x16xf32>,
      %swap3A_185 = vector.shape_cast %swap3A_184 : vector<1x16xf32> to vector<16xf32>
      %swap3A_186 = vector.shape_cast %broadcast_in_dim3A_1 : vector<16xf32> to vector<1x16xf32>
      tpu.vector_store %arg13[%swap3A_182, %swap3A_183], %swap3A_186 {strides = array<i32>} : memref<64x128xf32, #tpu.memory_space<vmem>>, vector<1x16xf32>,
      %swap3A_187 = arith.index_cast %scan3A_176 : i32 to index
      %swap3A_188 = arith.constant 32 : index
      %swap3A_189 = tpu.vector_load %arg13[%swap3A_187, %swap3A_188] {strides = array<i32>} : memref<64x128xf32, #tpu.memory_space<vmem>>, vector<1x16xf32>,
      %swap3A_190 = vector.shape_cast %swap3A_189 : vector<1x16xf32> to vector<16xf32>
      %swap3A_191 = vector.shape_cast %broadcast_in_dim3A_1 : vector<16xf32> to vector<1x16xf32>
      tpu.vector_store %arg13[%swap3A_187, %swap3A_188], %swap3A_191 {strides = array<i32>} : memref<64x128xf32, #tpu.memory_space<vmem>>, vector<1x16xf32>,
      %swap3A_192 = arith.index_cast %scan3A_176 : i32 to index
      %swap3A_193 = arith.constant 48 : index
      %swap3A_194 = tpu.vector_load %arg13[%swap3A_192, %swap3A_193] {strides = array<i32>} : memref<64x128xf32, #tpu.memory_space<vmem>>, vector<1x16xf32>,
      %swap3A_195 = vector.shape_cast %swap3A_194 : vector<1x16xf32> to vector<16xf32>
      %swap3A_196 = vector.shape_cast %broadcast_in_dim3A_1 : vector<16xf32> to vector<1x16xf32>
      tpu.vector_store %arg13[%swap3A_192, %swap3A_193], %swap3A_196 {strides = array<i32>} : memref<64x128xf32, #tpu.memory_space<vmem>>, vector<1x16xf32>,
      %swap3A_197 = arith.index_cast %scan3A_176 : i32 to index
      %swap3A_198 = arith.constant 64 : index
      %swap3A_199 = tpu.vector_load %arg13[%swap3A_197, %swap3A_198] {strides = array<i32>} : memref<64x128xf32, #tpu.memory_space<vmem>>, vector<1x16xf32>,
      %swap3A_200 = vector.shape_cast %swap3A_199 : vector<1x16xf32> to vector<16xf32>
      %swap3A_201 = vector.shape_cast %broadcast_in_dim3A_1 : vector<16xf32> to vector<1x16xf32>
      tpu.vector_store %arg13[%swap3A_197, %swap3A_198], %swap3A_201 {strides = array<i32>} : memref<64x128xf32, #tpu.memory_space<vmem>>, vector<1x16xf32>,
      %swap3A_202 = arith.index_cast %scan3A_176 : i32 to index
      %swap3A_203 = arith.constant 80 : index
      %swap3A_204 = tpu.vector_load %arg13[%swap3A_202, %swap3A_203] {strides = array<i32>} : memref<64x128xf32, #tpu.memory_space<vmem>>, vector<1x16xf32>,
      %swap3A_205 = vector.shape_cast %swap3A_204 : vector<1x16xf32> to vector<16xf32>
      %swap3A_206 = vector.shape_cast %broadcast_in_dim3A_1 : vector<16xf32> to vector<1x16xf32>
      tpu.vector_store %arg13[%swap3A_202, %swap3A_203], %swap3A_206 {strides = array<i32>} : memref<64x128xf32, #tpu.memory_space<vmem>>, vector<1x16xf32>,
      %swap3A_207 = arith.index_cast %scan3A_176 : i32 to index
      %swap3A_208 = arith.constant 96 : index
      %swap3A_209 = tpu.vector_load %arg13[%swap3A_207, %swap3A_208] {strides = array<i32>} : memref<64x128xf32, #tpu.memory_space<vmem>>, vector<1x16xf32>,
      %swap3A_210 = vector.shape_cast %swap3A_209 : vector<1x16xf32> to vector<16xf32>
      %swap3A_211 = vector.shape_cast %broadcast_in_dim3A_1 : vector<16xf32> to vector<1x16xf32>
      tpu.vector_store %arg13[%swap3A_207, %swap3A_208], %swap3A_211 {strides = array<i32>} : memref<64x128xf32, #tpu.memory_space<vmem>>, vector<1x16xf32>,
      %swap3A_212 = arith.index_cast %scan3A_176 : i32 to index
      %swap3A_213 = arith.constant 112 : index
      %swap3A_214 = tpu.vector_load %arg13[%swap3A_212, %swap3A_213] {strides = array<i32>} : memref<64x128xf32, #tpu.memory_space<vmem>>, vector<1x16xf32>,
      %swap3A_215 = vector.shape_cast %swap3A_214 : vector<1x16xf32> to vector<16xf32>
      %swap3A_216 = vector.shape_cast %broadcast_in_dim3A_1 : vector<16xf32> to vector<1x16xf32>
      tpu.vector_store %arg13[%swap3A_212, %swap3A_213], %swap3A_216 {strides = array<i32>} : memref<64x128xf32, #tpu.memory_space<vmem>>, vector<1x16xf32>,
      %scan3A_217 = arith.constant 0 : i32
      scf.yield %scan3A_217 : i32
    }
    %scan3A_9 = arith.constant 64 : i32
    %scan3A_10 = arith.constant 0 : i32
    %scan3A_11 = arith.constant 0 : i32
    %scan3A_12 = arith.constant 64 : i32
    %scan3A_13 = arith.addi %scan3A_11, %scan3A_12 : i32
    %scan3A_14 = arith.constant 1 : i32
    %scan3A_15 = scf.for %scan3A_176 = %scan3A_11 to %scan3A_13 step %scan3A_14 iter_args(%scan3A_177 = %scan3A_10) -> (i32)  : i32 {
      %swap3A = arith.index_cast %scan3A_176 : i32 to index
      %swap3A_178 = arith.constant 0 : index
      %swap3A_179 = tpu.vector_load %arg14[%swap3A, %swap3A_178] {strides = array<i32>} : memref<64x128xf32, #tpu.memory_space<vmem>>, vector<1x16xf32>,
      %swap3A_180 = vector.shape_cast %swap3A_179 : vector<1x16xf32> to vector<16xf32>
      %swap3A_181 = vector.shape_cast %broadcast_in_dim3A_1 : vector<16xf32> to vector<1x16xf32>
      tpu.vector_store %arg14[%swap3A, %swap3A_178], %swap3A_181 {strides = array<i32>} : memref<64x128xf32, #tpu.memory_space<vmem>>, vector<1x16xf32>,
      %swap3A_182 = arith.index_cast %scan3A_176 : i32 to index
      %swap3A_183 = arith.constant 16 : index
      %swap3A_184 = tpu.vector_load %arg14[%swap3A_182, %swap3A_183] {strides = array<i32>} : memref<64x128xf32, #tpu.memory_space<vmem>>, vector<1x16xf32>,
      %swap3A_185 = vector.shape_cast %swap3A_184 : vector<1x16xf32> to vector<16xf32>
      %swap3A_186 = vector.shape_cast %broadcast_in_dim3A_1 : vector<16xf32> to vector<1x16xf32>
      tpu.vector_store %arg14[%swap3A_182, %swap3A_183], %swap3A_186 {strides = array<i32>} : memref<64x128xf32, #tpu.memory_space<vmem>>, vector<1x16xf32>,
      %swap3A_187 = arith.index_cast %scan3A_176 : i32 to index
      %swap3A_188 = arith.constant 32 : index
      %swap3A_189 = tpu.vector_load %arg14[%swap3A_187, %swap3A_188] {strides = array<i32>} : memref<64x128xf32, #tpu.memory_space<vmem>>, vector<1x16xf32>,
      %swap3A_190 = vector.shape_cast %swap3A_189 : vector<1x16xf32> to vector<16xf32>
      %swap3A_191 = vector.shape_cast %broadcast_in_dim3A_1 : vector<16xf32> to vector<1x16xf32>
      tpu.vector_store %arg14[%swap3A_187, %swap3A_188], %swap3A_191 {strides = array<i32>} : memref<64x128xf32, #tpu.memory_space<vmem>>, vector<1x16xf32>,
      %swap3A_192 = arith.index_cast %scan3A_176 : i32 to index
      %swap3A_193 = arith.constant 48 : index
      %swap3A_194 = tpu.vector_load %arg14[%swap3A_192, %swap3A_193] {strides = array<i32>} : memref<64x128xf32, #tpu.memory_space<vmem>>, vector<1x16xf32>,
      %swap3A_195 = vector.shape_cast %swap3A_194 : vector<1x16xf32> to vector<16xf32>
      %swap3A_196 = vector.shape_cast %broadcast_in_dim3A_1 : vector<16xf32> to vector<1x16xf32>
      tpu.vector_store %arg14[%swap3A_192, %swap3A_193], %swap3A_196 {strides = array<i32>} : memref<64x128xf32, #tpu.memory_space<vmem>>, vector<1x16xf32>,
      %swap3A_197 = arith.index_cast %scan3A_176 : i32 to index
      %swap3A_198 = arith.constant 64 : index
      %swap3A_199 = tpu.vector_load %arg14[%swap3A_197, %swap3A_198] {strides = array<i32>} : memref<64x128xf32, #tpu.memory_space<vmem>>, vector<1x16xf32>,
      %swap3A_200 = vector.shape_cast %swap3A_199 : vector<1x16xf32> to vector<16xf32>
      %swap3A_201 = vector.shape_cast %broadcast_in_dim3A_1 : vector<16xf32> to vector<1x16xf32>
      tpu.vector_store %arg14[%swap3A_197, %swap3A_198], %swap3A_201 {strides = array<i32>} : memref<64x128xf32, #tpu.memory_space<vmem>>, vector<1x16xf32>,
      %swap3A_202 = arith.index_cast %scan3A_176 : i32 to index
      %swap3A_203 = arith.constant 80 : index
      %swap3A_204 = tpu.vector_load %arg14[%swap3A_202, %swap3A_203] {strides = array<i32>} : memref<64x128xf32, #tpu.memory_space<vmem>>, vector<1x16xf32>,
      %swap3A_205 = vector.shape_cast %swap3A_204 : vector<1x16xf32> to vector<16xf32>
      %swap3A_206 = vector.shape_cast %broadcast_in_dim3A_1 : vector<16xf32> to vector<1x16xf32>
      tpu.vector_store %arg14[%swap3A_202, %swap3A_203], %swap3A_206 {strides = array<i32>} : memref<64x128xf32, #tpu.memory_space<vmem>>, vector<1x16xf32>,
      %swap3A_207 = arith.index_cast %scan3A_176 : i32 to index
      %swap3A_208 = arith.constant 96 : index
      %swap3A_209 = tpu.vector_load %arg14[%swap3A_207, %swap3A_208] {strides = array<i32>} : memref<64x128xf32, #tpu.memory_space<vmem>>, vector<1x16xf32>,
      %swap3A_210 = vector.shape_cast %swap3A_209 : vector<1x16xf32> to vector<16xf32>
      %swap3A_211 = vector.shape_cast %broadcast_in_dim3A_1 : vector<16xf32> to vector<1x16xf32>
      tpu.vector_store %arg14[%swap3A_207, %swap3A_208], %swap3A_211 {strides = array<i32>} : memref<64x128xf32, #tpu.memory_space<vmem>>, vector<1x16xf32>,
      %swap3A_212 = arith.index_cast %scan3A_176 : i32 to index
      %swap3A_213 = arith.constant 112 : index
      %swap3A_214 = tpu.vector_load %arg14[%swap3A_212, %swap3A_213] {strides = array<i32>} : memref<64x128xf32, #tpu.memory_space<vmem>>, vector<1x16xf32>,
      %swap3A_215 = vector.shape_cast %swap3A_214 : vector<1x16xf32> to vector<16xf32>
      %swap3A_216 = vector.shape_cast %broadcast_in_dim3A_1 : vector<16xf32> to vector<1x16xf32>
      tpu.vector_store %arg14[%swap3A_212, %swap3A_213], %swap3A_216 {strides = array<i32>} : memref<64x128xf32, #tpu.memory_space<vmem>>, vector<1x16xf32>,
      %scan3A_217 = arith.constant 0 : i32
      scf.yield %scan3A_217 : i32
    }
    %scan3A_16 = arith.constant 64 : i32
    %add3A = arith.constant 0 : i32
    %add3A_17 = arith.addi %mul3A_0, %add3A : i32
    "tpu.region"() ({
      %run_scoped3A = tpu.sem_alloc : memref<!tpu.dma_semaphore, #tpu.memory_space<semaphore_mem>>
      %dma_start3A_176 = arith.constant 0 : i32
      %dma_start3A_177 = arith.constant 0 : i32
      %dma_start3A_178 = tpu.memref_slice %arg13[%dma_start3A_176, %dma_start3A_177] : memref<64x128xf32, #tpu.memory_space<vmem>> -> memref<48x128xf32, #tpu.memory_space<vmem>>
      %dma_start3A_179 = arith.constant 0 : i32
      %dma_start3A_180 = tpu.memref_slice %arg8[%add3A_17, %dma_start3A_179] : memref<10008x128xf32, #tpu.memory_space<vmem_shared>> -> memref<48x128xf32, #tpu.memory_space<vmem_shared>>
      %dma_start3A_181 = arith.constant 0 : i32
      %dma_start3A_182 = tpu.memref_slice %arg8[%add3A_17, %dma_start3A_181] : memref<10008x128xf32, #tpu.memory_space<vmem_shared>> -> memref<48x128xf32, #tpu.memory_space<vmem_shared>>
      %dma_start3A_183 = arith.constant 0 : i32
      %dma_start3A_184 = arith.constant 0 : i32
      %dma_start3A_185 = tpu.memref_slice %arg13[%dma_start3A_183, %dma_start3A_184] : memref<64x128xf32, #tpu.memory_space<vmem>> -> memref<48x128xf32, #tpu.memory_space<vmem>>
      tpu.enqueue_dma source(%dma_start3A_185 : memref<48x128xf32, #tpu.memory_space<vmem>>) target(%dma_start3A_182 : memref<48x128xf32, #tpu.memory_space<vmem_shared>>) target_semaphore(%run_scoped3A : memref<!tpu.dma_semaphore, #tpu.memory_space<semaphore_mem>>)
      %dma_wait3A_186 = arith.constant 0 : i32
      %dma_wait3A_187 = arith.constant 0 : i32
      %dma_wait3A_188 = tpu.memref_slice %arg13[%dma_wait3A_186, %dma_wait3A_187] : memref<64x128xf32, #tpu.memory_space<vmem>> -> memref<48x128xf32, #tpu.memory_space<vmem>>
      %dma_wait3A_189 = arith.constant 0 : i32
      %dma_wait3A_190 = tpu.memref_slice %arg8[%add3A_17, %dma_wait3A_189] : memref<10008x128xf32, #tpu.memory_space<vmem_shared>> -> memref<48x128xf32, #tpu.memory_space<vmem_shared>>
      %dma_wait3A_191 = arith.constant 0 : i32
      %dma_wait3A_192 = tpu.memref_slice %arg8[%add3A_17, %dma_wait3A_191] : memref<10008x128xf32, #tpu.memory_space<vmem_shared>> -> memref<48x128xf32, #tpu.memory_space<vmem_shared>>
      %dma_wait3A_193 = arith.constant 0 : i32
      %dma_wait3A_194 = arith.constant 0 : i32
      %dma_wait3A_195 = tpu.memref_slice %arg13[%dma_wait3A_193, %dma_wait3A_194] : memref<64x128xf32, #tpu.memory_space<vmem>> -> memref<48x128xf32, #tpu.memory_space<vmem>>
      tpu.wait_dma2 semaphore(%run_scoped3A : memref<!tpu.dma_semaphore, #tpu.memory_space<semaphore_mem>>) src(%dma_wait3A_195 : memref<48x128xf32, #tpu.memory_space<vmem>>) dst(%dma_wait3A_192 : memref<48x128xf32, #tpu.memory_space<vmem_shared>>)
      tpu.yield
    }) : () -> ()
    %add3A_18 = arith.constant 48 : i32
    %add3A_19 = arith.addi %mul3A_0, %add3A_18 : i32
    "tpu.region"() ({
      %run_scoped3A = tpu.sem_alloc : memref<!tpu.dma_semaphore, #tpu.memory_space<semaphore_mem>>
      %dma_start3A_176 = arith.constant 0 : i32
      %dma_start3A_177 = arith.constant 0 : i32
      %dma_start3A_178 = tpu.memref_slice %arg13[%dma_start3A_176, %dma_start3A_177] : memref<64x128xf32, #tpu.memory_space<vmem>> -> memref<48x128xf32, #tpu.memory_space<vmem>>
      %dma_start3A_179 = arith.constant 0 : i32
      %dma_start3A_180 = tpu.memref_slice %arg8[%add3A_19, %dma_start3A_179] : memref<10008x128xf32, #tpu.memory_space<vmem_shared>> -> memref<48x128xf32, #tpu.memory_space<vmem_shared>>
      %dma_start3A_181 = arith.constant 0 : i32
      %dma_start3A_182 = tpu.memref_slice %arg8[%add3A_19, %dma_start3A_181] : memref<10008x128xf32, #tpu.memory_space<vmem_shared>> -> memref<48x128xf32, #tpu.memory_space<vmem_shared>>
      %dma_start3A_183 = arith.constant 0 : i32
      %dma_start3A_184 = arith.constant 0 : i32
      %dma_start3A_185 = tpu.memref_slice %arg13[%dma_start3A_183, %dma_start3A_184] : memref<64x128xf32, #tpu.memory_space<vmem>> -> memref<48x128xf32, #tpu.memory_space<vmem>>
      tpu.enqueue_dma source(%dma_start3A_185 : memref<48x128xf32, #tpu.memory_space<vmem>>) target(%dma_start3A_182 : memref<48x128xf32, #tpu.memory_space<vmem_shared>>) target_semaphore(%run_scoped3A : memref<!tpu.dma_semaphore, #tpu.memory_space<semaphore_mem>>)
      %dma_wait3A_186 = arith.constant 0 : i32
      %dma_wait3A_187 = arith.constant 0 : i32
      %dma_wait3A_188 = tpu.memref_slice %arg13[%dma_wait3A_186, %dma_wait3A_187] : memref<64x128xf32, #tpu.memory_space<vmem>> -> memref<48x128xf32, #tpu.memory_space<vmem>>
      %dma_wait3A_189 = arith.constant 0 : i32
      %dma_wait3A_190 = tpu.memref_slice %arg8[%add3A_19, %dma_wait3A_189] : memref<10008x128xf32, #tpu.memory_space<vmem_shared>> -> memref<48x128xf32, #tpu.memory_space<vmem_shared>>
      %dma_wait3A_191 = arith.constant 0 : i32
      %dma_wait3A_192 = tpu.memref_slice %arg8[%add3A_19, %dma_wait3A_191] : memref<10008x128xf32, #tpu.memory_space<vmem_shared>> -> memref<48x128xf32, #tpu.memory_space<vmem_shared>>
      %dma_wait3A_193 = arith.constant 0 : i32
      %dma_wait3A_194 = arith.constant 0 : i32
      %dma_wait3A_195 = tpu.memref_slice %arg13[%dma_wait3A_193, %dma_wait3A_194] : memref<64x128xf32, #tpu.memory_space<vmem>> -> memref<48x128xf32, #tpu.memory_space<vmem>>
      tpu.wait_dma2 semaphore(%run_scoped3A : memref<!tpu.dma_semaphore, #tpu.memory_space<semaphore_mem>>) src(%dma_wait3A_195 : memref<48x128xf32, #tpu.memory_space<vmem>>) dst(%dma_wait3A_192 : memref<48x128xf32, #tpu.memory_space<vmem_shared>>)
      tpu.yield
    }) : () -> ()
    %add3A_20 = arith.constant 96 : i32
    %add3A_21 = arith.addi %mul3A_0, %add3A_20 : i32
    "tpu.region"() ({
      %run_scoped3A = tpu.sem_alloc : memref<!tpu.dma_semaphore, #tpu.memory_space<semaphore_mem>>
      %dma_start3A_176 = arith.constant 0 : i32
      %dma_start3A_177 = arith.constant 0 : i32
      %dma_start3A_178 = tpu.memref_slice %arg13[%dma_start3A_176, %dma_start3A_177] : memref<64x128xf32, #tpu.memory_space<vmem>> -> memref<48x128xf32, #tpu.memory_space<vmem>>
      %dma_start3A_179 = arith.constant 0 : i32
      %dma_start3A_180 = tpu.memref_slice %arg8[%add3A_21, %dma_start3A_179] : memref<10008x128xf32, #tpu.memory_space<vmem_shared>> -> memref<48x128xf32, #tpu.memory_space<vmem_shared>>
      %dma_start3A_181 = arith.constant 0 : i32
      %dma_start3A_182 = tpu.memref_slice %arg8[%add3A_21, %dma_start3A_181] : memref<10008x128xf32, #tpu.memory_space<vmem_shared>> -> memref<48x128xf32, #tpu.memory_space<vmem_shared>>
      %dma_start3A_183 = arith.constant 0 : i32
      %dma_start3A_184 = arith.constant 0 : i32
      %dma_start3A_185 = tpu.memref_slice %arg13[%dma_start3A_183, %dma_start3A_184] : memref<64x128xf32, #tpu.memory_space<vmem>> -> memref<48x128xf32, #tpu.memory_space<vmem>>
      tpu.enqueue_dma source(%dma_start3A_185 : memref<48x128xf32, #tpu.memory_space<vmem>>) target(%dma_start3A_182 : memref<48x128xf32, #tpu.memory_space<vmem_shared>>) target_semaphore(%run_scoped3A : memref<!tpu.dma_semaphore, #tpu.memory_space<semaphore_mem>>)
      %dma_wait3A_186 = arith.constant 0 : i32
      %dma_wait3A_187 = arith.constant 0 : i32
      %dma_wait3A_188 = tpu.memref_slice %arg13[%dma_wait3A_186, %dma_wait3A_187] : memref<64x128xf32, #tpu.memory_space<vmem>> -> memref<48x128xf32, #tpu.memory_space<vmem>>
      %dma_wait3A_189 = arith.constant 0 : i32
      %dma_wait3A_190 = tpu.memref_slice %arg8[%add3A_21, %dma_wait3A_189] : memref<10008x128xf32, #tpu.memory_space<vmem_shared>> -> memref<48x128xf32, #tpu.memory_space<vmem_shared>>
      %dma_wait3A_191 = arith.constant 0 : i32
      %dma_wait3A_192 = tpu.memref_slice %arg8[%add3A_21, %dma_wait3A_191] : memref<10008x128xf32, #tpu.memory_space<vmem_shared>> -> memref<48x128xf32, #tpu.memory_space<vmem_shared>>
      %dma_wait3A_193 = arith.constant 0 : i32
      %dma_wait3A_194 = arith.constant 0 : i32
      %dma_wait3A_195 = tpu.memref_slice %arg13[%dma_wait3A_193, %dma_wait3A_194] : memref<64x128xf32, #tpu.memory_space<vmem>> -> memref<48x128xf32, #tpu.memory_space<vmem>>
      tpu.wait_dma2 semaphore(%run_scoped3A : memref<!tpu.dma_semaphore, #tpu.memory_space<semaphore_mem>>) src(%dma_wait3A_195 : memref<48x128xf32, #tpu.memory_space<vmem>>) dst(%dma_wait3A_192 : memref<48x128xf32, #tpu.memory_space<vmem_shared>>)
      tpu.yield
    }) : () -> ()
    %add3A_22 = arith.constant 144 : i32
    %add3A_23 = arith.addi %mul3A_0, %add3A_22 : i32
    "tpu.region"() ({
      %run_scoped3A = tpu.sem_alloc : memref<!tpu.dma_semaphore, #tpu.memory_space<semaphore_mem>>
      %dma_start3A_176 = arith.constant 0 : i32
      %dma_start3A_177 = arith.constant 0 : i32
      %dma_start3A_178 = tpu.memref_slice %arg13[%dma_start3A_176, %dma_start3A_177] : memref<64x128xf32, #tpu.memory_space<vmem>> -> memref<48x128xf32, #tpu.memory_space<vmem>>
      %dma_start3A_179 = arith.constant 0 : i32
      %dma_start3A_180 = tpu.memref_slice %arg8[%add3A_23, %dma_start3A_179] : memref<10008x128xf32, #tpu.memory_space<vmem_shared>> -> memref<48x128xf32, #tpu.memory_space<vmem_shared>>
      %dma_start3A_181 = arith.constant 0 : i32
      %dma_start3A_182 = tpu.memref_slice %arg8[%add3A_23, %dma_start3A_181] : memref<10008x128xf32, #tpu.memory_space<vmem_shared>> -> memref<48x128xf32, #tpu.memory_space<vmem_shared>>
      %dma_start3A_183 = arith.constant 0 : i32
      %dma_start3A_184 = arith.constant 0 : i32
      %dma_start3A_185 = tpu.memref_slice %arg13[%dma_start3A_183, %dma_start3A_184] : memref<64x128xf32, #tpu.memory_space<vmem>> -> memref<48x128xf32, #tpu.memory_space<vmem>>
      tpu.enqueue_dma source(%dma_start3A_185 : memref<48x128xf32, #tpu.memory_space<vmem>>) target(%dma_start3A_182 : memref<48x128xf32, #tpu.memory_space<vmem_shared>>) target_semaphore(%run_scoped3A : memref<!tpu.dma_semaphore, #tpu.memory_space<semaphore_mem>>)
      %dma_wait3A_186 = arith.constant 0 : i32
      %dma_wait3A_187 = arith.constant 0 : i32
      %dma_wait3A_188 = tpu.memref_slice %arg13[%dma_wait3A_186, %dma_wait3A_187] : memref<64x128xf32, #tpu.memory_space<vmem>> -> memref<48x128xf32, #tpu.memory_space<vmem>>
      %dma_wait3A_189 = arith.constant 0 : i32
      %dma_wait3A_190 = tpu.memref_slice %arg8[%add3A_23, %dma_wait3A_189] : memref<10008x128xf32, #tpu.memory_space<vmem_shared>> -> memref<48x128xf32, #tpu.memory_space<vmem_shared>>
      %dma_wait3A_191 = arith.constant 0 : i32
      %dma_wait3A_192 = tpu.memref_slice %arg8[%add3A_23, %dma_wait3A_191] : memref<10008x128xf32, #tpu.memory_space<vmem_shared>> -> memref<48x128xf32, #tpu.memory_space<vmem_shared>>
      %dma_wait3A_193 = arith.constant 0 : i32
      %dma_wait3A_194 = arith.constant 0 : i32
      %dma_wait3A_195 = tpu.memref_slice %arg13[%dma_wait3A_193, %dma_wait3A_194] : memref<64x128xf32, #tpu.memory_space<vmem>> -> memref<48x128xf32, #tpu.memory_space<vmem>>
      tpu.wait_dma2 semaphore(%run_scoped3A : memref<!tpu.dma_semaphore, #tpu.memory_space<semaphore_mem>>) src(%dma_wait3A_195 : memref<48x128xf32, #tpu.memory_space<vmem>>) dst(%dma_wait3A_192 : memref<48x128xf32, #tpu.memory_space<vmem_shared>>)
      tpu.yield
    }) : () -> ()
    %add3A_24 = arith.constant 192 : i32
    %add3A_25 = arith.addi %mul3A_0, %add3A_24 : i32
    "tpu.region"() ({
      %run_scoped3A = tpu.sem_alloc : memref<!tpu.dma_semaphore, #tpu.memory_space<semaphore_mem>>
      %dma_start3A_176 = arith.constant 0 : i32
      %dma_start3A_177 = arith.constant 0 : i32
      %dma_start3A_178 = tpu.memref_slice %arg13[%dma_start3A_176, %dma_start3A_177] : memref<64x128xf32, #tpu.memory_space<vmem>> -> memref<48x128xf32, #tpu.memory_space<vmem>>
      %dma_start3A_179 = arith.constant 0 : i32
      %dma_start3A_180 = tpu.memref_slice %arg8[%add3A_25, %dma_start3A_179] : memref<10008x128xf32, #tpu.memory_space<vmem_shared>> -> memref<48x128xf32, #tpu.memory_space<vmem_shared>>
      %dma_start3A_181 = arith.constant 0 : i32
      %dma_start3A_182 = tpu.memref_slice %arg8[%add3A_25, %dma_start3A_181] : memref<10008x128xf32, #tpu.memory_space<vmem_shared>> -> memref<48x128xf32, #tpu.memory_space<vmem_shared>>
      %dma_start3A_183 = arith.constant 0 : i32
      %dma_start3A_184 = arith.constant 0 : i32
      %dma_start3A_185 = tpu.memref_slice %arg13[%dma_start3A_183, %dma_start3A_184] : memref<64x128xf32, #tpu.memory_space<vmem>> -> memref<48x128xf32, #tpu.memory_space<vmem>>
      tpu.enqueue_dma source(%dma_start3A_185 : memref<48x128xf32, #tpu.memory_space<vmem>>) target(%dma_start3A_182 : memref<48x128xf32, #tpu.memory_space<vmem_shared>>) target_semaphore(%run_scoped3A : memref<!tpu.dma_semaphore, #tpu.memory_space<semaphore_mem>>)
      %dma_wait3A_186 = arith.constant 0 : i32
      %dma_wait3A_187 = arith.constant 0 : i32
      %dma_wait3A_188 = tpu.memref_slice %arg13[%dma_wait3A_186, %dma_wait3A_187] : memref<64x128xf32, #tpu.memory_space<vmem>> -> memref<48x128xf32, #tpu.memory_space<vmem>>
      %dma_wait3A_189 = arith.constant 0 : i32
      %dma_wait3A_190 = tpu.memref_slice %arg8[%add3A_25, %dma_wait3A_189] : memref<10008x128xf32, #tpu.memory_space<vmem_shared>> -> memref<48x128xf32, #tpu.memory_space<vmem_shared>>
      %dma_wait3A_191 = arith.constant 0 : i32
      %dma_wait3A_192 = tpu.memref_slice %arg8[%add3A_25, %dma_wait3A_191] : memref<10008x128xf32, #tpu.memory_space<vmem_shared>> -> memref<48x128xf32, #tpu.memory_space<vmem_shared>>
      %dma_wait3A_193 = arith.constant 0 : i32
      %dma_wait3A_194 = arith.constant 0 : i32
      %dma_wait3A_195 = tpu.memref_slice %arg13[%dma_wait3A_193, %dma_wait3A_194] : memref<64x128xf32, #tpu.memory_space<vmem>> -> memref<48x128xf32, #tpu.memory_space<vmem>>
      tpu.wait_dma2 semaphore(%run_scoped3A : memref<!tpu.dma_semaphore, #tpu.memory_space<semaphore_mem>>) src(%dma_wait3A_195 : memref<48x128xf32, #tpu.memory_space<vmem>>) dst(%dma_wait3A_192 : memref<48x128xf32, #tpu.memory_space<vmem_shared>>)
      tpu.yield
    }) : () -> ()
    %add3A_26 = arith.constant 240 : i32
    %add3A_27 = arith.addi %mul3A_0, %add3A_26 : i32
    "tpu.region"() ({
      %run_scoped3A = tpu.sem_alloc : memref<!tpu.dma_semaphore, #tpu.memory_space<semaphore_mem>>
      %dma_start3A_176 = arith.constant 0 : i32
      %dma_start3A_177 = arith.constant 0 : i32
      %dma_start3A_178 = tpu.memref_slice %arg13[%dma_start3A_176, %dma_start3A_177] : memref<64x128xf32, #tpu.memory_space<vmem>> -> memref<48x128xf32, #tpu.memory_space<vmem>>
      %dma_start3A_179 = arith.constant 0 : i32
      %dma_start3A_180 = tpu.memref_slice %arg8[%add3A_27, %dma_start3A_179] : memref<10008x128xf32, #tpu.memory_space<vmem_shared>> -> memref<48x128xf32, #tpu.memory_space<vmem_shared>>
      %dma_start3A_181 = arith.constant 0 : i32
      %dma_start3A_182 = tpu.memref_slice %arg8[%add3A_27, %dma_start3A_181] : memref<10008x128xf32, #tpu.memory_space<vmem_shared>> -> memref<48x128xf32, #tpu.memory_space<vmem_shared>>
      %dma_start3A_183 = arith.constant 0 : i32
      %dma_start3A_184 = arith.constant 0 : i32
      %dma_start3A_185 = tpu.memref_slice %arg13[%dma_start3A_183, %dma_start3A_184] : memref<64x128xf32, #tpu.memory_space<vmem>> -> memref<48x128xf32, #tpu.memory_space<vmem>>
      tpu.enqueue_dma source(%dma_start3A_185 : memref<48x128xf32, #tpu.memory_space<vmem>>) target(%dma_start3A_182 : memref<48x128xf32, #tpu.memory_space<vmem_shared>>) target_semaphore(%run_scoped3A : memref<!tpu.dma_semaphore, #tpu.memory_space<semaphore_mem>>)
      %dma_wait3A_186 = arith.constant 0 : i32
      %dma_wait3A_187 = arith.constant 0 : i32
      %dma_wait3A_188 = tpu.memref_slice %arg13[%dma_wait3A_186, %dma_wait3A_187] : memref<64x128xf32, #tpu.memory_space<vmem>> -> memref<48x128xf32, #tpu.memory_space<vmem>>
      %dma_wait3A_189 = arith.constant 0 : i32
      %dma_wait3A_190 = tpu.memref_slice %arg8[%add3A_27, %dma_wait3A_189] : memref<10008x128xf32, #tpu.memory_space<vmem_shared>> -> memref<48x128xf32, #tpu.memory_space<vmem_shared>>
      %dma_wait3A_191 = arith.constant 0 : i32
      %dma_wait3A_192 = tpu.memref_slice %arg8[%add3A_27, %dma_wait3A_191] : memref<10008x128xf32, #tpu.memory_space<vmem_shared>> -> memref<48x128xf32, #tpu.memory_space<vmem_shared>>
      %dma_wait3A_193 = arith.constant 0 : i32
      %dma_wait3A_194 = arith.constant 0 : i32
      %dma_wait3A_195 = tpu.memref_slice %arg13[%dma_wait3A_193, %dma_wait3A_194] : memref<64x128xf32, #tpu.memory_space<vmem>> -> memref<48x128xf32, #tpu.memory_space<vmem>>
      tpu.wait_dma2 semaphore(%run_scoped3A : memref<!tpu.dma_semaphore, #tpu.memory_space<semaphore_mem>>) src(%dma_wait3A_195 : memref<48x128xf32, #tpu.memory_space<vmem>>) dst(%dma_wait3A_192 : memref<48x128xf32, #tpu.memory_space<vmem_shared>>)
      tpu.yield
    }) : () -> ()
    %add3A_28 = arith.constant 288 : i32
    %add3A_29 = arith.addi %mul3A_0, %add3A_28 : i32
    "tpu.region"() ({
      %run_scoped3A = tpu.sem_alloc : memref<!tpu.dma_semaphore, #tpu.memory_space<semaphore_mem>>
      %dma_start3A_176 = arith.constant 0 : i32
      %dma_start3A_177 = arith.constant 0 : i32
      %dma_start3A_178 = tpu.memref_slice %arg13[%dma_start3A_176, %dma_start3A_177] : memref<64x128xf32, #tpu.memory_space<vmem>> -> memref<48x128xf32, #tpu.memory_space<vmem>>
      %dma_start3A_179 = arith.constant 0 : i32
      %dma_start3A_180 = tpu.memref_slice %arg8[%add3A_29, %dma_start3A_179] : memref<10008x128xf32, #tpu.memory_space<vmem_shared>> -> memref<48x128xf32, #tpu.memory_space<vmem_shared>>
      %dma_start3A_181 = arith.constant 0 : i32
      %dma_start3A_182 = tpu.memref_slice %arg8[%add3A_29, %dma_start3A_181] : memref<10008x128xf32, #tpu.memory_space<vmem_shared>> -> memref<48x128xf32, #tpu.memory_space<vmem_shared>>
      %dma_start3A_183 = arith.constant 0 : i32
      %dma_start3A_184 = arith.constant 0 : i32
      %dma_start3A_185 = tpu.memref_slice %arg13[%dma_start3A_183, %dma_start3A_184] : memref<64x128xf32, #tpu.memory_space<vmem>> -> memref<48x128xf32, #tpu.memory_space<vmem>>
      tpu.enqueue_dma source(%dma_start3A_185 : memref<48x128xf32, #tpu.memory_space<vmem>>) target(%dma_start3A_182 : memref<48x128xf32, #tpu.memory_space<vmem_shared>>) target_semaphore(%run_scoped3A : memref<!tpu.dma_semaphore, #tpu.memory_space<semaphore_mem>>)
      %dma_wait3A_186 = arith.constant 0 : i32
      %dma_wait3A_187 = arith.constant 0 : i32
      %dma_wait3A_188 = tpu.memref_slice %arg13[%dma_wait3A_186, %dma_wait3A_187] : memref<64x128xf32, #tpu.memory_space<vmem>> -> memref<48x128xf32, #tpu.memory_space<vmem>>
      %dma_wait3A_189 = arith.constant 0 : i32
      %dma_wait3A_190 = tpu.memref_slice %arg8[%add3A_29, %dma_wait3A_189] : memref<10008x128xf32, #tpu.memory_space<vmem_shared>> -> memref<48x128xf32, #tpu.memory_space<vmem_shared>>
      %dma_wait3A_191 = arith.constant 0 : i32
      %dma_wait3A_192 = tpu.memref_slice %arg8[%add3A_29, %dma_wait3A_191] : memref<10008x128xf32, #tpu.memory_space<vmem_shared>> -> memref<48x128xf32, #tpu.memory_space<vmem_shared>>
      %dma_wait3A_193 = arith.constant 0 : i32
      %dma_wait3A_194 = arith.constant 0 : i32
      %dma_wait3A_195 = tpu.memref_slice %arg13[%dma_wait3A_193, %dma_wait3A_194] : memref<64x128xf32, #tpu.memory_space<vmem>> -> memref<48x128xf32, #tpu.memory_space<vmem>>
      tpu.wait_dma2 semaphore(%run_scoped3A : memref<!tpu.dma_semaphore, #tpu.memory_space<semaphore_mem>>) src(%dma_wait3A_195 : memref<48x128xf32, #tpu.memory_space<vmem>>) dst(%dma_wait3A_192 : memref<48x128xf32, #tpu.memory_space<vmem_shared>>)
      tpu.yield
    }) : () -> ()
    %add3A_30 = arith.constant 336 : i32
    %add3A_31 = arith.addi %mul3A_0, %add3A_30 : i32
    "tpu.region"() ({
      %run_scoped3A = tpu.sem_alloc : memref<!tpu.dma_semaphore, #tpu.memory_space<semaphore_mem>>
      %dma_start3A_176 = arith.constant 0 : i32
      %dma_start3A_177 = arith.constant 0 : i32
      %dma_start3A_178 = tpu.memref_slice %arg13[%dma_start3A_176, %dma_start3A_177] : memref<64x128xf32, #tpu.memory_space<vmem>> -> memref<48x128xf32, #tpu.memory_space<vmem>>
      %dma_start3A_179 = arith.constant 0 : i32
      %dma_start3A_180 = tpu.memref_slice %arg8[%add3A_31, %dma_start3A_179] : memref<10008x128xf32, #tpu.memory_space<vmem_shared>> -> memref<48x128xf32, #tpu.memory_space<vmem_shared>>
      %dma_start3A_181 = arith.constant 0 : i32
      %dma_start3A_182 = tpu.memref_slice %arg8[%add3A_31, %dma_start3A_181] : memref<10008x128xf32, #tpu.memory_space<vmem_shared>> -> memref<48x128xf32, #tpu.memory_space<vmem_shared>>
      %dma_start3A_183 = arith.constant 0 : i32
      %dma_start3A_184 = arith.constant 0 : i32
      %dma_start3A_185 = tpu.memref_slice %arg13[%dma_start3A_183, %dma_start3A_184] : memref<64x128xf32, #tpu.memory_space<vmem>> -> memref<48x128xf32, #tpu.memory_space<vmem>>
      tpu.enqueue_dma source(%dma_start3A_185 : memref<48x128xf32, #tpu.memory_space<vmem>>) target(%dma_start3A_182 : memref<48x128xf32, #tpu.memory_space<vmem_shared>>) target_semaphore(%run_scoped3A : memref<!tpu.dma_semaphore, #tpu.memory_space<semaphore_mem>>)
      %dma_wait3A_186 = arith.constant 0 : i32
      %dma_wait3A_187 = arith.constant 0 : i32
      %dma_wait3A_188 = tpu.memref_slice %arg13[%dma_wait3A_186, %dma_wait3A_187] : memref<64x128xf32, #tpu.memory_space<vmem>> -> memref<48x128xf32, #tpu.memory_space<vmem>>
      %dma_wait3A_189 = arith.constant 0 : i32
      %dma_wait3A_190 = tpu.memref_slice %arg8[%add3A_31, %dma_wait3A_189] : memref<10008x128xf32, #tpu.memory_space<vmem_shared>> -> memref<48x128xf32, #tpu.memory_space<vmem_shared>>
      %dma_wait3A_191 = arith.constant 0 : i32
      %dma_wait3A_192 = tpu.memref_slice %arg8[%add3A_31, %dma_wait3A_191] : memref<10008x128xf32, #tpu.memory_space<vmem_shared>> -> memref<48x128xf32, #tpu.memory_space<vmem_shared>>
      %dma_wait3A_193 = arith.constant 0 : i32
      %dma_wait3A_194 = arith.constant 0 : i32
      %dma_wait3A_195 = tpu.memref_slice %arg13[%dma_wait3A_193, %dma_wait3A_194] : memref<64x128xf32, #tpu.memory_space<vmem>> -> memref<48x128xf32, #tpu.memory_space<vmem>>
      tpu.wait_dma2 semaphore(%run_scoped3A : memref<!tpu.dma_semaphore, #tpu.memory_space<semaphore_mem>>) src(%dma_wait3A_195 : memref<48x128xf32, #tpu.memory_space<vmem>>) dst(%dma_wait3A_192 : memref<48x128xf32, #tpu.memory_space<vmem_shared>>)
      tpu.yield
    }) : () -> ()
    %add3A_32 = arith.constant 384 : i32
    %add3A_33 = arith.addi %mul3A_0, %add3A_32 : i32
    "tpu.region"() ({
      %run_scoped3A = tpu.sem_alloc : memref<!tpu.dma_semaphore, #tpu.memory_space<semaphore_mem>>
      %dma_start3A_176 = arith.constant 0 : i32
      %dma_start3A_177 = arith.constant 0 : i32
      %dma_start3A_178 = tpu.memref_slice %arg13[%dma_start3A_176, %dma_start3A_177] : memref<64x128xf32, #tpu.memory_space<vmem>> -> memref<48x128xf32, #tpu.memory_space<vmem>>
      %dma_start3A_179 = arith.constant 0 : i32
      %dma_start3A_180 = tpu.memref_slice %arg8[%add3A_33, %dma_start3A_179] : memref<10008x128xf32, #tpu.memory_space<vmem_shared>> -> memref<48x128xf32, #tpu.memory_space<vmem_shared>>
      %dma_start3A_181 = arith.constant 0 : i32
      %dma_start3A_182 = tpu.memref_slice %arg8[%add3A_33, %dma_start3A_181] : memref<10008x128xf32, #tpu.memory_space<vmem_shared>> -> memref<48x128xf32, #tpu.memory_space<vmem_shared>>
      %dma_start3A_183 = arith.constant 0 : i32
      %dma_start3A_184 = arith.constant 0 : i32
      %dma_start3A_185 = tpu.memref_slice %arg13[%dma_start3A_183, %dma_start3A_184] : memref<64x128xf32, #tpu.memory_space<vmem>> -> memref<48x128xf32, #tpu.memory_space<vmem>>
      tpu.enqueue_dma source(%dma_start3A_185 : memref<48x128xf32, #tpu.memory_space<vmem>>) target(%dma_start3A_182 : memref<48x128xf32, #tpu.memory_space<vmem_shared>>) target_semaphore(%run_scoped3A : memref<!tpu.dma_semaphore, #tpu.memory_space<semaphore_mem>>)
      %dma_wait3A_186 = arith.constant 0 : i32
      %dma_wait3A_187 = arith.constant 0 : i32
      %dma_wait3A_188 = tpu.memref_slice %arg13[%dma_wait3A_186, %dma_wait3A_187] : memref<64x128xf32, #tpu.memory_space<vmem>> -> memref<48x128xf32, #tpu.memory_space<vmem>>
      %dma_wait3A_189 = arith.constant 0 : i32
      %dma_wait3A_190 = tpu.memref_slice %arg8[%add3A_33, %dma_wait3A_189] : memref<10008x128xf32, #tpu.memory_space<vmem_shared>> -> memref<48x128xf32, #tpu.memory_space<vmem_shared>>
      %dma_wait3A_191 = arith.constant 0 : i32
      %dma_wait3A_192 = tpu.memref_slice %arg8[%add3A_33, %dma_wait3A_191] : memref<10008x128xf32, #tpu.memory_space<vmem_shared>> -> memref<48x128xf32, #tpu.memory_space<vmem_shared>>
      %dma_wait3A_193 = arith.constant 0 : i32
      %dma_wait3A_194 = arith.constant 0 : i32
      %dma_wait3A_195 = tpu.memref_slice %arg13[%dma_wait3A_193, %dma_wait3A_194] : memref<64x128xf32, #tpu.memory_space<vmem>> -> memref<48x128xf32, #tpu.memory_space<vmem>>
      tpu.wait_dma2 semaphore(%run_scoped3A : memref<!tpu.dma_semaphore, #tpu.memory_space<semaphore_mem>>) src(%dma_wait3A_195 : memref<48x128xf32, #tpu.memory_space<vmem>>) dst(%dma_wait3A_192 : memref<48x128xf32, #tpu.memory_space<vmem_shared>>)
      tpu.yield
    }) : () -> ()
    %add3A_34 = arith.constant 432 : i32
    %add3A_35 = arith.addi %mul3A_0, %add3A_34 : i32
    "tpu.region"() ({
      %run_scoped3A = tpu.sem_alloc : memref<!tpu.dma_semaphore, #tpu.memory_space<semaphore_mem>>
      %dma_start3A_176 = arith.constant 0 : i32
      %dma_start3A_177 = arith.constant 0 : i32
      %dma_start3A_178 = tpu.memref_slice %arg13[%dma_start3A_176, %dma_start3A_177] : memref<64x128xf32, #tpu.memory_space<vmem>> -> memref<48x128xf32, #tpu.memory_space<vmem>>
      %dma_start3A_179 = arith.constant 0 : i32
      %dma_start3A_180 = tpu.memref_slice %arg8[%add3A_35, %dma_start3A_179] : memref<10008x128xf32, #tpu.memory_space<vmem_shared>> -> memref<48x128xf32, #tpu.memory_space<vmem_shared>>
      %dma_start3A_181 = arith.constant 0 : i32
      %dma_start3A_182 = tpu.memref_slice %arg8[%add3A_35, %dma_start3A_181] : memref<10008x128xf32, #tpu.memory_space<vmem_shared>> -> memref<48x128xf32, #tpu.memory_space<vmem_shared>>
      %dma_start3A_183 = arith.constant 0 : i32
      %dma_start3A_184 = arith.constant 0 : i32
      %dma_start3A_185 = tpu.memref_slice %arg13[%dma_start3A_183, %dma_start3A_184] : memref<64x128xf32, #tpu.memory_space<vmem>> -> memref<48x128xf32, #tpu.memory_space<vmem>>
      tpu.enqueue_dma source(%dma_start3A_185 : memref<48x128xf32, #tpu.memory_space<vmem>>) target(%dma_start3A_182 : memref<48x128xf32, #tpu.memory_space<vmem_shared>>) target_semaphore(%run_scoped3A : memref<!tpu.dma_semaphore, #tpu.memory_space<semaphore_mem>>)
      %dma_wait3A_186 = arith.constant 0 : i32
      %dma_wait3A_187 = arith.constant 0 : i32
      %dma_wait3A_188 = tpu.memref_slice %arg13[%dma_wait3A_186, %dma_wait3A_187] : memref<64x128xf32, #tpu.memory_space<vmem>> -> memref<48x128xf32, #tpu.memory_space<vmem>>
      %dma_wait3A_189 = arith.constant 0 : i32
      %dma_wait3A_190 = tpu.memref_slice %arg8[%add3A_35, %dma_wait3A_189] : memref<10008x128xf32, #tpu.memory_space<vmem_shared>> -> memref<48x128xf32, #tpu.memory_space<vmem_shared>>
      %dma_wait3A_191 = arith.constant 0 : i32
      %dma_wait3A_192 = tpu.memref_slice %arg8[%add3A_35, %dma_wait3A_191] : memref<10008x128xf32, #tpu.memory_space<vmem_shared>> -> memref<48x128xf32, #tpu.memory_space<vmem_shared>>
      %dma_wait3A_193 = arith.constant 0 : i32
      %dma_wait3A_194 = arith.constant 0 : i32
      %dma_wait3A_195 = tpu.memref_slice %arg13[%dma_wait3A_193, %dma_wait3A_194] : memref<64x128xf32, #tpu.memory_space<vmem>> -> memref<48x128xf32, #tpu.memory_space<vmem>>
      tpu.wait_dma2 semaphore(%run_scoped3A : memref<!tpu.dma_semaphore, #tpu.memory_space<semaphore_mem>>) src(%dma_wait3A_195 : memref<48x128xf32, #tpu.memory_space<vmem>>) dst(%dma_wait3A_192 : memref<48x128xf32, #tpu.memory_space<vmem_shared>>)
      tpu.yield
    }) : () -> ()
    %add3A_36 = arith.constant 480 : i32
    %add3A_37 = arith.addi %mul3A_0, %add3A_36 : i32
    "tpu.region"() ({
      %run_scoped3A = tpu.sem_alloc : memref<!tpu.dma_semaphore, #tpu.memory_space<semaphore_mem>>
      %dma_start3A_176 = arith.constant 0 : i32
      %dma_start3A_177 = arith.constant 0 : i32
      %dma_start3A_178 = tpu.memref_slice %arg13[%dma_start3A_176, %dma_start3A_177] : memref<64x128xf32, #tpu.memory_space<vmem>> -> memref<48x128xf32, #tpu.memory_space<vmem>>
      %dma_start3A_179 = arith.constant 0 : i32
      %dma_start3A_180 = tpu.memref_slice %arg8[%add3A_37, %dma_start3A_179] : memref<10008x128xf32, #tpu.memory_space<vmem_shared>> -> memref<48x128xf32, #tpu.memory_space<vmem_shared>>
      %dma_start3A_181 = arith.constant 0 : i32
      %dma_start3A_182 = tpu.memref_slice %arg8[%add3A_37, %dma_start3A_181] : memref<10008x128xf32, #tpu.memory_space<vmem_shared>> -> memref<48x128xf32, #tpu.memory_space<vmem_shared>>
      %dma_start3A_183 = arith.constant 0 : i32
      %dma_start3A_184 = arith.constant 0 : i32
      %dma_start3A_185 = tpu.memref_slice %arg13[%dma_start3A_183, %dma_start3A_184] : memref<64x128xf32, #tpu.memory_space<vmem>> -> memref<48x128xf32, #tpu.memory_space<vmem>>
      tpu.enqueue_dma source(%dma_start3A_185 : memref<48x128xf32, #tpu.memory_space<vmem>>) target(%dma_start3A_182 : memref<48x128xf32, #tpu.memory_space<vmem_shared>>) target_semaphore(%run_scoped3A : memref<!tpu.dma_semaphore, #tpu.memory_space<semaphore_mem>>)
      %dma_wait3A_186 = arith.constant 0 : i32
      %dma_wait3A_187 = arith.constant 0 : i32
      %dma_wait3A_188 = tpu.memref_slice %arg13[%dma_wait3A_186, %dma_wait3A_187] : memref<64x128xf32, #tpu.memory_space<vmem>> -> memref<48x128xf32, #tpu.memory_space<vmem>>
      %dma_wait3A_189 = arith.constant 0 : i32
      %dma_wait3A_190 = tpu.memref_slice %arg8[%add3A_37, %dma_wait3A_189] : memref<10008x128xf32, #tpu.memory_space<vmem_shared>> -> memref<48x128xf32, #tpu.memory_space<vmem_shared>>
      %dma_wait3A_191 = arith.constant 0 : i32
      %dma_wait3A_192 = tpu.memref_slice %arg8[%add3A_37, %dma_wait3A_191] : memref<10008x128xf32, #tpu.memory_space<vmem_shared>> -> memref<48x128xf32, #tpu.memory_space<vmem_shared>>
      %dma_wait3A_193 = arith.constant 0 : i32
      %dma_wait3A_194 = arith.constant 0 : i32
      %dma_wait3A_195 = tpu.memref_slice %arg13[%dma_wait3A_193, %dma_wait3A_194] : memref<64x128xf32, #tpu.memory_space<vmem>> -> memref<48x128xf32, #tpu.memory_space<vmem>>
      tpu.wait_dma2 semaphore(%run_scoped3A : memref<!tpu.dma_semaphore, #tpu.memory_space<semaphore_mem>>) src(%dma_wait3A_195 : memref<48x128xf32, #tpu.memory_space<vmem>>) dst(%dma_wait3A_192 : memref<48x128xf32, #tpu.memory_space<vmem_shared>>)
      tpu.yield
    }) : () -> ()
    %add3A_38 = arith.constant 528 : i32
    %add3A_39 = arith.addi %mul3A_0, %add3A_38 : i32
    "tpu.region"() ({
      %run_scoped3A = tpu.sem_alloc : memref<!tpu.dma_semaphore, #tpu.memory_space<semaphore_mem>>
      %dma_start3A_176 = arith.constant 0 : i32
      %dma_start3A_177 = arith.constant 0 : i32
      %dma_start3A_178 = tpu.memref_slice %arg13[%dma_start3A_176, %dma_start3A_177] : memref<64x128xf32, #tpu.memory_space<vmem>> -> memref<48x128xf32, #tpu.memory_space<vmem>>
      %dma_start3A_179 = arith.constant 0 : i32
      %dma_start3A_180 = tpu.memref_slice %arg8[%add3A_39, %dma_start3A_179] : memref<10008x128xf32, #tpu.memory_space<vmem_shared>> -> memref<48x128xf32, #tpu.memory_space<vmem_shared>>
      %dma_start3A_181 = arith.constant 0 : i32
      %dma_start3A_182 = tpu.memref_slice %arg8[%add3A_39, %dma_start3A_181] : memref<10008x128xf32, #tpu.memory_space<vmem_shared>> -> memref<48x128xf32, #tpu.memory_space<vmem_shared>>
      %dma_start3A_183 = arith.constant 0 : i32
      %dma_start3A_184 = arith.constant 0 : i32
      %dma_start3A_185 = tpu.memref_slice %arg13[%dma_start3A_183, %dma_start3A_184] : memref<64x128xf32, #tpu.memory_space<vmem>> -> memref<48x128xf32, #tpu.memory_space<vmem>>
      tpu.enqueue_dma source(%dma_start3A_185 : memref<48x128xf32, #tpu.memory_space<vmem>>) target(%dma_start3A_182 : memref<48x128xf32, #tpu.memory_space<vmem_shared>>) target_semaphore(%run_scoped3A : memref<!tpu.dma_semaphore, #tpu.memory_space<semaphore_mem>>)
      %dma_wait3A_186 = arith.constant 0 : i32
      %dma_wait3A_187 = arith.constant 0 : i32
      %dma_wait3A_188 = tpu.memref_slice %arg13[%dma_wait3A_186, %dma_wait3A_187] : memref<64x128xf32, #tpu.memory_space<vmem>> -> memref<48x128xf32, #tpu.memory_space<vmem>>
      %dma_wait3A_189 = arith.constant 0 : i32
      %dma_wait3A_190 = tpu.memref_slice %arg8[%add3A_39, %dma_wait3A_189] : memref<10008x128xf32, #tpu.memory_space<vmem_shared>> -> memref<48x128xf32, #tpu.memory_space<vmem_shared>>
      %dma_wait3A_191 = arith.constant 0 : i32
      %dma_wait3A_192 = tpu.memref_slice %arg8[%add3A_39, %dma_wait3A_191] : memref<10008x128xf32, #tpu.memory_space<vmem_shared>> -> memref<48x128xf32, #tpu.memory_space<vmem_shared>>
      %dma_wait3A_193 = arith.constant 0 : i32
      %dma_wait3A_194 = arith.constant 0 : i32
      %dma_wait3A_195 = tpu.memref_slice %arg13[%dma_wait3A_193, %dma_wait3A_194] : memref<64x128xf32, #tpu.memory_space<vmem>> -> memref<48x128xf32, #tpu.memory_space<vmem>>
      tpu.wait_dma2 semaphore(%run_scoped3A : memref<!tpu.dma_semaphore, #tpu.memory_space<semaphore_mem>>) src(%dma_wait3A_195 : memref<48x128xf32, #tpu.memory_space<vmem>>) dst(%dma_wait3A_192 : memref<48x128xf32, #tpu.memory_space<vmem_shared>>)
      tpu.yield
    }) : () -> ()
    %add3A_40 = arith.constant 576 : i32
    %add3A_41 = arith.addi %mul3A_0, %add3A_40 : i32
    "tpu.region"() ({
      %run_scoped3A = tpu.sem_alloc : memref<!tpu.dma_semaphore, #tpu.memory_space<semaphore_mem>>
      %dma_start3A_176 = arith.constant 0 : i32
      %dma_start3A_177 = arith.constant 0 : i32
      %dma_start3A_178 = tpu.memref_slice %arg13[%dma_start3A_176, %dma_start3A_177] : memref<64x128xf32, #tpu.memory_space<vmem>> -> memref<48x128xf32, #tpu.memory_space<vmem>>
      %dma_start3A_179 = arith.constant 0 : i32
      %dma_start3A_180 = tpu.memref_slice %arg8[%add3A_41, %dma_start3A_179] : memref<10008x128xf32, #tpu.memory_space<vmem_shared>> -> memref<48x128xf32, #tpu.memory_space<vmem_shared>>
      %dma_start3A_181 = arith.constant 0 : i32
      %dma_start3A_182 = tpu.memref_slice %arg8[%add3A_41, %dma_start3A_181] : memref<10008x128xf32, #tpu.memory_space<vmem_shared>> -> memref<48x128xf32, #tpu.memory_space<vmem_shared>>
      %dma_start3A_183 = arith.constant 0 : i32
      %dma_start3A_184 = arith.constant 0 : i32
      %dma_start3A_185 = tpu.memref_slice %arg13[%dma_start3A_183, %dma_start3A_184] : memref<64x128xf32, #tpu.memory_space<vmem>> -> memref<48x128xf32, #tpu.memory_space<vmem>>
      tpu.enqueue_dma source(%dma_start3A_185 : memref<48x128xf32, #tpu.memory_space<vmem>>) target(%dma_start3A_182 : memref<48x128xf32, #tpu.memory_space<vmem_shared>>) target_semaphore(%run_scoped3A : memref<!tpu.dma_semaphore, #tpu.memory_space<semaphore_mem>>)
      %dma_wait3A_186 = arith.constant 0 : i32
      %dma_wait3A_187 = arith.constant 0 : i32
      %dma_wait3A_188 = tpu.memref_slice %arg13[%dma_wait3A_186, %dma_wait3A_187] : memref<64x128xf32, #tpu.memory_space<vmem>> -> memref<48x128xf32, #tpu.memory_space<vmem>>
      %dma_wait3A_189 = arith.constant 0 : i32
      %dma_wait3A_190 = tpu.memref_slice %arg8[%add3A_41, %dma_wait3A_189] : memref<10008x128xf32, #tpu.memory_space<vmem_shared>> -> memref<48x128xf32, #tpu.memory_space<vmem_shared>>
      %dma_wait3A_191 = arith.constant 0 : i32
      %dma_wait3A_192 = tpu.memref_slice %arg8[%add3A_41, %dma_wait3A_191] : memref<10008x128xf32, #tpu.memory_space<vmem_shared>> -> memref<48x128xf32, #tpu.memory_space<vmem_shared>>
      %dma_wait3A_193 = arith.constant 0 : i32
      %dma_wait3A_194 = arith.constant 0 : i32
      %dma_wait3A_195 = tpu.memref_slice %arg13[%dma_wait3A_193, %dma_wait3A_194] : memref<64x128xf32, #tpu.memory_space<vmem>> -> memref<48x128xf32, #tpu.memory_space<vmem>>
      tpu.wait_dma2 semaphore(%run_scoped3A : memref<!tpu.dma_semaphore, #tpu.memory_space<semaphore_mem>>) src(%dma_wait3A_195 : memref<48x128xf32, #tpu.memory_space<vmem>>) dst(%dma_wait3A_192 : memref<48x128xf32, #tpu.memory_space<vmem_shared>>)
      tpu.yield
    }) : () -> ()
    %eq3A = arith.constant 15 : i32
    %eq3A_42 = arith.cmpi eq, %arg1, %eq3A : i32
    %convert_element_type3A = arith.extui %eq3A_42 : i1 to i32
    %cond3A = arith.constant 0 : i32
    %cond3A_43 = arith.cmpi ne, %convert_element_type3A, %cond3A : i32
    scf.if %cond3A_43 {
      "tpu.region"() ({
        %run_scoped3A = tpu.sem_alloc : memref<!tpu.dma_semaphore, #tpu.memory_space<semaphore_mem>>
        %dma_start3A_176 = arith.constant 0 : i32
        %dma_start3A_177 = arith.constant 0 : i32
        %dma_start3A_178 = tpu.memref_slice %arg13[%dma_start3A_176, %dma_start3A_177] : memref<64x128xf32, #tpu.memory_space<vmem>> -> memref<24x128xf32, #tpu.memory_space<vmem>>
        %dma_start3A_179 = arith.constant 9984 : i32
        %dma_start3A_180 = arith.constant 0 : i32
        %dma_start3A_181 = tpu.memref_slice %arg8[%dma_start3A_179, %dma_start3A_180] : memref<10008x128xf32, #tpu.memory_space<vmem_shared>> -> memref<24x128xf32, #tpu.memory_space<vmem_shared>>
        %dma_start3A_182 = arith.constant 9984 : i32
        %dma_start3A_183 = arith.constant 0 : i32
        %dma_start3A_184 = tpu.memref_slice %arg8[%dma_start3A_182, %dma_start3A_183] : memref<10008x128xf32, #tpu.memory_space<vmem_shared>> -> memref<24x128xf32, #tpu.memory_space<vmem_shared>>
        %dma_start3A_185 = arith.constant 0 : i32
        %dma_start3A_186 = arith.constant 0 : i32
        %dma_start3A_187 = tpu.memref_slice %arg13[%dma_start3A_185, %dma_start3A_186] : memref<64x128xf32, #tpu.memory_space<vmem>> -> memref<24x128xf32, #tpu.memory_space<vmem>>
        tpu.enqueue_dma source(%dma_start3A_187 : memref<24x128xf32, #tpu.memory_space<vmem>>) target(%dma_start3A_184 : memref<24x128xf32, #tpu.memory_space<vmem_shared>>) target_semaphore(%run_scoped3A : memref<!tpu.dma_semaphore, #tpu.memory_space<semaphore_mem>>)
        %dma_wait3A_188 = arith.constant 0 : i32
        %dma_wait3A_189 = arith.constant 0 : i32
        %dma_wait3A_190 = tpu.memref_slice %arg13[%dma_wait3A_188, %dma_wait3A_189] : memref<64x128xf32, #tpu.memory_space<vmem>> -> memref<24x128xf32, #tpu.memory_space<vmem>>
        %dma_wait3A_191 = arith.constant 9984 : i32
        %dma_wait3A_192 = arith.constant 0 : i32
        %dma_wait3A_193 = tpu.memref_slice %arg8[%dma_wait3A_191, %dma_wait3A_192] : memref<10008x128xf32, #tpu.memory_space<vmem_shared>> -> memref<24x128xf32, #tpu.memory_space<vmem_shared>>
        %dma_wait3A_194 = arith.constant 9984 : i32
        %dma_wait3A_195 = arith.constant 0 : i32
        %dma_wait3A_196 = tpu.memref_slice %arg8[%dma_wait3A_194, %dma_wait3A_195] : memref<10008x128xf32, #tpu.memory_space<vmem_shared>> -> memref<24x128xf32, #tpu.memory_space<vmem_shared>>
        %dma_wait3A_197 = arith.constant 0 : i32
        %dma_wait3A_198 = arith.constant 0 : i32
        %dma_wait3A_199 = tpu.memref_slice %arg13[%dma_wait3A_197, %dma_wait3A_198] : memref<64x128xf32, #tpu.memory_space<vmem>> -> memref<24x128xf32, #tpu.memory_space<vmem>>
        tpu.wait_dma2 semaphore(%run_scoped3A : memref<!tpu.dma_semaphore, #tpu.memory_space<semaphore_mem>>) src(%dma_wait3A_199 : memref<24x128xf32, #tpu.memory_space<vmem>>) dst(%dma_wait3A_196 : memref<24x128xf32, #tpu.memory_space<vmem_shared>>)
        tpu.yield
      }) : () -> ()
    } else {
    }
    %barrier3A = arith.constant 0 : index
    tpu.barrier barrier_id(%barrier3A)
    %mul3A_44 = arith.constant 2048 : i32
    %mul3A_45 = arith.muli %arg1, %mul3A_44 : i32
    %dma_start3A = arith.constant 0 : i32
    %dma_start3A_46 = tpu.memref_slice %arg2[%dma_start3A, %mul3A_45] : memref<2x655360xi32, #tpu.memory_space<hbm>> -> memref<1x2048xi32, #tpu.memory_space<hbm>>
    %dma_start3A_47 = tpu.memref_squeeze %dma_start3A_46 : memref<1x2048xi32, #tpu.memory_space<hbm>> -> memref<2048xi32, #tpu.memory_space<hbm>>
    %dma_start3A_48 = tpu.memref_slice %arg2[%dma_start3A, %mul3A_45] : memref<2x655360xi32, #tpu.memory_space<hbm>> -> memref<1x2048xi32, #tpu.memory_space<hbm>>
    %dma_start3A_49 = tpu.memref_squeeze %dma_start3A_48 : memref<1x2048xi32, #tpu.memory_space<hbm>> -> memref<2048xi32, #tpu.memory_space<hbm>>
    tpu.enqueue_dma source(%dma_start3A_49 : memref<2048xi32, #tpu.memory_space<hbm>>) target(%arg11 : memref<2048xi32, #tpu.memory_space<vmem>>) target_semaphore(%arg19 : memref<!tpu.dma_semaphore, #tpu.memory_space<semaphore_mem>>)
    %mul3A_50 = arith.constant 2048 : i32
    %mul3A_51 = arith.muli %arg1, %mul3A_50 : i32
    %dma_start3A_52 = arith.constant 1 : i32
    %dma_start3A_53 = tpu.memref_slice %arg2[%dma_start3A_52, %mul3A_51] : memref<2x655360xi32, #tpu.memory_space<hbm>> -> memref<1x2048xi32, #tpu.memory_space<hbm>>
    %dma_start3A_54 = tpu.memref_squeeze %dma_start3A_53 : memref<1x2048xi32, #tpu.memory_space<hbm>> -> memref<2048xi32, #tpu.memory_space<hbm>>
    %dma_start3A_55 = tpu.memref_slice %arg2[%dma_start3A_52, %mul3A_51] : memref<2x655360xi32, #tpu.memory_space<hbm>> -> memref<1x2048xi32, #tpu.memory_space<hbm>>
    %dma_start3A_56 = tpu.memref_squeeze %dma_start3A_55 : memref<1x2048xi32, #tpu.memory_space<hbm>> -> memref<2048xi32, #tpu.memory_space<hbm>>
    tpu.enqueue_dma source(%dma_start3A_56 : memref<2048xi32, #tpu.memory_space<hbm>>) target(%arg12 : memref<2048xi32, #tpu.memory_space<vmem>>) target_semaphore(%arg19 : memref<!tpu.dma_semaphore, #tpu.memory_space<semaphore_mem>>)
    %scan3A_57 = arith.constant 0 : i32
    %scan3A_58 = arith.constant 0 : i32
    %scan3A_59 = arith.constant 160 : i32
    %scan3A_60 = arith.addi %scan3A_58, %scan3A_59 : i32
    %scan3A_61 = arith.constant 1 : i32
    %scan3A_62 = scf.for %scan3A_176 = %scan3A_58 to %scan3A_60 step %scan3A_61 iter_args(%scan3A_177 = %scan3A_57) -> (i32)  : i32 {
      %jit3A = arith.constant 8 : i32
      %div3A = arith.divsi %scan3A_176, %jit3A : i32
      %sign3A = arith.constant 0 : i32
      %sign3A_178 = arith.cmpi sgt, %scan3A_176, %sign3A : i32
      %sign3A_179 = arith.extui %sign3A_178 : i1 to i32
      %sign3A_180 = arith.constant 0 : i32
      %sign3A_181 = arith.cmpi slt, %scan3A_176, %sign3A_180 : i32
      %sign3A_182 = arith.extui %sign3A_181 : i1 to i32
      %sign3A_183 = arith.subi %sign3A_179, %sign3A_182 : i32
      %sign3A_184 = arith.constant 0 : i32
      %sign3A_185 = arith.cmpi sgt, %jit3A, %sign3A_184 : i32
      %sign3A_186 = arith.extui %sign3A_185 : i1 to i32
      %sign3A_187 = arith.constant 0 : i32
      %sign3A_188 = arith.cmpi slt, %jit3A, %sign3A_187 : i32
      %sign3A_189 = arith.extui %sign3A_188 : i1 to i32
      %sign3A_190 = arith.subi %sign3A_186, %sign3A_189 : i32
      %ne3A = arith.cmpi ne, %sign3A_183, %sign3A_190 : i32
      %rem3A = arith.remsi %scan3A_176, %jit3A : i32
      %ne3A_191 = arith.constant 0 : i32
      %ne3A_192 = arith.cmpi ne, %rem3A, %ne3A_191 : i32
      %and3A = arith.andi %ne3A, %ne3A_192 : i1
      %sub3A = arith.constant 1 : i32
      %sub3A_193 = arith.subi %div3A, %sub3A : i32
      %select_n3A = arith.select %and3A, %sub3A_193, %div3A : i32
      %jit3A_194 = arith.constant 2 : i32
      %eq3A_195 = arith.constant 0 : i32
      %eq3A_196 = arith.cmpi eq, %jit3A_194, %eq3A_195 : i32
      %jit3A_197 = arith.constant 1 : i32
      %select_n3A_198 = arith.select %eq3A_196, %jit3A_197, %jit3A_194 : i32
      %rem3A_199 = arith.remsi %select_n3A, %select_n3A_198 : i32
      %ne3A_200 = arith.constant 0 : i32
      %ne3A_201 = arith.cmpi ne, %rem3A_199, %ne3A_200 : i32
      %lt3A = arith.constant 0 : i32
      %lt3A_202 = arith.cmpi slt, %rem3A_199, %lt3A : i32
      %lt3A_203 = arith.constant 0 : i32
      %lt3A_204 = arith.cmpi slt, %select_n3A_198, %lt3A_203 : i32
      %ne3A_205 = arith.xori %lt3A_202, %lt3A_204 : i1
      %and3A_206 = arith.andi %ne3A_205, %ne3A_201 : i1
      %add3A_207 = arith.addi %rem3A_199, %select_n3A_198 : i32
      %select_n3A_208 = arith.select %and3A_206, %add3A_207, %rem3A_199 : i32
      %mul3A_209 = arith.constant 16 : i32
      %mul3A_210 = arith.muli %select_n3A_208, %mul3A_209 : i32
      %jit3A_211 = arith.constant 8 : i32
      %eq3A_212 = arith.constant 0 : i32
      %eq3A_213 = arith.cmpi eq, %jit3A_211, %eq3A_212 : i32
      %jit3A_214 = arith.constant 1 : i32
      %select_n3A_215 = arith.select %eq3A_213, %jit3A_214, %jit3A_211 : i32
      %rem3A_216 = arith.remsi %scan3A_176, %select_n3A_215 : i32
      %ne3A_217 = arith.constant 0 : i32
      %ne3A_218 = arith.cmpi ne, %rem3A_216, %ne3A_217 : i32
      %lt3A_219 = arith.constant 0 : i32
      %lt3A_220 = arith.cmpi slt, %rem3A_216, %lt3A_219 : i32
      %lt3A_221 = arith.constant 0 : i32
      %lt3A_222 = arith.cmpi slt, %select_n3A_215, %lt3A_221 : i32
      %ne3A_223 = arith.xori %lt3A_220, %lt3A_222 : i1
      %and3A_224 = arith.andi %ne3A_223, %ne3A_218 : i1
      %add3A_225 = arith.addi %rem3A_216, %select_n3A_215 : i32
      %select_n3A_226 = arith.select %and3A_224, %add3A_225, %rem3A_216 : i32
      %mul3A_227 = arith.constant 2 : i32
      %mul3A_228 = arith.muli %mul3A_227, %select_n3A_226 : i32
      %add3A_229 = arith.addi %mul3A_210, %mul3A_228 : i32
      %jit3A_230 = arith.constant 8 : i32
      %eq3A_231 = arith.constant 0 : i32
      %eq3A_232 = arith.cmpi eq, %jit3A_230, %eq3A_231 : i32
      %jit3A_233 = arith.constant 1 : i32
      %select_n3A_234 = arith.select %eq3A_232, %jit3A_233, %jit3A_230 : i32
      %rem3A_235 = arith.remsi %scan3A_176, %select_n3A_234 : i32
      %ne3A_236 = arith.constant 0 : i32
      %ne3A_237 = arith.cmpi ne, %rem3A_235, %ne3A_236 : i32
      %lt3A_238 = arith.constant 0 : i32
      %lt3A_239 = arith.cmpi slt, %rem3A_235, %lt3A_238 : i32
      %lt3A_240 = arith.constant 0 : i32
      %lt3A_241 = arith.cmpi slt, %select_n3A_234, %lt3A_240 : i32
      %ne3A_242 = arith.xori %lt3A_239, %lt3A_241 : i1
      %and3A_243 = arith.andi %ne3A_242, %ne3A_237 : i1
      %add3A_244 = arith.addi %rem3A_235, %select_n3A_234 : i32
      %select_n3A_245 = arith.select %and3A_243, %add3A_244, %rem3A_235 : i32
      %eq3A_246 = arith.constant 0 : i32
      %eq3A_247 = arith.cmpi eq, %select_n3A_245, %eq3A_246 : i32
      %convert_element_type3A_248 = arith.extui %eq3A_247 : i1 to i32
      %cond3A_249 = arith.constant 0 : i32
      %cond3A_250 = arith.cmpi ne, %convert_element_type3A_248, %cond3A_249 : i32
      scf.if %cond3A_250 {
        %dma_wait3A_301 = arith.constant 1 : i32
        %dma_wait3A_302 = arith.constant 0 : i32
        %dma_wait3A_303 = tpu.memref_slice %arg2[%dma_wait3A_301, %dma_wait3A_302] : memref<2x655360xi32, #tpu.memory_space<hbm>> -> memref<1x2048xi32, #tpu.memory_space<hbm>>
        %dma_wait3A_304 = tpu.memref_squeeze %dma_wait3A_303 : memref<1x2048xi32, #tpu.memory_space<hbm>> -> memref<2048xi32, #tpu.memory_space<hbm>>
        %dma_wait3A_305 = arith.constant 0 : i32
        %dma_wait3A_306 = tpu.memref_slice %arg2[%dma_wait3A_301, %dma_wait3A_305] : memref<2x655360xi32, #tpu.memory_space<hbm>> -> memref<1x2048xi32, #tpu.memory_space<hbm>>
        %dma_wait3A_307 = tpu.memref_squeeze %dma_wait3A_306 : memref<1x2048xi32, #tpu.memory_space<hbm>> -> memref<2048xi32, #tpu.memory_space<hbm>>
        tpu.wait_dma2 semaphore(%arg19 : memref<!tpu.dma_semaphore, #tpu.memory_space<semaphore_mem>>) src(%dma_wait3A_307 : memref<2048xi32, #tpu.memory_space<hbm>>) dst(%arg12 : memref<2048xi32, #tpu.memory_space<vmem>>)
        %dma_wait3A_308 = arith.constant 1 : i32
        %dma_wait3A_309 = arith.constant 0 : i32
        %dma_wait3A_310 = tpu.memref_slice %arg2[%dma_wait3A_308, %dma_wait3A_309] : memref<2x655360xi32, #tpu.memory_space<hbm>> -> memref<1x2048xi32, #tpu.memory_space<hbm>>
        %dma_wait3A_311 = tpu.memref_squeeze %dma_wait3A_310 : memref<1x2048xi32, #tpu.memory_space<hbm>> -> memref<2048xi32, #tpu.memory_space<hbm>>
        %dma_wait3A_312 = arith.constant 0 : i32
        %dma_wait3A_313 = tpu.memref_slice %arg2[%dma_wait3A_308, %dma_wait3A_312] : memref<2x655360xi32, #tpu.memory_space<hbm>> -> memref<1x2048xi32, #tpu.memory_space<hbm>>
        %dma_wait3A_314 = tpu.memref_squeeze %dma_wait3A_313 : memref<1x2048xi32, #tpu.memory_space<hbm>> -> memref<2048xi32, #tpu.memory_space<hbm>>
        tpu.wait_dma2 semaphore(%arg19 : memref<!tpu.dma_semaphore, #tpu.memory_space<semaphore_mem>>) src(%dma_wait3A_314 : memref<2048xi32, #tpu.memory_space<hbm>>) dst(%arg12 : memref<2048xi32, #tpu.memory_space<vmem>>)
        %iota3A = tpu.iota {dimensions = array<i32: 0>} : vector<16xi32>
        %lt3A_315 = arith.constant 8 : i32
        %lt3A_316 = vector.broadcast %lt3A_315 : i32 to vector<16xi32>
        %lt3A_317 = arith.cmpi slt, %iota3A, %lt3A_316 : vector<16xi32>
        %mul3A_318 = arith.constant 2 : i32
        %mul3A_319 = vector.broadcast %mul3A_318 : i32 to vector<16xi32>
        %mul3A_320 = arith.muli %mul3A_319, %iota3A : vector<16xi32>
        %mul3A_321 = arith.constant 2 : i32
        %mul3A_322 = vector.broadcast %mul3A_321 : i32 to vector<16xi32>
        %mul3A_323 = arith.muli %mul3A_322, %iota3A : vector<16xi32>
        %sub3A_324 = arith.constant 16 : i32
        %sub3A_325 = vector.broadcast %sub3A_324 : i32 to vector<16xi32>
        %sub3A_326 = arith.subi %mul3A_323, %sub3A_325 : vector<16xi32>
        %select_n3A_327 = arith.select %lt3A_317, %mul3A_320, %sub3A_326 : vector<16xi1>, vector<16xi32>
        %scan3A_328 = arith.constant 0 : i32
        %scan3A_329 = arith.constant 0 : i32
        %scan3A_330 = arith.constant 64 : i32
        %scan3A_331 = arith.addi %scan3A_329, %scan3A_330 : i32
        %scan3A_332 = arith.constant 1 : i32
        %scan3A_333 = scf.for %scan3A_340 = %scan3A_329 to %scan3A_331 step %scan3A_332 iter_args(%scan3A_341 = %scan3A_328) -> (i32)  : i32 {
          %jit3A_342 = arith.constant 4 : i32
          %div3A_343 = arith.divsi %scan3A_340, %jit3A_342 : i32
          %sign3A_344 = arith.constant 0 : i32
          %sign3A_345 = arith.cmpi sgt, %scan3A_340, %sign3A_344 : i32
          %sign3A_346 = arith.extui %sign3A_345 : i1 to i32
          %sign3A_347 = arith.constant 0 : i32
          %sign3A_348 = arith.cmpi slt, %scan3A_340, %sign3A_347 : i32
          %sign3A_349 = arith.extui %sign3A_348 : i1 to i32
          %sign3A_350 = arith.subi %sign3A_346, %sign3A_349 : i32
          %sign3A_351 = arith.constant 0 : i32
          %sign3A_352 = arith.cmpi sgt, %jit3A_342, %sign3A_351 : i32
          %sign3A_353 = arith.extui %sign3A_352 : i1 to i32
          %sign3A_354 = arith.constant 0 : i32
          %sign3A_355 = arith.cmpi slt, %jit3A_342, %sign3A_354 : i32
          %sign3A_356 = arith.extui %sign3A_355 : i1 to i32
          %sign3A_357 = arith.subi %sign3A_353, %sign3A_356 : i32
          %ne3A_358 = arith.cmpi ne, %sign3A_350, %sign3A_357 : i32
          %rem3A_359 = arith.remsi %scan3A_340, %jit3A_342 : i32
          %ne3A_360 = arith.constant 0 : i32
          %ne3A_361 = arith.cmpi ne, %rem3A_359, %ne3A_360 : i32
          %and3A_362 = arith.andi %ne3A_358, %ne3A_361 : i1
          %sub3A_363 = arith.constant 1 : i32
          %sub3A_364 = arith.subi %div3A_343, %sub3A_363 : i32
          %select_n3A_365 = arith.select %and3A_362, %sub3A_364, %div3A_343 : i32
          %jit3A_366 = arith.constant 4 : i32
          %eq3A_367 = arith.constant 0 : i32
          %eq3A_368 = arith.cmpi eq, %jit3A_366, %eq3A_367 : i32
          %jit3A_369 = arith.constant 1 : i32
          %select_n3A_370 = arith.select %eq3A_368, %jit3A_369, %jit3A_366 : i32
          %rem3A_371 = arith.remsi %scan3A_340, %select_n3A_370 : i32
          %ne3A_372 = arith.constant 0 : i32
          %ne3A_373 = arith.cmpi ne, %rem3A_371, %ne3A_372 : i32
          %lt3A_374 = arith.constant 0 : i32
          %lt3A_375 = arith.cmpi slt, %rem3A_371, %lt3A_374 : i32
          %lt3A_376 = arith.constant 0 : i32
          %lt3A_377 = arith.cmpi slt, %select_n3A_370, %lt3A_376 : i32
          %ne3A_378 = arith.xori %lt3A_375, %lt3A_377 : i1
          %and3A_379 = arith.andi %ne3A_378, %ne3A_373 : i1
          %add3A_380 = arith.addi %rem3A_371, %select_n3A_370 : i32
          %select_n3A_381 = arith.select %and3A_379, %add3A_380, %rem3A_371 : i32
          %mul3A_382 = arith.constant 32 : i32
          %mul3A_383 = arith.muli %scan3A_340, %mul3A_382 : i32
          %get3A = arith.index_cast %mul3A_383 : i32 to index
          %get3A_384 = tpu.vector_load %arg12[%get3A] {strides = array<i32>} : memref<2048xi32, #tpu.memory_space<vmem>>, vector<16xi32>,
          %get3A_385 = vector.shape_cast %get3A_384 : vector<16xi32> to vector<16xi32>
          %mul3A_386 = arith.constant 32 : i32
          %mul3A_387 = arith.muli %scan3A_340, %mul3A_386 : i32
          %add3A_388 = arith.constant 16 : i32
          %add3A_389 = arith.addi %mul3A_387, %add3A_388 : i32
          %get3A_390 = arith.index_cast %add3A_389 : i32 to index
          %get3A_391 = tpu.vector_load %arg12[%get3A_390] {strides = array<i32>} : memref<2048xi32, #tpu.memory_space<vmem>>, vector<16xi32>,
          %get3A_392 = vector.shape_cast %get3A_391 : vector<16xi32> to vector<16xi32>
          %add3A_393 = arith.constant 0 : i32
          %add3A_394 = vector.broadcast %add3A_393 : i32 to vector<16xi32>
          %add3A_395 = arith.addi %select_n3A_327, %add3A_394 : vector<16xi32>
          %lt3A_396 = arith.constant 8 : i32
          %lt3A_397 = vector.broadcast %lt3A_396 : i32 to vector<16xi32>
          %lt3A_398 = arith.cmpi slt, %iota3A, %lt3A_397 : vector<16xi32>
          %broadcast_in_dim3A_399 = vector.shape_cast %add3A_395 : vector<16xi32> to vector<16x1xi32>
          %gather3A = vector.shape_cast %broadcast_in_dim3A_399 : vector<16x1xi32> to vector<16xi32>
          %gather3A_400 = tpu.dynamic_gather %get3A_385[%gather3A] in [0] : vector<16xi32>, vector<16xi32> -> vector<16xi32>
          %broadcast_in_dim3A_401 = vector.shape_cast %add3A_395 : vector<16xi32> to vector<16x1xi32>
          %gather3A_402 = vector.shape_cast %broadcast_in_dim3A_401 : vector<16x1xi32> to vector<16xi32>
          %gather3A_403 = tpu.dynamic_gather %get3A_392[%gather3A_402] in [0] : vector<16xi32>, vector<16xi32> -> vector<16xi32>
          %select_n3A_404 = arith.select %lt3A_398, %gather3A_400, %gather3A_403 : vector<16xi1>, vector<16xi32>
          %add3A_405 = arith.addi %mul3A_210, %select_n3A_365 : i32
          %mul3A_406 = arith.constant 16 : i32
          %mul3A_407 = arith.muli %select_n3A_381, %mul3A_406 : i32
          %swap3A = arith.index_cast %add3A_405 : i32 to index
          %swap3A_408 = arith.index_cast %mul3A_407 : i32 to index
          %swap3A_409 = tpu.vector_load %arg10[%swap3A, %swap3A_408] {strides = array<i32>} : memref<32x64xi32, #tpu.memory_space<vmem>>, vector<1x16xi32>,
          %swap3A_410 = vector.shape_cast %swap3A_409 : vector<1x16xi32> to vector<16xi32>
          %swap3A_411 = vector.shape_cast %select_n3A_404 : vector<16xi32> to vector<1x16xi32>
          tpu.vector_store %arg10[%swap3A, %swap3A_408], %swap3A_411 {strides = array<i32>} : memref<32x64xi32, #tpu.memory_space<vmem>>, vector<1x16xi32>,
          %mul3A_412 = arith.constant 32 : i32
          %mul3A_413 = arith.muli %scan3A_340, %mul3A_412 : i32
          %get3A_414 = arith.index_cast %mul3A_413 : i32 to index
          %get3A_415 = tpu.vector_load %arg11[%get3A_414] {strides = array<i32>} : memref<2048xi32, #tpu.memory_space<vmem>>, vector<16xi32>,
          %get3A_416 = vector.shape_cast %get3A_415 : vector<16xi32> to vector<16xi32>
          %mul3A_417 = arith.constant 32 : i32
          %mul3A_418 = arith.muli %scan3A_340, %mul3A_417 : i32
          %add3A_419 = arith.constant 16 : i32
          %add3A_420 = arith.addi %mul3A_418, %add3A_419 : i32
          %get3A_421 = arith.index_cast %add3A_420 : i32 to index
          %get3A_422 = tpu.vector_load %arg11[%get3A_421] {strides = array<i32>} : memref<2048xi32, #tpu.memory_space<vmem>>, vector<16xi32>,
          %get3A_423 = vector.shape_cast %get3A_422 : vector<16xi32> to vector<16xi32>
          %add3A_424 = vector.broadcast %arg0 : i32 to vector<16xi32>
          %add3A_425 = arith.addi %select_n3A_327, %add3A_424 : vector<16xi32>
          %lt3A_426 = arith.constant 8 : i32
          %lt3A_427 = vector.broadcast %lt3A_426 : i32 to vector<16xi32>
          %lt3A_428 = arith.cmpi slt, %iota3A, %lt3A_427 : vector<16xi32>
          %broadcast_in_dim3A_429 = vector.shape_cast %add3A_425 : vector<16xi32> to vector<16x1xi32>
          %gather3A_430 = vector.shape_cast %broadcast_in_dim3A_429 : vector<16x1xi32> to vector<16xi32>
          %gather3A_431 = tpu.dynamic_gather %get3A_416[%gather3A_430] in [0] : vector<16xi32>, vector<16xi32> -> vector<16xi32>
          %broadcast_in_dim3A_432 = vector.shape_cast %add3A_425 : vector<16xi32> to vector<16x1xi32>
          %gather3A_433 = vector.shape_cast %broadcast_in_dim3A_432 : vector<16x1xi32> to vector<16xi32>
          %gather3A_434 = tpu.dynamic_gather %get3A_423[%gather3A_433] in [0] : vector<16xi32>, vector<16xi32> -> vector<16xi32>
          %select_n3A_435 = arith.select %lt3A_428, %gather3A_431, %gather3A_434 : vector<16xi1>, vector<16xi32>
          %add3A_436 = arith.addi %mul3A_210, %select_n3A_365 : i32
          %mul3A_437 = arith.constant 16 : i32
          %mul3A_438 = arith.muli %select_n3A_381, %mul3A_437 : i32
          %swap3A_439 = arith.index_cast %add3A_436 : i32 to index
          %swap3A_440 = arith.index_cast %mul3A_438 : i32 to index
          %swap3A_441 = tpu.vector_load %arg9[%swap3A_439, %swap3A_440] {strides = array<i32>} : memref<32x64xi32, #tpu.memory_space<vmem>>, vector<1x16xi32>,
          %swap3A_442 = vector.shape_cast %swap3A_441 : vector<1x16xi32> to vector<16xi32>
          %swap3A_443 = vector.shape_cast %select_n3A_435 : vector<16xi32> to vector<1x16xi32>
          tpu.vector_store %arg9[%swap3A_439, %swap3A_440], %swap3A_443 {strides = array<i32>} : memref<32x64xi32, #tpu.memory_space<vmem>>, vector<1x16xi32>,
          %scan3A_444 = arith.constant 0 : i32
          scf.yield %scan3A_444 : i32
        }
        %scan3A_334 = arith.constant 64 : i32
        %lt3A_335 = arith.constant 19 : i32
        %lt3A_336 = arith.cmpi slt, %select_n3A, %lt3A_335 : i32
        %convert_element_type3A_337 = arith.extui %lt3A_336 : i1 to i32
        %cond3A_338 = arith.constant 0 : i32
        %cond3A_339 = arith.cmpi ne, %convert_element_type3A_337, %cond3A_338 : i32
        scf.if %cond3A_339 {
          %add3A_340 = arith.constant 1 : i32
          %add3A_341 = arith.addi %select_n3A, %add3A_340 : i32
          %mul3A_342 = arith.constant 16 : i32
          %mul3A_343 = arith.muli %mul3A_342, %add3A_341 : i32
          %add3A_344 = arith.addi %arg1, %mul3A_343 : i32
          %mul3A_345 = arith.constant 2048 : i32
          %mul3A_346 = arith.muli %add3A_344, %mul3A_345 : i32
          %dma_start3A_347 = arith.constant 0 : i32
          %dma_start3A_348 = tpu.memref_slice %arg2[%dma_start3A_347, %mul3A_346] : memref<2x655360xi32, #tpu.memory_space<hbm>> -> memref<1x2048xi32, #tpu.memory_space<hbm>>
          %dma_start3A_349 = tpu.memref_squeeze %dma_start3A_348 : memref<1x2048xi32, #tpu.memory_space<hbm>> -> memref<2048xi32, #tpu.memory_space<hbm>>
          %dma_start3A_350 = tpu.memref_slice %arg2[%dma_start3A_347, %mul3A_346] : memref<2x655360xi32, #tpu.memory_space<hbm>> -> memref<1x2048xi32, #tpu.memory_space<hbm>>
          %dma_start3A_351 = tpu.memref_squeeze %dma_start3A_350 : memref<1x2048xi32, #tpu.memory_space<hbm>> -> memref<2048xi32, #tpu.memory_space<hbm>>
          tpu.enqueue_dma source(%dma_start3A_351 : memref<2048xi32, #tpu.memory_space<hbm>>) target(%arg11 : memref<2048xi32, #tpu.memory_space<vmem>>) target_semaphore(%arg19 : memref<!tpu.dma_semaphore, #tpu.memory_space<semaphore_mem>>)
          %mul3A_352 = arith.constant 2048 : i32
          %mul3A_353 = arith.muli %add3A_344, %mul3A_352 : i32
          %dma_start3A_354 = arith.constant 1 : i32
          %dma_start3A_355 = tpu.memref_slice %arg2[%dma_start3A_354, %mul3A_353] : memref<2x655360xi32, #tpu.memory_space<hbm>> -> memref<1x2048xi32, #tpu.memory_space<hbm>>
          %dma_start3A_356 = tpu.memref_squeeze %dma_start3A_355 : memref<1x2048xi32, #tpu.memory_space<hbm>> -> memref<2048xi32, #tpu.memory_space<hbm>>
          %dma_start3A_357 = tpu.memref_slice %arg2[%dma_start3A_354, %mul3A_353] : memref<2x655360xi32, #tpu.memory_space<hbm>> -> memref<1x2048xi32, #tpu.memory_space<hbm>>
          %dma_start3A_358 = tpu.memref_squeeze %dma_start3A_357 : memref<1x2048xi32, #tpu.memory_space<hbm>> -> memref<2048xi32, #tpu.memory_space<hbm>>
          tpu.enqueue_dma source(%dma_start3A_358 : memref<2048xi32, #tpu.memory_space<hbm>>) target(%arg12 : memref<2048xi32, #tpu.memory_space<vmem>>) target_semaphore(%arg19 : memref<!tpu.dma_semaphore, #tpu.memory_space<semaphore_mem>>)
        } else {
        }
      } else {
      }
      %gt3A = arith.constant 0 : i32
      %gt3A_251 = arith.cmpi sgt, %scan3A_176, %gt3A : i32
      %convert_element_type3A_252 = arith.extui %gt3A_251 : i1 to i32
      %cond3A_253 = arith.constant 0 : i32
      %cond3A_254 = arith.cmpi ne, %convert_element_type3A_252, %cond3A_253 : i32
      scf.if %cond3A_254 {
        %dma_wait3A_301 = arith.constant 0 : i32
        %dma_wait3A_302 = tpu.memref_slice %arg10[%add3A_229, %dma_wait3A_301] : memref<32x64xi32, #tpu.memory_space<vmem>> -> memref<1x64xi32, #tpu.memory_space<vmem>>
        %dma_wait3A_303 = tpu.memref_squeeze %dma_wait3A_302 : memref<1x64xi32, #tpu.memory_space<vmem>> -> memref<64xi32, #tpu.memory_space<vmem>>
        %dma_wait3A_304 = arith.constant 0 : i32
        %dma_wait3A_305 = arith.constant 0 : i32
        %dma_wait3A_306 = tpu.memref_slice %arg8[%dma_wait3A_304, %dma_wait3A_305] : memref<10008x128xf32, #tpu.memory_space<vmem_shared>> -> memref<10008x128xf32, #tpu.memory_space<vmem_shared>>
        tpu.wait_indirect_dma semaphore(%arg17 : memref<!tpu.dma_semaphore, #tpu.memory_space<semaphore_mem>>) src(%arg13 : memref<64x128xf32, #tpu.memory_space<vmem>>) dst(%dma_wait3A_306 : memref<10008x128xf32, #tpu.memory_space<vmem_shared>>)
      } else {
      }
      %dma_start3A_255 = arith.constant 0 : i32
      %dma_start3A_256 = tpu.memref_slice %arg9[%add3A_229, %dma_start3A_255] : memref<32x64xi32, #tpu.memory_space<vmem>> -> memref<1x64xi32, #tpu.memory_space<vmem>>
      %dma_start3A_257 = tpu.memref_squeeze %dma_start3A_256 : memref<1x64xi32, #tpu.memory_space<vmem>> -> memref<64xi32, #tpu.memory_space<vmem>>
      %dma_start3A_258 = arith.constant 0 : i32
      %dma_start3A_259 = arith.constant 0 : i32
      %dma_start3A_260 = tpu.memref_slice %arg3[%dma_start3A_258, %dma_start3A_259] : memref<10000x128xf32, #tpu.memory_space<hbm>> -> memref<10000x128xf32, #tpu.memory_space<hbm>>
      tpu.enqueue_indirect_dma source(%dma_start3A_260 : memref<10000x128xf32, #tpu.memory_space<hbm>>) target(%arg13 : memref<64x128xf32, #tpu.memory_space<vmem>>) offsets(%dma_start3A_257 : memref<64xi32, #tpu.memory_space<vmem>>) semaphore(%arg15 : memref<!tpu.dma_semaphore, #tpu.memory_space<semaphore_mem>>)
      %gt3A_261 = arith.constant 0 : i32
      %gt3A_262 = arith.cmpi sgt, %scan3A_176, %gt3A_261 : i32
      %convert_element_type3A_263 = arith.extui %gt3A_262 : i1 to i32
      %cond3A_264 = arith.constant 0 : i32
      %cond3A_265 = arith.cmpi ne, %convert_element_type3A_263, %cond3A_264 : i32
      scf.if %cond3A_265 {
        %add3A_301 = arith.constant 1 : i32
        %add3A_302 = arith.addi %add3A_229, %add3A_301 : i32
        %dma_wait3A_303 = arith.constant 0 : i32
        %dma_wait3A_304 = tpu.memref_slice %arg10[%add3A_302, %dma_wait3A_303] : memref<32x64xi32, #tpu.memory_space<vmem>> -> memref<1x64xi32, #tpu.memory_space<vmem>>
        %dma_wait3A_305 = tpu.memref_squeeze %dma_wait3A_304 : memref<1x64xi32, #tpu.memory_space<vmem>> -> memref<64xi32, #tpu.memory_space<vmem>>
        %dma_wait3A_306 = arith.constant 0 : i32
        %dma_wait3A_307 = arith.constant 0 : i32
        %dma_wait3A_308 = tpu.memref_slice %arg8[%dma_wait3A_306, %dma_wait3A_307] : memref<10008x128xf32, #tpu.memory_space<vmem_shared>> -> memref<10008x128xf32, #tpu.memory_space<vmem_shared>>
        tpu.wait_indirect_dma semaphore(%arg18 : memref<!tpu.dma_semaphore, #tpu.memory_space<semaphore_mem>>) src(%arg14 : memref<64x128xf32, #tpu.memory_space<vmem>>) dst(%dma_wait3A_308 : memref<10008x128xf32, #tpu.memory_space<vmem_shared>>)
      } else {
      }
      %add3A_266 = arith.constant 1 : i32
      %add3A_267 = arith.addi %add3A_229, %add3A_266 : i32
      %dma_start3A_268 = arith.constant 0 : i32
      %dma_start3A_269 = tpu.memref_slice %arg9[%add3A_267, %dma_start3A_268] : memref<32x64xi32, #tpu.memory_space<vmem>> -> memref<1x64xi32, #tpu.memory_space<vmem>>
      %dma_start3A_270 = tpu.memref_squeeze %dma_start3A_269 : memref<1x64xi32, #tpu.memory_space<vmem>> -> memref<64xi32, #tpu.memory_space<vmem>>
      %dma_start3A_271 = arith.constant 0 : i32
      %dma_start3A_272 = arith.constant 0 : i32
      %dma_start3A_273 = tpu.memref_slice %arg3[%dma_start3A_271, %dma_start3A_272] : memref<10000x128xf32, #tpu.memory_space<hbm>> -> memref<10000x128xf32, #tpu.memory_space<hbm>>
      tpu.enqueue_indirect_dma source(%dma_start3A_273 : memref<10000x128xf32, #tpu.memory_space<hbm>>) target(%arg14 : memref<64x128xf32, #tpu.memory_space<vmem>>) offsets(%dma_start3A_270 : memref<64xi32, #tpu.memory_space<vmem>>) semaphore(%arg16 : memref<!tpu.dma_semaphore, #tpu.memory_space<semaphore_mem>>)
      %dma_wait3A_274 = arith.constant 0 : i32
      %dma_wait3A_275 = tpu.memref_slice %arg9[%add3A_229, %dma_wait3A_274] : memref<32x64xi32, #tpu.memory_space<vmem>> -> memref<1x64xi32, #tpu.memory_space<vmem>>
      %dma_wait3A_276 = tpu.memref_squeeze %dma_wait3A_275 : memref<1x64xi32, #tpu.memory_space<vmem>> -> memref<64xi32, #tpu.memory_space<vmem>>
      %dma_wait3A_277 = arith.constant 0 : i32
      %dma_wait3A_278 = arith.constant 0 : i32
      %dma_wait3A_279 = tpu.memref_slice %arg3[%dma_wait3A_277, %dma_wait3A_278] : memref<10000x128xf32, #tpu.memory_space<hbm>> -> memref<10000x128xf32, #tpu.memory_space<hbm>>
      tpu.wait_indirect_dma semaphore(%arg15 : memref<!tpu.dma_semaphore, #tpu.memory_space<semaphore_mem>>) src(%dma_wait3A_279 : memref<10000x128xf32, #tpu.memory_space<hbm>>) dst(%arg13 : memref<64x128xf32, #tpu.memory_space<vmem>>)
      %dma_start3A_280 = arith.constant 0 : i32
      %dma_start3A_281 = tpu.memref_slice %arg10[%add3A_229, %dma_start3A_280] : memref<32x64xi32, #tpu.memory_space<vmem>> -> memref<1x64xi32, #tpu.memory_space<vmem>>
      %dma_start3A_282 = tpu.memref_squeeze %dma_start3A_281 : memref<1x64xi32, #tpu.memory_space<vmem>> -> memref<64xi32, #tpu.memory_space<vmem>>
      %dma_start3A_283 = arith.constant 0 : i32
      %dma_start3A_284 = arith.constant 0 : i32
      %dma_start3A_285 = tpu.memref_slice %arg8[%dma_start3A_283, %dma_start3A_284] : memref<10008x128xf32, #tpu.memory_space<vmem_shared>> -> memref<10008x128xf32, #tpu.memory_space<vmem_shared>>
      tpu.enqueue_indirect_dma source(%arg13 : memref<64x128xf32, #tpu.memory_space<vmem>>) target(%dma_start3A_285 : memref<10008x128xf32, #tpu.memory_space<vmem_shared>>) offsets(%dma_start3A_282 : memref<64xi32, #tpu.memory_space<vmem>>) semaphore(%arg17 : memref<!tpu.dma_semaphore, #tpu.memory_space<semaphore_mem>>) {add = true}
      %dma_wait3A_286 = arith.constant 0 : i32
      %dma_wait3A_287 = tpu.memref_slice %arg9[%add3A_267, %dma_wait3A_286] : memref<32x64xi32, #tpu.memory_space<vmem>> -> memref<1x64xi32, #tpu.memory_space<vmem>>
      %dma_wait3A_288 = tpu.memref_squeeze %dma_wait3A_287 : memref<1x64xi32, #tpu.memory_space<vmem>> -> memref<64xi32, #tpu.memory_space<vmem>>
      %dma_wait3A_289 = arith.constant 0 : i32
      %dma_wait3A_290 = arith.constant 0 : i32
      %dma_wait3A_291 = tpu.memref_slice %arg3[%dma_wait3A_289, %dma_wait3A_290] : memref<10000x128xf32, #tpu.memory_space<hbm>> -> memref<10000x128xf32, #tpu.memory_space<hbm>>
      tpu.wait_indirect_dma semaphore(%arg16 : memref<!tpu.dma_semaphore, #tpu.memory_space<semaphore_mem>>) src(%dma_wait3A_291 : memref<10000x128xf32, #tpu.memory_space<hbm>>) dst(%arg14 : memref<64x128xf32, #tpu.memory_space<vmem>>)
      %add3A_292 = arith.constant 1 : i32
      %add3A_293 = arith.addi %add3A_229, %add3A_292 : i32
      %dma_start3A_294 = arith.constant 0 : i32
      %dma_start3A_295 = tpu.memref_slice %arg10[%add3A_293, %dma_start3A_294] : memref<32x64xi32, #tpu.memory_space<vmem>> -> memref<1x64xi32, #tpu.memory_space<vmem>>
      %dma_start3A_296 = tpu.memref_squeeze %dma_start3A_295 : memref<1x64xi32, #tpu.memory_space<vmem>> -> memref<64xi32, #tpu.memory_space<vmem>>
      %dma_start3A_297 = arith.constant 0 : i32
      %dma_start3A_298 = arith.constant 0 : i32
      %dma_start3A_299 = tpu.memref_slice %arg8[%dma_start3A_297, %dma_start3A_298] : memref<10008x128xf32, #tpu.memory_space<vmem_shared>> -> memref<10008x128xf32, #tpu.memory_space<vmem_shared>>
      tpu.enqueue_indirect_dma source(%arg14 : memref<64x128xf32, #tpu.memory_space<vmem>>) target(%dma_start3A_299 : memref<10008x128xf32, #tpu.memory_space<vmem_shared>>) offsets(%dma_start3A_296 : memref<64xi32, #tpu.memory_space<vmem>>) semaphore(%arg18 : memref<!tpu.dma_semaphore, #tpu.memory_space<semaphore_mem>>) {add = true}
      %scan3A_300 = arith.constant 0 : i32
      scf.yield %scan3A_300 : i32
    }
    %scan3A_63 = arith.constant 160 : i32
    %dma_wait3A = arith.constant 0 : i32
    %dma_wait3A_64 = arith.constant 0 : i32
    %dma_wait3A_65 = tpu.memref_slice %arg10[%dma_wait3A, %dma_wait3A_64] : memref<32x64xi32, #tpu.memory_space<vmem>> -> memref<1x64xi32, #tpu.memory_space<vmem>>
    %dma_wait3A_66 = tpu.memref_squeeze %dma_wait3A_65 : memref<1x64xi32, #tpu.memory_space<vmem>> -> memref<64xi32, #tpu.memory_space<vmem>>
    %dma_wait3A_67 = arith.constant 0 : i32
    %dma_wait3A_68 = arith.constant 0 : i32
    %dma_wait3A_69 = tpu.memref_slice %arg8[%dma_wait3A_67, %dma_wait3A_68] : memref<10008x128xf32, #tpu.memory_space<vmem_shared>> -> memref<10008x128xf32, #tpu.memory_space<vmem_shared>>
    tpu.wait_indirect_dma semaphore(%arg17 : memref<!tpu.dma_semaphore, #tpu.memory_space<semaphore_mem>>) src(%arg13 : memref<64x128xf32, #tpu.memory_space<vmem>>) dst(%dma_wait3A_69 : memref<10008x128xf32, #tpu.memory_space<vmem_shared>>)
    %dma_wait3A_70 = arith.constant 1 : i32
    %dma_wait3A_71 = arith.constant 0 : i32
    %dma_wait3A_72 = tpu.memref_slice %arg10[%dma_wait3A_70, %dma_wait3A_71] : memref<32x64xi32, #tpu.memory_space<vmem>> -> memref<1x64xi32, #tpu.memory_space<vmem>>
    %dma_wait3A_73 = tpu.memref_squeeze %dma_wait3A_72 : memref<1x64xi32, #tpu.memory_space<vmem>> -> memref<64xi32, #tpu.memory_space<vmem>>
    %dma_wait3A_74 = arith.constant 0 : i32
    %dma_wait3A_75 = arith.constant 0 : i32
    %dma_wait3A_76 = tpu.memref_slice %arg8[%dma_wait3A_74, %dma_wait3A_75] : memref<10008x128xf32, #tpu.memory_space<vmem_shared>> -> memref<10008x128xf32, #tpu.memory_space<vmem_shared>>
    tpu.wait_indirect_dma semaphore(%arg18 : memref<!tpu.dma_semaphore, #tpu.memory_space<semaphore_mem>>) src(%arg14 : memref<64x128xf32, #tpu.memory_space<vmem>>) dst(%dma_wait3A_76 : memref<10008x128xf32, #tpu.memory_space<vmem_shared>>)
    %barrier3A_77 = arith.constant 0 : index
    tpu.barrier barrier_id(%barrier3A_77)
    %eq3A_78 = arith.constant 0 : i32
    %eq3A_79 = arith.cmpi eq, %arg0, %eq3A_78 : i32
    %convert_element_type3A_80 = arith.extui %eq3A_79 : i1 to i32
    %cond3A_81 = arith.constant 0 : i32
    %cond3A_82 = arith.cmpi ne, %convert_element_type3A_80, %cond3A_81 : i32
    scf.if %cond3A_82 {
      "tpu.region"() ({
        %run_scoped3A = tpu.sem_alloc : memref<!tpu.dma_semaphore, #tpu.memory_space<semaphore_mem>>
        %dma_start3A_181 = arith.constant 0 : i32
        %dma_start3A_182 = tpu.memref_slice %arg4[%mul3A_0, %dma_start3A_181] : memref<10000x128xf32, #tpu.memory_space<hbm>> -> memref<624x128xf32, #tpu.memory_space<hbm>>
        %dma_start3A_183 = arith.constant 0 : i32
        %dma_start3A_184 = tpu.memref_slice %arg8[%mul3A_0, %dma_start3A_183] : memref<10008x128xf32, #tpu.memory_space<vmem_shared>> -> memref<624x128xf32, #tpu.memory_space<vmem_shared>>
        tpu.enqueue_dma source(%dma_start3A_184 : memref<624x128xf32, #tpu.memory_space<vmem_shared>>) target(%dma_start3A_182 : memref<624x128xf32, #tpu.memory_space<hbm>>) target_semaphore(%run_scoped3A : memref<!tpu.dma_semaphore, #tpu.memory_space<semaphore_mem>>)
        %dma_wait3A_185 = arith.constant 0 : i32
        %dma_wait3A_186 = tpu.memref_slice %arg4[%mul3A_0, %dma_wait3A_185] : memref<10000x128xf32, #tpu.memory_space<hbm>> -> memref<624x128xf32, #tpu.memory_space<hbm>>
        %dma_wait3A_187 = arith.constant 0 : i32
        %dma_wait3A_188 = tpu.memref_slice %arg8[%mul3A_0, %dma_wait3A_187] : memref<10008x128xf32, #tpu.memory_space<vmem_shared>> -> memref<624x128xf32, #tpu.memory_space<vmem_shared>>
        tpu.wait_dma2 semaphore(%run_scoped3A : memref<!tpu.dma_semaphore, #tpu.memory_space<semaphore_mem>>) src(%dma_wait3A_188 : memref<624x128xf32, #tpu.memory_space<vmem_shared>>) dst(%dma_wait3A_186 : memref<624x128xf32, #tpu.memory_space<hbm>>)
        tpu.yield
      }) : () -> ()
      %eq3A_176 = arith.constant 15 : i32
      %eq3A_177 = arith.cmpi eq, %arg1, %eq3A_176 : i32
      %convert_element_type3A_178 = arith.extui %eq3A_177 : i1 to i32
      %cond3A_179 = arith.constant 0 : i32
      %cond3A_180 = arith.cmpi ne, %convert_element_type3A_178, %cond3A_179 : i32
      scf.if %cond3A_180 {
        "tpu.region"() ({
          %run_scoped3A = tpu.sem_alloc : memref<!tpu.dma_semaphore, #tpu.memory_space<semaphore_mem>>
          %dma_start3A_181 = arith.constant 9984 : i32
          %dma_start3A_182 = arith.constant 0 : i32
          %dma_start3A_183 = tpu.memref_slice %arg4[%dma_start3A_181, %dma_start3A_182] : memref<10000x128xf32, #tpu.memory_space<hbm>> -> memref<16x128xf32, #tpu.memory_space<hbm>>
          %dma_start3A_184 = arith.constant 9984 : i32
          %dma_start3A_185 = arith.constant 0 : i32
          %dma_start3A_186 = tpu.memref_slice %arg8[%dma_start3A_184, %dma_start3A_185] : memref<10008x128xf32, #tpu.memory_space<vmem_shared>> -> memref<16x128xf32, #tpu.memory_space<vmem_shared>>
          tpu.enqueue_dma source(%dma_start3A_186 : memref<16x128xf32, #tpu.memory_space<vmem_shared>>) target(%dma_start3A_183 : memref<16x128xf32, #tpu.memory_space<hbm>>) target_semaphore(%run_scoped3A : memref<!tpu.dma_semaphore, #tpu.memory_space<semaphore_mem>>)
          %dma_wait3A_187 = arith.constant 9984 : i32
          %dma_wait3A_188 = arith.constant 0 : i32
          %dma_wait3A_189 = tpu.memref_slice %arg4[%dma_wait3A_187, %dma_wait3A_188] : memref<10000x128xf32, #tpu.memory_space<hbm>> -> memref<16x128xf32, #tpu.memory_space<hbm>>
          %dma_wait3A_190 = arith.constant 9984 : i32
          %dma_wait3A_191 = arith.constant 0 : i32
          %dma_wait3A_192 = tpu.memref_slice %arg8[%dma_wait3A_190, %dma_wait3A_191] : memref<10008x128xf32, #tpu.memory_space<vmem_shared>> -> memref<16x128xf32, #tpu.memory_space<vmem_shared>>
          tpu.wait_dma2 semaphore(%run_scoped3A : memref<!tpu.dma_semaphore, #tpu.memory_space<semaphore_mem>>) src(%dma_wait3A_192 : memref<16x128xf32, #tpu.memory_space<vmem_shared>>) dst(%dma_wait3A_189 : memref<16x128xf32, #tpu.memory_space<hbm>>)
          tpu.yield
        }) : () -> ()
      } else {
      }
    } else {
    }
    %eq3A_83 = arith.constant 1 : i32
    %eq3A_84 = arith.cmpi eq, %arg0, %eq3A_83 : i32
    %convert_element_type3A_85 = arith.extui %eq3A_84 : i1 to i32
    %cond3A_86 = arith.constant 0 : i32
    %cond3A_87 = arith.cmpi ne, %convert_element_type3A_85, %cond3A_86 : i32
    scf.if %cond3A_87 {
      "tpu.region"() ({
        %run_scoped3A = tpu.sem_alloc : memref<!tpu.dma_semaphore, #tpu.memory_space<semaphore_mem>>
        %dma_start3A_181 = arith.constant 0 : i32
        %dma_start3A_182 = tpu.memref_slice %arg5[%mul3A_0, %dma_start3A_181] : memref<10000x128xf32, #tpu.memory_space<hbm>> -> memref<624x128xf32, #tpu.memory_space<hbm>>
        %dma_start3A_183 = arith.constant 0 : i32
        %dma_start3A_184 = tpu.memref_slice %arg8[%mul3A_0, %dma_start3A_183] : memref<10008x128xf32, #tpu.memory_space<vmem_shared>> -> memref<624x128xf32, #tpu.memory_space<vmem_shared>>
        tpu.enqueue_dma source(%dma_start3A_184 : memref<624x128xf32, #tpu.memory_space<vmem_shared>>) target(%dma_start3A_182 : memref<624x128xf32, #tpu.memory_space<hbm>>) target_semaphore(%run_scoped3A : memref<!tpu.dma_semaphore, #tpu.memory_space<semaphore_mem>>)
        %dma_wait3A_185 = arith.constant 0 : i32
        %dma_wait3A_186 = tpu.memref_slice %arg5[%mul3A_0, %dma_wait3A_185] : memref<10000x128xf32, #tpu.memory_space<hbm>> -> memref<624x128xf32, #tpu.memory_space<hbm>>
        %dma_wait3A_187 = arith.constant 0 : i32
        %dma_wait3A_188 = tpu.memref_slice %arg8[%mul3A_0, %dma_wait3A_187] : memref<10008x128xf32, #tpu.memory_space<vmem_shared>> -> memref<624x128xf32, #tpu.memory_space<vmem_shared>>
        tpu.wait_dma2 semaphore(%run_scoped3A : memref<!tpu.dma_semaphore, #tpu.memory_space<semaphore_mem>>) src(%dma_wait3A_188 : memref<624x128xf32, #tpu.memory_space<vmem_shared>>) dst(%dma_wait3A_186 : memref<624x128xf32, #tpu.memory_space<hbm>>)
        tpu.yield
      }) : () -> ()
      %eq3A_176 = arith.constant 15 : i32
      %eq3A_177 = arith.cmpi eq, %arg1, %eq3A_176 : i32
      %convert_element_type3A_178 = arith.extui %eq3A_177 : i1 to i32
      %cond3A_179 = arith.constant 0 : i32
      %cond3A_180 = arith.cmpi ne, %convert_element_type3A_178, %cond3A_179 : i32
      scf.if %cond3A_180 {
        "tpu.region"() ({
          %run_scoped3A = tpu.sem_alloc : memref<!tpu.dma_semaphore, #tpu.memory_space<semaphore_mem>>
          %dma_start3A_181 = arith.constant 9984 : i32
          %dma_start3A_182 = arith.constant 0 : i32
          %dma_start3A_183 = tpu.memref_slice %arg5[%dma_start3A_181, %dma_start3A_182] : memref<10000x128xf32, #tpu.memory_space<hbm>> -> memref<16x128xf32, #tpu.memory_space<hbm>>
          %dma_start3A_184 = arith.constant 9984 : i32
          %dma_start3A_185 = arith.constant 0 : i32
          %dma_start3A_186 = tpu.memref_slice %arg8[%dma_start3A_184, %dma_start3A_185] : memref<10008x128xf32, #tpu.memory_space<vmem_shared>> -> memref<16x128xf32, #tpu.memory_space<vmem_shared>>
          tpu.enqueue_dma source(%dma_start3A_186 : memref<16x128xf32, #tpu.memory_space<vmem_shared>>) target(%dma_start3A_183 : memref<16x128xf32, #tpu.memory_space<hbm>>) target_semaphore(%run_scoped3A : memref<!tpu.dma_semaphore, #tpu.memory_space<semaphore_mem>>)
          %dma_wait3A_187 = arith.constant 9984 : i32
          %dma_wait3A_188 = arith.constant 0 : i32
          %dma_wait3A_189 = tpu.memref_slice %arg5[%dma_wait3A_187, %dma_wait3A_188] : memref<10000x128xf32, #tpu.memory_space<hbm>> -> memref<16x128xf32, #tpu.memory_space<hbm>>
          %dma_wait3A_190 = arith.constant 9984 : i32
          %dma_wait3A_191 = arith.constant 0 : i32
          %dma_wait3A_192 = tpu.memref_slice %arg8[%dma_wait3A_190, %dma_wait3A_191] : memref<10008x128xf32, #tpu.memory_space<vmem_shared>> -> memref<16x128xf32, #tpu.memory_space<vmem_shared>>
          tpu.wait_dma2 semaphore(%run_scoped3A : memref<!tpu.dma_semaphore, #tpu.memory_space<semaphore_mem>>) src(%dma_wait3A_192 : memref<16x128xf32, #tpu.memory_space<vmem_shared>>) dst(%dma_wait3A_189 : memref<16x128xf32, #tpu.memory_space<hbm>>)
          tpu.yield
        }) : () -> ()
      } else {
      }
    } else {
    }
    %scan3A_88 = arith.constant 0 : i32
    %scan3A_89 = arith.constant 0 : i32
    %scan3A_90 = arith.constant 64 : i32
    %scan3A_91 = arith.addi %scan3A_89, %scan3A_90 : i32
    %scan3A_92 = arith.constant 1 : i32
    %scan3A_93 = scf.for %scan3A_176 = %scan3A_89 to %scan3A_91 step %scan3A_92 iter_args(%scan3A_177 = %scan3A_88) -> (i32)  : i32 {
      %swap3A = arith.index_cast %scan3A_176 : i32 to index
      %swap3A_178 = arith.constant 0 : index
      %swap3A_179 = tpu.vector_load %arg13[%swap3A, %swap3A_178] {strides = array<i32>} : memref<64x128xf32, #tpu.memory_space<vmem>>, vector<1x16xf32>,
      %swap3A_180 = vector.shape_cast %swap3A_179 : vector<1x16xf32> to vector<16xf32>
      %swap3A_181 = vector.shape_cast %broadcast_in_dim3A_1 : vector<16xf32> to vector<1x16xf32>
      tpu.vector_store %arg13[%swap3A, %swap3A_178], %swap3A_181 {strides = array<i32>} : memref<64x128xf32, #tpu.memory_space<vmem>>, vector<1x16xf32>,
      %swap3A_182 = arith.index_cast %scan3A_176 : i32 to index
      %swap3A_183 = arith.constant 16 : index
      %swap3A_184 = tpu.vector_load %arg13[%swap3A_182, %swap3A_183] {strides = array<i32>} : memref<64x128xf32, #tpu.memory_space<vmem>>, vector<1x16xf32>,
      %swap3A_185 = vector.shape_cast %swap3A_184 : vector<1x16xf32> to vector<16xf32>
      %swap3A_186 = vector.shape_cast %broadcast_in_dim3A_1 : vector<16xf32> to vector<1x16xf32>
      tpu.vector_store %arg13[%swap3A_182, %swap3A_183], %swap3A_186 {strides = array<i32>} : memref<64x128xf32, #tpu.memory_space<vmem>>, vector<1x16xf32>,
      %swap3A_187 = arith.index_cast %scan3A_176 : i32 to index
      %swap3A_188 = arith.constant 32 : index
      %swap3A_189 = tpu.vector_load %arg13[%swap3A_187, %swap3A_188] {strides = array<i32>} : memref<64x128xf32, #tpu.memory_space<vmem>>, vector<1x16xf32>,
      %swap3A_190 = vector.shape_cast %swap3A_189 : vector<1x16xf32> to vector<16xf32>
      %swap3A_191 = vector.shape_cast %broadcast_in_dim3A_1 : vector<16xf32> to vector<1x16xf32>
      tpu.vector_store %arg13[%swap3A_187, %swap3A_188], %swap3A_191 {strides = array<i32>} : memref<64x128xf32, #tpu.memory_space<vmem>>, vector<1x16xf32>,
      %swap3A_192 = arith.index_cast %scan3A_176 : i32 to index
      %swap3A_193 = arith.constant 48 : index
      %swap3A_194 = tpu.vector_load %arg13[%swap3A_192, %swap3A_193] {strides = array<i32>} : memref<64x128xf32, #tpu.memory_space<vmem>>, vector<1x16xf32>,
      %swap3A_195 = vector.shape_cast %swap3A_194 : vector<1x16xf32> to vector<16xf32>
      %swap3A_196 = vector.shape_cast %broadcast_in_dim3A_1 : vector<16xf32> to vector<1x16xf32>
      tpu.vector_store %arg13[%swap3A_192, %swap3A_193], %swap3A_196 {strides = array<i32>} : memref<64x128xf32, #tpu.memory_space<vmem>>, vector<1x16xf32>,
      %swap3A_197 = arith.index_cast %scan3A_176 : i32 to index
      %swap3A_198 = arith.constant 64 : index
      %swap3A_199 = tpu.vector_load %arg13[%swap3A_197, %swap3A_198] {strides = array<i32>} : memref<64x128xf32, #tpu.memory_space<vmem>>, vector<1x16xf32>,
      %swap3A_200 = vector.shape_cast %swap3A_199 : vector<1x16xf32> to vector<16xf32>
      %swap3A_201 = vector.shape_cast %broadcast_in_dim3A_1 : vector<16xf32> to vector<1x16xf32>
      tpu.vector_store %arg13[%swap3A_197, %swap3A_198], %swap3A_201 {strides = array<i32>} : memref<64x128xf32, #tpu.memory_space<vmem>>, vector<1x16xf32>,
      %swap3A_202 = arith.index_cast %scan3A_176 : i32 to index
      %swap3A_203 = arith.constant 80 : index
      %swap3A_204 = tpu.vector_load %arg13[%swap3A_202, %swap3A_203] {strides = array<i32>} : memref<64x128xf32, #tpu.memory_space<vmem>>, vector<1x16xf32>,
      %swap3A_205 = vector.shape_cast %swap3A_204 : vector<1x16xf32> to vector<16xf32>
      %swap3A_206 = vector.shape_cast %broadcast_in_dim3A_1 : vector<16xf32> to vector<1x16xf32>
      tpu.vector_store %arg13[%swap3A_202, %swap3A_203], %swap3A_206 {strides = array<i32>} : memref<64x128xf32, #tpu.memory_space<vmem>>, vector<1x16xf32>,
      %swap3A_207 = arith.index_cast %scan3A_176 : i32 to index
      %swap3A_208 = arith.constant 96 : index
      %swap3A_209 = tpu.vector_load %arg13[%swap3A_207, %swap3A_208] {strides = array<i32>} : memref<64x128xf32, #tpu.memory_space<vmem>>, vector<1x16xf32>,
      %swap3A_210 = vector.shape_cast %swap3A_209 : vector<1x16xf32> to vector<16xf32>
      %swap3A_211 = vector.shape_cast %broadcast_in_dim3A_1 : vector<16xf32> to vector<1x16xf32>
      tpu.vector_store %arg13[%swap3A_207, %swap3A_208], %swap3A_211 {strides = array<i32>} : memref<64x128xf32, #tpu.memory_space<vmem>>, vector<1x16xf32>,
      %swap3A_212 = arith.index_cast %scan3A_176 : i32 to index
      %swap3A_213 = arith.constant 112 : index
      %swap3A_214 = tpu.vector_load %arg13[%swap3A_212, %swap3A_213] {strides = array<i32>} : memref<64x128xf32, #tpu.memory_space<vmem>>, vector<1x16xf32>,
      %swap3A_215 = vector.shape_cast %swap3A_214 : vector<1x16xf32> to vector<16xf32>
      %swap3A_216 = vector.shape_cast %broadcast_in_dim3A_1 : vector<16xf32> to vector<1x16xf32>
      tpu.vector_store %arg13[%swap3A_212, %swap3A_213], %swap3A_216 {strides = array<i32>} : memref<64x128xf32, #tpu.memory_space<vmem>>, vector<1x16xf32>,
      %scan3A_217 = arith.constant 0 : i32
      scf.yield %scan3A_217 : i32
    }
    %scan3A_94 = arith.constant 64 : i32
    %add3A_95 = arith.constant 0 : i32
    %add3A_96 = arith.addi %mul3A_0, %add3A_95 : i32
    "tpu.region"() ({
      %run_scoped3A = tpu.sem_alloc : memref<!tpu.dma_semaphore, #tpu.memory_space<semaphore_mem>>
      %dma_start3A_176 = arith.constant 0 : i32
      %dma_start3A_177 = arith.constant 0 : i32
      %dma_start3A_178 = tpu.memref_slice %arg13[%dma_start3A_176, %dma_start3A_177] : memref<64x128xf32, #tpu.memory_space<vmem>> -> memref<48x128xf32, #tpu.memory_space<vmem>>
      %dma_start3A_179 = arith.constant 0 : i32
      %dma_start3A_180 = tpu.memref_slice %arg8[%add3A_96, %dma_start3A_179] : memref<10008x128xf32, #tpu.memory_space<vmem_shared>> -> memref<48x128xf32, #tpu.memory_space<vmem_shared>>
      %dma_start3A_181 = arith.constant 0 : i32
      %dma_start3A_182 = tpu.memref_slice %arg8[%add3A_96, %dma_start3A_181] : memref<10008x128xf32, #tpu.memory_space<vmem_shared>> -> memref<48x128xf32, #tpu.memory_space<vmem_shared>>
      %dma_start3A_183 = arith.constant 0 : i32
      %dma_start3A_184 = arith.constant 0 : i32
      %dma_start3A_185 = tpu.memref_slice %arg13[%dma_start3A_183, %dma_start3A_184] : memref<64x128xf32, #tpu.memory_space<vmem>> -> memref<48x128xf32, #tpu.memory_space<vmem>>
      tpu.enqueue_dma source(%dma_start3A_185 : memref<48x128xf32, #tpu.memory_space<vmem>>) target(%dma_start3A_182 : memref<48x128xf32, #tpu.memory_space<vmem_shared>>) target_semaphore(%run_scoped3A : memref<!tpu.dma_semaphore, #tpu.memory_space<semaphore_mem>>)
      %dma_wait3A_186 = arith.constant 0 : i32
      %dma_wait3A_187 = arith.constant 0 : i32
      %dma_wait3A_188 = tpu.memref_slice %arg13[%dma_wait3A_186, %dma_wait3A_187] : memref<64x128xf32, #tpu.memory_space<vmem>> -> memref<48x128xf32, #tpu.memory_space<vmem>>
      %dma_wait3A_189 = arith.constant 0 : i32
      %dma_wait3A_190 = tpu.memref_slice %arg8[%add3A_96, %dma_wait3A_189] : memref<10008x128xf32, #tpu.memory_space<vmem_shared>> -> memref<48x128xf32, #tpu.memory_space<vmem_shared>>
      %dma_wait3A_191 = arith.constant 0 : i32
      %dma_wait3A_192 = tpu.memref_slice %arg8[%add3A_96, %dma_wait3A_191] : memref<10008x128xf32, #tpu.memory_space<vmem_shared>> -> memref<48x128xf32, #tpu.memory_space<vmem_shared>>
      %dma_wait3A_193 = arith.constant 0 : i32
      %dma_wait3A_194 = arith.constant 0 : i32
      %dma_wait3A_195 = tpu.memref_slice %arg13[%dma_wait3A_193, %dma_wait3A_194] : memref<64x128xf32, #tpu.memory_space<vmem>> -> memref<48x128xf32, #tpu.memory_space<vmem>>
      tpu.wait_dma2 semaphore(%run_scoped3A : memref<!tpu.dma_semaphore, #tpu.memory_space<semaphore_mem>>) src(%dma_wait3A_195 : memref<48x128xf32, #tpu.memory_space<vmem>>) dst(%dma_wait3A_192 : memref<48x128xf32, #tpu.memory_space<vmem_shared>>)
      tpu.yield
    }) : () -> ()
    %add3A_97 = arith.constant 48 : i32
    %add3A_98 = arith.addi %mul3A_0, %add3A_97 : i32
    "tpu.region"() ({
      %run_scoped3A = tpu.sem_alloc : memref<!tpu.dma_semaphore, #tpu.memory_space<semaphore_mem>>
      %dma_start3A_176 = arith.constant 0 : i32
      %dma_start3A_177 = arith.constant 0 : i32
      %dma_start3A_178 = tpu.memref_slice %arg13[%dma_start3A_176, %dma_start3A_177] : memref<64x128xf32, #tpu.memory_space<vmem>> -> memref<48x128xf32, #tpu.memory_space<vmem>>
      %dma_start3A_179 = arith.constant 0 : i32
      %dma_start3A_180 = tpu.memref_slice %arg8[%add3A_98, %dma_start3A_179] : memref<10008x128xf32, #tpu.memory_space<vmem_shared>> -> memref<48x128xf32, #tpu.memory_space<vmem_shared>>
      %dma_start3A_181 = arith.constant 0 : i32
      %dma_start3A_182 = tpu.memref_slice %arg8[%add3A_98, %dma_start3A_181] : memref<10008x128xf32, #tpu.memory_space<vmem_shared>> -> memref<48x128xf32, #tpu.memory_space<vmem_shared>>
      %dma_start3A_183 = arith.constant 0 : i32
      %dma_start3A_184 = arith.constant 0 : i32
      %dma_start3A_185 = tpu.memref_slice %arg13[%dma_start3A_183, %dma_start3A_184] : memref<64x128xf32, #tpu.memory_space<vmem>> -> memref<48x128xf32, #tpu.memory_space<vmem>>
      tpu.enqueue_dma source(%dma_start3A_185 : memref<48x128xf32, #tpu.memory_space<vmem>>) target(%dma_start3A_182 : memref<48x128xf32, #tpu.memory_space<vmem_shared>>) target_semaphore(%run_scoped3A : memref<!tpu.dma_semaphore, #tpu.memory_space<semaphore_mem>>)
      %dma_wait3A_186 = arith.constant 0 : i32
      %dma_wait3A_187 = arith.constant 0 : i32
      %dma_wait3A_188 = tpu.memref_slice %arg13[%dma_wait3A_186, %dma_wait3A_187] : memref<64x128xf32, #tpu.memory_space<vmem>> -> memref<48x128xf32, #tpu.memory_space<vmem>>
      %dma_wait3A_189 = arith.constant 0 : i32
      %dma_wait3A_190 = tpu.memref_slice %arg8[%add3A_98, %dma_wait3A_189] : memref<10008x128xf32, #tpu.memory_space<vmem_shared>> -> memref<48x128xf32, #tpu.memory_space<vmem_shared>>
      %dma_wait3A_191 = arith.constant 0 : i32
      %dma_wait3A_192 = tpu.memref_slice %arg8[%add3A_98, %dma_wait3A_191] : memref<10008x128xf32, #tpu.memory_space<vmem_shared>> -> memref<48x128xf32, #tpu.memory_space<vmem_shared>>
      %dma_wait3A_193 = arith.constant 0 : i32
      %dma_wait3A_194 = arith.constant 0 : i32
      %dma_wait3A_195 = tpu.memref_slice %arg13[%dma_wait3A_193, %dma_wait3A_194] : memref<64x128xf32, #tpu.memory_space<vmem>> -> memref<48x128xf32, #tpu.memory_space<vmem>>
      tpu.wait_dma2 semaphore(%run_scoped3A : memref<!tpu.dma_semaphore, #tpu.memory_space<semaphore_mem>>) src(%dma_wait3A_195 : memref<48x128xf32, #tpu.memory_space<vmem>>) dst(%dma_wait3A_192 : memref<48x128xf32, #tpu.memory_space<vmem_shared>>)
      tpu.yield
    }) : () -> ()
    %add3A_99 = arith.constant 96 : i32
    %add3A_100 = arith.addi %mul3A_0, %add3A_99 : i32
    "tpu.region"() ({
      %run_scoped3A = tpu.sem_alloc : memref<!tpu.dma_semaphore, #tpu.memory_space<semaphore_mem>>
      %dma_start3A_176 = arith.constant 0 : i32
      %dma_start3A_177 = arith.constant 0 : i32
      %dma_start3A_178 = tpu.memref_slice %arg13[%dma_start3A_176, %dma_start3A_177] : memref<64x128xf32, #tpu.memory_space<vmem>> -> memref<48x128xf32, #tpu.memory_space<vmem>>
      %dma_start3A_179 = arith.constant 0 : i32
      %dma_start3A_180 = tpu.memref_slice %arg8[%add3A_100, %dma_start3A_179] : memref<10008x128xf32, #tpu.memory_space<vmem_shared>> -> memref<48x128xf32, #tpu.memory_space<vmem_shared>>
      %dma_start3A_181 = arith.constant 0 : i32
      %dma_start3A_182 = tpu.memref_slice %arg8[%add3A_100, %dma_start3A_181] : memref<10008x128xf32, #tpu.memory_space<vmem_shared>> -> memref<48x128xf32, #tpu.memory_space<vmem_shared>>
      %dma_start3A_183 = arith.constant 0 : i32
      %dma_start3A_184 = arith.constant 0 : i32
      %dma_start3A_185 = tpu.memref_slice %arg13[%dma_start3A_183, %dma_start3A_184] : memref<64x128xf32, #tpu.memory_space<vmem>> -> memref<48x128xf32, #tpu.memory_space<vmem>>
      tpu.enqueue_dma source(%dma_start3A_185 : memref<48x128xf32, #tpu.memory_space<vmem>>) target(%dma_start3A_182 : memref<48x128xf32, #tpu.memory_space<vmem_shared>>) target_semaphore(%run_scoped3A : memref<!tpu.dma_semaphore, #tpu.memory_space<semaphore_mem>>)
      %dma_wait3A_186 = arith.constant 0 : i32
      %dma_wait3A_187 = arith.constant 0 : i32
      %dma_wait3A_188 = tpu.memref_slice %arg13[%dma_wait3A_186, %dma_wait3A_187] : memref<64x128xf32, #tpu.memory_space<vmem>> -> memref<48x128xf32, #tpu.memory_space<vmem>>
      %dma_wait3A_189 = arith.constant 0 : i32
      %dma_wait3A_190 = tpu.memref_slice %arg8[%add3A_100, %dma_wait3A_189] : memref<10008x128xf32, #tpu.memory_space<vmem_shared>> -> memref<48x128xf32, #tpu.memory_space<vmem_shared>>
      %dma_wait3A_191 = arith.constant 0 : i32
      %dma_wait3A_192 = tpu.memref_slice %arg8[%add3A_100, %dma_wait3A_191] : memref<10008x128xf32, #tpu.memory_space<vmem_shared>> -> memref<48x128xf32, #tpu.memory_space<vmem_shared>>
      %dma_wait3A_193 = arith.constant 0 : i32
      %dma_wait3A_194 = arith.constant 0 : i32
      %dma_wait3A_195 = tpu.memref_slice %arg13[%dma_wait3A_193, %dma_wait3A_194] : memref<64x128xf32, #tpu.memory_space<vmem>> -> memref<48x128xf32, #tpu.memory_space<vmem>>
      tpu.wait_dma2 semaphore(%run_scoped3A : memref<!tpu.dma_semaphore, #tpu.memory_space<semaphore_mem>>) src(%dma_wait3A_195 : memref<48x128xf32, #tpu.memory_space<vmem>>) dst(%dma_wait3A_192 : memref<48x128xf32, #tpu.memory_space<vmem_shared>>)
      tpu.yield
    }) : () -> ()
    %add3A_101 = arith.constant 144 : i32
    %add3A_102 = arith.addi %mul3A_0, %add3A_101 : i32
    "tpu.region"() ({
      %run_scoped3A = tpu.sem_alloc : memref<!tpu.dma_semaphore, #tpu.memory_space<semaphore_mem>>
      %dma_start3A_176 = arith.constant 0 : i32
      %dma_start3A_177 = arith.constant 0 : i32
      %dma_start3A_178 = tpu.memref_slice %arg13[%dma_start3A_176, %dma_start3A_177] : memref<64x128xf32, #tpu.memory_space<vmem>> -> memref<48x128xf32, #tpu.memory_space<vmem>>
      %dma_start3A_179 = arith.constant 0 : i32
      %dma_start3A_180 = tpu.memref_slice %arg8[%add3A_102, %dma_start3A_179] : memref<10008x128xf32, #tpu.memory_space<vmem_shared>> -> memref<48x128xf32, #tpu.memory_space<vmem_shared>>
      %dma_start3A_181 = arith.constant 0 : i32
      %dma_start3A_182 = tpu.memref_slice %arg8[%add3A_102, %dma_start3A_181] : memref<10008x128xf32, #tpu.memory_space<vmem_shared>> -> memref<48x128xf32, #tpu.memory_space<vmem_shared>>
      %dma_start3A_183 = arith.constant 0 : i32
      %dma_start3A_184 = arith.constant 0 : i32
      %dma_start3A_185 = tpu.memref_slice %arg13[%dma_start3A_183, %dma_start3A_184] : memref<64x128xf32, #tpu.memory_space<vmem>> -> memref<48x128xf32, #tpu.memory_space<vmem>>
      tpu.enqueue_dma source(%dma_start3A_185 : memref<48x128xf32, #tpu.memory_space<vmem>>) target(%dma_start3A_182 : memref<48x128xf32, #tpu.memory_space<vmem_shared>>) target_semaphore(%run_scoped3A : memref<!tpu.dma_semaphore, #tpu.memory_space<semaphore_mem>>)
      %dma_wait3A_186 = arith.constant 0 : i32
      %dma_wait3A_187 = arith.constant 0 : i32
      %dma_wait3A_188 = tpu.memref_slice %arg13[%dma_wait3A_186, %dma_wait3A_187] : memref<64x128xf32, #tpu.memory_space<vmem>> -> memref<48x128xf32, #tpu.memory_space<vmem>>
      %dma_wait3A_189 = arith.constant 0 : i32
      %dma_wait3A_190 = tpu.memref_slice %arg8[%add3A_102, %dma_wait3A_189] : memref<10008x128xf32, #tpu.memory_space<vmem_shared>> -> memref<48x128xf32, #tpu.memory_space<vmem_shared>>
      %dma_wait3A_191 = arith.constant 0 : i32
      %dma_wait3A_192 = tpu.memref_slice %arg8[%add3A_102, %dma_wait3A_191] : memref<10008x128xf32, #tpu.memory_space<vmem_shared>> -> memref<48x128xf32, #tpu.memory_space<vmem_shared>>
      %dma_wait3A_193 = arith.constant 0 : i32
      %dma_wait3A_194 = arith.constant 0 : i32
      %dma_wait3A_195 = tpu.memref_slice %arg13[%dma_wait3A_193, %dma_wait3A_194] : memref<64x128xf32, #tpu.memory_space<vmem>> -> memref<48x128xf32, #tpu.memory_space<vmem>>
      tpu.wait_dma2 semaphore(%run_scoped3A : memref<!tpu.dma_semaphore, #tpu.memory_space<semaphore_mem>>) src(%dma_wait3A_195 : memref<48x128xf32, #tpu.memory_space<vmem>>) dst(%dma_wait3A_192 : memref<48x128xf32, #tpu.memory_space<vmem_shared>>)
      tpu.yield
    }) : () -> ()
    %add3A_103 = arith.constant 192 : i32
    %add3A_104 = arith.addi %mul3A_0, %add3A_103 : i32
    "tpu.region"() ({
      %run_scoped3A = tpu.sem_alloc : memref<!tpu.dma_semaphore, #tpu.memory_space<semaphore_mem>>
      %dma_start3A_176 = arith.constant 0 : i32
      %dma_start3A_177 = arith.constant 0 : i32
      %dma_start3A_178 = tpu.memref_slice %arg13[%dma_start3A_176, %dma_start3A_177] : memref<64x128xf32, #tpu.memory_space<vmem>> -> memref<48x128xf32, #tpu.memory_space<vmem>>
      %dma_start3A_179 = arith.constant 0 : i32
      %dma_start3A_180 = tpu.memref_slice %arg8[%add3A_104, %dma_start3A_179] : memref<10008x128xf32, #tpu.memory_space<vmem_shared>> -> memref<48x128xf32, #tpu.memory_space<vmem_shared>>
      %dma_start3A_181 = arith.constant 0 : i32
      %dma_start3A_182 = tpu.memref_slice %arg8[%add3A_104, %dma_start3A_181] : memref<10008x128xf32, #tpu.memory_space<vmem_shared>> -> memref<48x128xf32, #tpu.memory_space<vmem_shared>>
      %dma_start3A_183 = arith.constant 0 : i32
      %dma_start3A_184 = arith.constant 0 : i32
      %dma_start3A_185 = tpu.memref_slice %arg13[%dma_start3A_183, %dma_start3A_184] : memref<64x128xf32, #tpu.memory_space<vmem>> -> memref<48x128xf32, #tpu.memory_space<vmem>>
      tpu.enqueue_dma source(%dma_start3A_185 : memref<48x128xf32, #tpu.memory_space<vmem>>) target(%dma_start3A_182 : memref<48x128xf32, #tpu.memory_space<vmem_shared>>) target_semaphore(%run_scoped3A : memref<!tpu.dma_semaphore, #tpu.memory_space<semaphore_mem>>)
      %dma_wait3A_186 = arith.constant 0 : i32
      %dma_wait3A_187 = arith.constant 0 : i32
      %dma_wait3A_188 = tpu.memref_slice %arg13[%dma_wait3A_186, %dma_wait3A_187] : memref<64x128xf32, #tpu.memory_space<vmem>> -> memref<48x128xf32, #tpu.memory_space<vmem>>
      %dma_wait3A_189 = arith.constant 0 : i32
      %dma_wait3A_190 = tpu.memref_slice %arg8[%add3A_104, %dma_wait3A_189] : memref<10008x128xf32, #tpu.memory_space<vmem_shared>> -> memref<48x128xf32, #tpu.memory_space<vmem_shared>>
      %dma_wait3A_191 = arith.constant 0 : i32
      %dma_wait3A_192 = tpu.memref_slice %arg8[%add3A_104, %dma_wait3A_191] : memref<10008x128xf32, #tpu.memory_space<vmem_shared>> -> memref<48x128xf32, #tpu.memory_space<vmem_shared>>
      %dma_wait3A_193 = arith.constant 0 : i32
      %dma_wait3A_194 = arith.constant 0 : i32
      %dma_wait3A_195 = tpu.memref_slice %arg13[%dma_wait3A_193, %dma_wait3A_194] : memref<64x128xf32, #tpu.memory_space<vmem>> -> memref<48x128xf32, #tpu.memory_space<vmem>>
      tpu.wait_dma2 semaphore(%run_scoped3A : memref<!tpu.dma_semaphore, #tpu.memory_space<semaphore_mem>>) src(%dma_wait3A_195 : memref<48x128xf32, #tpu.memory_space<vmem>>) dst(%dma_wait3A_192 : memref<48x128xf32, #tpu.memory_space<vmem_shared>>)
      tpu.yield
    }) : () -> ()
    %add3A_105 = arith.constant 240 : i32
    %add3A_106 = arith.addi %mul3A_0, %add3A_105 : i32
    "tpu.region"() ({
      %run_scoped3A = tpu.sem_alloc : memref<!tpu.dma_semaphore, #tpu.memory_space<semaphore_mem>>
      %dma_start3A_176 = arith.constant 0 : i32
      %dma_start3A_177 = arith.constant 0 : i32
      %dma_start3A_178 = tpu.memref_slice %arg13[%dma_start3A_176, %dma_start3A_177] : memref<64x128xf32, #tpu.memory_space<vmem>> -> memref<48x128xf32, #tpu.memory_space<vmem>>
      %dma_start3A_179 = arith.constant 0 : i32
      %dma_start3A_180 = tpu.memref_slice %arg8[%add3A_106, %dma_start3A_179] : memref<10008x128xf32, #tpu.memory_space<vmem_shared>> -> memref<48x128xf32, #tpu.memory_space<vmem_shared>>
      %dma_start3A_181 = arith.constant 0 : i32
      %dma_start3A_182 = tpu.memref_slice %arg8[%add3A_106, %dma_start3A_181] : memref<10008x128xf32, #tpu.memory_space<vmem_shared>> -> memref<48x128xf32, #tpu.memory_space<vmem_shared>>
      %dma_start3A_183 = arith.constant 0 : i32
      %dma_start3A_184 = arith.constant 0 : i32
      %dma_start3A_185 = tpu.memref_slice %arg13[%dma_start3A_183, %dma_start3A_184] : memref<64x128xf32, #tpu.memory_space<vmem>> -> memref<48x128xf32, #tpu.memory_space<vmem>>
      tpu.enqueue_dma source(%dma_start3A_185 : memref<48x128xf32, #tpu.memory_space<vmem>>) target(%dma_start3A_182 : memref<48x128xf32, #tpu.memory_space<vmem_shared>>) target_semaphore(%run_scoped3A : memref<!tpu.dma_semaphore, #tpu.memory_space<semaphore_mem>>)
      %dma_wait3A_186 = arith.constant 0 : i32
      %dma_wait3A_187 = arith.constant 0 : i32
      %dma_wait3A_188 = tpu.memref_slice %arg13[%dma_wait3A_186, %dma_wait3A_187] : memref<64x128xf32, #tpu.memory_space<vmem>> -> memref<48x128xf32, #tpu.memory_space<vmem>>
      %dma_wait3A_189 = arith.constant 0 : i32
      %dma_wait3A_190 = tpu.memref_slice %arg8[%add3A_106, %dma_wait3A_189] : memref<10008x128xf32, #tpu.memory_space<vmem_shared>> -> memref<48x128xf32, #tpu.memory_space<vmem_shared>>
      %dma_wait3A_191 = arith.constant 0 : i32
      %dma_wait3A_192 = tpu.memref_slice %arg8[%add3A_106, %dma_wait3A_191] : memref<10008x128xf32, #tpu.memory_space<vmem_shared>> -> memref<48x128xf32, #tpu.memory_space<vmem_shared>>
      %dma_wait3A_193 = arith.constant 0 : i32
      %dma_wait3A_194 = arith.constant 0 : i32
      %dma_wait3A_195 = tpu.memref_slice %arg13[%dma_wait3A_193, %dma_wait3A_194] : memref<64x128xf32, #tpu.memory_space<vmem>> -> memref<48x128xf32, #tpu.memory_space<vmem>>
      tpu.wait_dma2 semaphore(%run_scoped3A : memref<!tpu.dma_semaphore, #tpu.memory_space<semaphore_mem>>) src(%dma_wait3A_195 : memref<48x128xf32, #tpu.memory_space<vmem>>) dst(%dma_wait3A_192 : memref<48x128xf32, #tpu.memory_space<vmem_shared>>)
      tpu.yield
    }) : () -> ()
    %add3A_107 = arith.constant 288 : i32
    %add3A_108 = arith.addi %mul3A_0, %add3A_107 : i32
    "tpu.region"() ({
      %run_scoped3A = tpu.sem_alloc : memref<!tpu.dma_semaphore, #tpu.memory_space<semaphore_mem>>
      %dma_start3A_176 = arith.constant 0 : i32
      %dma_start3A_177 = arith.constant 0 : i32
      %dma_start3A_178 = tpu.memref_slice %arg13[%dma_start3A_176, %dma_start3A_177] : memref<64x128xf32, #tpu.memory_space<vmem>> -> memref<48x128xf32, #tpu.memory_space<vmem>>
      %dma_start3A_179 = arith.constant 0 : i32
      %dma_start3A_180 = tpu.memref_slice %arg8[%add3A_108, %dma_start3A_179] : memref<10008x128xf32, #tpu.memory_space<vmem_shared>> -> memref<48x128xf32, #tpu.memory_space<vmem_shared>>
      %dma_start3A_181 = arith.constant 0 : i32
      %dma_start3A_182 = tpu.memref_slice %arg8[%add3A_108, %dma_start3A_181] : memref<10008x128xf32, #tpu.memory_space<vmem_shared>> -> memref<48x128xf32, #tpu.memory_space<vmem_shared>>
      %dma_start3A_183 = arith.constant 0 : i32
      %dma_start3A_184 = arith.constant 0 : i32
      %dma_start3A_185 = tpu.memref_slice %arg13[%dma_start3A_183, %dma_start3A_184] : memref<64x128xf32, #tpu.memory_space<vmem>> -> memref<48x128xf32, #tpu.memory_space<vmem>>
      tpu.enqueue_dma source(%dma_start3A_185 : memref<48x128xf32, #tpu.memory_space<vmem>>) target(%dma_start3A_182 : memref<48x128xf32, #tpu.memory_space<vmem_shared>>) target_semaphore(%run_scoped3A : memref<!tpu.dma_semaphore, #tpu.memory_space<semaphore_mem>>)
      %dma_wait3A_186 = arith.constant 0 : i32
      %dma_wait3A_187 = arith.constant 0 : i32
      %dma_wait3A_188 = tpu.memref_slice %arg13[%dma_wait3A_186, %dma_wait3A_187] : memref<64x128xf32, #tpu.memory_space<vmem>> -> memref<48x128xf32, #tpu.memory_space<vmem>>
      %dma_wait3A_189 = arith.constant 0 : i32
      %dma_wait3A_190 = tpu.memref_slice %arg8[%add3A_108, %dma_wait3A_189] : memref<10008x128xf32, #tpu.memory_space<vmem_shared>> -> memref<48x128xf32, #tpu.memory_space<vmem_shared>>
      %dma_wait3A_191 = arith.constant 0 : i32
      %dma_wait3A_192 = tpu.memref_slice %arg8[%add3A_108, %dma_wait3A_191] : memref<10008x128xf32, #tpu.memory_space<vmem_shared>> -> memref<48x128xf32, #tpu.memory_space<vmem_shared>>
      %dma_wait3A_193 = arith.constant 0 : i32
      %dma_wait3A_194 = arith.constant 0 : i32
      %dma_wait3A_195 = tpu.memref_slice %arg13[%dma_wait3A_193, %dma_wait3A_194] : memref<64x128xf32, #tpu.memory_space<vmem>> -> memref<48x128xf32, #tpu.memory_space<vmem>>
      tpu.wait_dma2 semaphore(%run_scoped3A : memref<!tpu.dma_semaphore, #tpu.memory_space<semaphore_mem>>) src(%dma_wait3A_195 : memref<48x128xf32, #tpu.memory_space<vmem>>) dst(%dma_wait3A_192 : memref<48x128xf32, #tpu.memory_space<vmem_shared>>)
      tpu.yield
    }) : () -> ()
    %add3A_109 = arith.constant 336 : i32
    %add3A_110 = arith.addi %mul3A_0, %add3A_109 : i32
    "tpu.region"() ({
      %run_scoped3A = tpu.sem_alloc : memref<!tpu.dma_semaphore, #tpu.memory_space<semaphore_mem>>
      %dma_start3A_176 = arith.constant 0 : i32
      %dma_start3A_177 = arith.constant 0 : i32
      %dma_start3A_178 = tpu.memref_slice %arg13[%dma_start3A_176, %dma_start3A_177] : memref<64x128xf32, #tpu.memory_space<vmem>> -> memref<48x128xf32, #tpu.memory_space<vmem>>
      %dma_start3A_179 = arith.constant 0 : i32
      %dma_start3A_180 = tpu.memref_slice %arg8[%add3A_110, %dma_start3A_179] : memref<10008x128xf32, #tpu.memory_space<vmem_shared>> -> memref<48x128xf32, #tpu.memory_space<vmem_shared>>
      %dma_start3A_181 = arith.constant 0 : i32
      %dma_start3A_182 = tpu.memref_slice %arg8[%add3A_110, %dma_start3A_181] : memref<10008x128xf32, #tpu.memory_space<vmem_shared>> -> memref<48x128xf32, #tpu.memory_space<vmem_shared>>
      %dma_start3A_183 = arith.constant 0 : i32
      %dma_start3A_184 = arith.constant 0 : i32
      %dma_start3A_185 = tpu.memref_slice %arg13[%dma_start3A_183, %dma_start3A_184] : memref<64x128xf32, #tpu.memory_space<vmem>> -> memref<48x128xf32, #tpu.memory_space<vmem>>
      tpu.enqueue_dma source(%dma_start3A_185 : memref<48x128xf32, #tpu.memory_space<vmem>>) target(%dma_start3A_182 : memref<48x128xf32, #tpu.memory_space<vmem_shared>>) target_semaphore(%run_scoped3A : memref<!tpu.dma_semaphore, #tpu.memory_space<semaphore_mem>>)
      %dma_wait3A_186 = arith.constant 0 : i32
      %dma_wait3A_187 = arith.constant 0 : i32
      %dma_wait3A_188 = tpu.memref_slice %arg13[%dma_wait3A_186, %dma_wait3A_187] : memref<64x128xf32, #tpu.memory_space<vmem>> -> memref<48x128xf32, #tpu.memory_space<vmem>>
      %dma_wait3A_189 = arith.constant 0 : i32
      %dma_wait3A_190 = tpu.memref_slice %arg8[%add3A_110, %dma_wait3A_189] : memref<10008x128xf32, #tpu.memory_space<vmem_shared>> -> memref<48x128xf32, #tpu.memory_space<vmem_shared>>
      %dma_wait3A_191 = arith.constant 0 : i32
      %dma_wait3A_192 = tpu.memref_slice %arg8[%add3A_110, %dma_wait3A_191] : memref<10008x128xf32, #tpu.memory_space<vmem_shared>> -> memref<48x128xf32, #tpu.memory_space<vmem_shared>>
      %dma_wait3A_193 = arith.constant 0 : i32
      %dma_wait3A_194 = arith.constant 0 : i32
      %dma_wait3A_195 = tpu.memref_slice %arg13[%dma_wait3A_193, %dma_wait3A_194] : memref<64x128xf32, #tpu.memory_space<vmem>> -> memref<48x128xf32, #tpu.memory_space<vmem>>
      tpu.wait_dma2 semaphore(%run_scoped3A : memref<!tpu.dma_semaphore, #tpu.memory_space<semaphore_mem>>) src(%dma_wait3A_195 : memref<48x128xf32, #tpu.memory_space<vmem>>) dst(%dma_wait3A_192 : memref<48x128xf32, #tpu.memory_space<vmem_shared>>)
      tpu.yield
    }) : () -> ()
    %add3A_111 = arith.constant 384 : i32
    %add3A_112 = arith.addi %mul3A_0, %add3A_111 : i32
    "tpu.region"() ({
      %run_scoped3A = tpu.sem_alloc : memref<!tpu.dma_semaphore, #tpu.memory_space<semaphore_mem>>
      %dma_start3A_176 = arith.constant 0 : i32
      %dma_start3A_177 = arith.constant 0 : i32
      %dma_start3A_178 = tpu.memref_slice %arg13[%dma_start3A_176, %dma_start3A_177] : memref<64x128xf32, #tpu.memory_space<vmem>> -> memref<48x128xf32, #tpu.memory_space<vmem>>
      %dma_start3A_179 = arith.constant 0 : i32
      %dma_start3A_180 = tpu.memref_slice %arg8[%add3A_112, %dma_start3A_179] : memref<10008x128xf32, #tpu.memory_space<vmem_shared>> -> memref<48x128xf32, #tpu.memory_space<vmem_shared>>
      %dma_start3A_181 = arith.constant 0 : i32
      %dma_start3A_182 = tpu.memref_slice %arg8[%add3A_112, %dma_start3A_181] : memref<10008x128xf32, #tpu.memory_space<vmem_shared>> -> memref<48x128xf32, #tpu.memory_space<vmem_shared>>
      %dma_start3A_183 = arith.constant 0 : i32
      %dma_start3A_184 = arith.constant 0 : i32
      %dma_start3A_185 = tpu.memref_slice %arg13[%dma_start3A_183, %dma_start3A_184] : memref<64x128xf32, #tpu.memory_space<vmem>> -> memref<48x128xf32, #tpu.memory_space<vmem>>
      tpu.enqueue_dma source(%dma_start3A_185 : memref<48x128xf32, #tpu.memory_space<vmem>>) target(%dma_start3A_182 : memref<48x128xf32, #tpu.memory_space<vmem_shared>>) target_semaphore(%run_scoped3A : memref<!tpu.dma_semaphore, #tpu.memory_space<semaphore_mem>>)
      %dma_wait3A_186 = arith.constant 0 : i32
      %dma_wait3A_187 = arith.constant 0 : i32
      %dma_wait3A_188 = tpu.memref_slice %arg13[%dma_wait3A_186, %dma_wait3A_187] : memref<64x128xf32, #tpu.memory_space<vmem>> -> memref<48x128xf32, #tpu.memory_space<vmem>>
      %dma_wait3A_189 = arith.constant 0 : i32
      %dma_wait3A_190 = tpu.memref_slice %arg8[%add3A_112, %dma_wait3A_189] : memref<10008x128xf32, #tpu.memory_space<vmem_shared>> -> memref<48x128xf32, #tpu.memory_space<vmem_shared>>
      %dma_wait3A_191 = arith.constant 0 : i32
      %dma_wait3A_192 = tpu.memref_slice %arg8[%add3A_112, %dma_wait3A_191] : memref<10008x128xf32, #tpu.memory_space<vmem_shared>> -> memref<48x128xf32, #tpu.memory_space<vmem_shared>>
      %dma_wait3A_193 = arith.constant 0 : i32
      %dma_wait3A_194 = arith.constant 0 : i32
      %dma_wait3A_195 = tpu.memref_slice %arg13[%dma_wait3A_193, %dma_wait3A_194] : memref<64x128xf32, #tpu.memory_space<vmem>> -> memref<48x128xf32, #tpu.memory_space<vmem>>
      tpu.wait_dma2 semaphore(%run_scoped3A : memref<!tpu.dma_semaphore, #tpu.memory_space<semaphore_mem>>) src(%dma_wait3A_195 : memref<48x128xf32, #tpu.memory_space<vmem>>) dst(%dma_wait3A_192 : memref<48x128xf32, #tpu.memory_space<vmem_shared>>)
      tpu.yield
    }) : () -> ()
    %add3A_113 = arith.constant 432 : i32
    %add3A_114 = arith.addi %mul3A_0, %add3A_113 : i32
    "tpu.region"() ({
      %run_scoped3A = tpu.sem_alloc : memref<!tpu.dma_semaphore, #tpu.memory_space<semaphore_mem>>
      %dma_start3A_176 = arith.constant 0 : i32
      %dma_start3A_177 = arith.constant 0 : i32
      %dma_start3A_178 = tpu.memref_slice %arg13[%dma_start3A_176, %dma_start3A_177] : memref<64x128xf32, #tpu.memory_space<vmem>> -> memref<48x128xf32, #tpu.memory_space<vmem>>
      %dma_start3A_179 = arith.constant 0 : i32
      %dma_start3A_180 = tpu.memref_slice %arg8[%add3A_114, %dma_start3A_179] : memref<10008x128xf32, #tpu.memory_space<vmem_shared>> -> memref<48x128xf32, #tpu.memory_space<vmem_shared>>
      %dma_start3A_181 = arith.constant 0 : i32
      %dma_start3A_182 = tpu.memref_slice %arg8[%add3A_114, %dma_start3A_181] : memref<10008x128xf32, #tpu.memory_space<vmem_shared>> -> memref<48x128xf32, #tpu.memory_space<vmem_shared>>
      %dma_start3A_183 = arith.constant 0 : i32
      %dma_start3A_184 = arith.constant 0 : i32
      %dma_start3A_185 = tpu.memref_slice %arg13[%dma_start3A_183, %dma_start3A_184] : memref<64x128xf32, #tpu.memory_space<vmem>> -> memref<48x128xf32, #tpu.memory_space<vmem>>
      tpu.enqueue_dma source(%dma_start3A_185 : memref<48x128xf32, #tpu.memory_space<vmem>>) target(%dma_start3A_182 : memref<48x128xf32, #tpu.memory_space<vmem_shared>>) target_semaphore(%run_scoped3A : memref<!tpu.dma_semaphore, #tpu.memory_space<semaphore_mem>>)
      %dma_wait3A_186 = arith.constant 0 : i32
      %dma_wait3A_187 = arith.constant 0 : i32
      %dma_wait3A_188 = tpu.memref_slice %arg13[%dma_wait3A_186, %dma_wait3A_187] : memref<64x128xf32, #tpu.memory_space<vmem>> -> memref<48x128xf32, #tpu.memory_space<vmem>>
      %dma_wait3A_189 = arith.constant 0 : i32
      %dma_wait3A_190 = tpu.memref_slice %arg8[%add3A_114, %dma_wait3A_189] : memref<10008x128xf32, #tpu.memory_space<vmem_shared>> -> memref<48x128xf32, #tpu.memory_space<vmem_shared>>
      %dma_wait3A_191 = arith.constant 0 : i32
      %dma_wait3A_192 = tpu.memref_slice %arg8[%add3A_114, %dma_wait3A_191] : memref<10008x128xf32, #tpu.memory_space<vmem_shared>> -> memref<48x128xf32, #tpu.memory_space<vmem_shared>>
      %dma_wait3A_193 = arith.constant 0 : i32
      %dma_wait3A_194 = arith.constant 0 : i32
      %dma_wait3A_195 = tpu.memref_slice %arg13[%dma_wait3A_193, %dma_wait3A_194] : memref<64x128xf32, #tpu.memory_space<vmem>> -> memref<48x128xf32, #tpu.memory_space<vmem>>
      tpu.wait_dma2 semaphore(%run_scoped3A : memref<!tpu.dma_semaphore, #tpu.memory_space<semaphore_mem>>) src(%dma_wait3A_195 : memref<48x128xf32, #tpu.memory_space<vmem>>) dst(%dma_wait3A_192 : memref<48x128xf32, #tpu.memory_space<vmem_shared>>)
      tpu.yield
    }) : () -> ()
    %add3A_115 = arith.constant 480 : i32
    %add3A_116 = arith.addi %mul3A_0, %add3A_115 : i32
    "tpu.region"() ({
      %run_scoped3A = tpu.sem_alloc : memref<!tpu.dma_semaphore, #tpu.memory_space<semaphore_mem>>
      %dma_start3A_176 = arith.constant 0 : i32
      %dma_start3A_177 = arith.constant 0 : i32
      %dma_start3A_178 = tpu.memref_slice %arg13[%dma_start3A_176, %dma_start3A_177] : memref<64x128xf32, #tpu.memory_space<vmem>> -> memref<48x128xf32, #tpu.memory_space<vmem>>
      %dma_start3A_179 = arith.constant 0 : i32
      %dma_start3A_180 = tpu.memref_slice %arg8[%add3A_116, %dma_start3A_179] : memref<10008x128xf32, #tpu.memory_space<vmem_shared>> -> memref<48x128xf32, #tpu.memory_space<vmem_shared>>
      %dma_start3A_181 = arith.constant 0 : i32
      %dma_start3A_182 = tpu.memref_slice %arg8[%add3A_116, %dma_start3A_181] : memref<10008x128xf32, #tpu.memory_space<vmem_shared>> -> memref<48x128xf32, #tpu.memory_space<vmem_shared>>
      %dma_start3A_183 = arith.constant 0 : i32
      %dma_start3A_184 = arith.constant 0 : i32
      %dma_start3A_185 = tpu.memref_slice %arg13[%dma_start3A_183, %dma_start3A_184] : memref<64x128xf32, #tpu.memory_space<vmem>> -> memref<48x128xf32, #tpu.memory_space<vmem>>
      tpu.enqueue_dma source(%dma_start3A_185 : memref<48x128xf32, #tpu.memory_space<vmem>>) target(%dma_start3A_182 : memref<48x128xf32, #tpu.memory_space<vmem_shared>>) target_semaphore(%run_scoped3A : memref<!tpu.dma_semaphore, #tpu.memory_space<semaphore_mem>>)
      %dma_wait3A_186 = arith.constant 0 : i32
      %dma_wait3A_187 = arith.constant 0 : i32
      %dma_wait3A_188 = tpu.memref_slice %arg13[%dma_wait3A_186, %dma_wait3A_187] : memref<64x128xf32, #tpu.memory_space<vmem>> -> memref<48x128xf32, #tpu.memory_space<vmem>>
      %dma_wait3A_189 = arith.constant 0 : i32
      %dma_wait3A_190 = tpu.memref_slice %arg8[%add3A_116, %dma_wait3A_189] : memref<10008x128xf32, #tpu.memory_space<vmem_shared>> -> memref<48x128xf32, #tpu.memory_space<vmem_shared>>
      %dma_wait3A_191 = arith.constant 0 : i32
      %dma_wait3A_192 = tpu.memref_slice %arg8[%add3A_116, %dma_wait3A_191] : memref<10008x128xf32, #tpu.memory_space<vmem_shared>> -> memref<48x128xf32, #tpu.memory_space<vmem_shared>>
      %dma_wait3A_193 = arith.constant 0 : i32
      %dma_wait3A_194 = arith.constant 0 : i32
      %dma_wait3A_195 = tpu.memref_slice %arg13[%dma_wait3A_193, %dma_wait3A_194] : memref<64x128xf32, #tpu.memory_space<vmem>> -> memref<48x128xf32, #tpu.memory_space<vmem>>
      tpu.wait_dma2 semaphore(%run_scoped3A : memref<!tpu.dma_semaphore, #tpu.memory_space<semaphore_mem>>) src(%dma_wait3A_195 : memref<48x128xf32, #tpu.memory_space<vmem>>) dst(%dma_wait3A_192 : memref<48x128xf32, #tpu.memory_space<vmem_shared>>)
      tpu.yield
    }) : () -> ()
    %add3A_117 = arith.constant 528 : i32
    %add3A_118 = arith.addi %mul3A_0, %add3A_117 : i32
    "tpu.region"() ({
      %run_scoped3A = tpu.sem_alloc : memref<!tpu.dma_semaphore, #tpu.memory_space<semaphore_mem>>
      %dma_start3A_176 = arith.constant 0 : i32
      %dma_start3A_177 = arith.constant 0 : i32
      %dma_start3A_178 = tpu.memref_slice %arg13[%dma_start3A_176, %dma_start3A_177] : memref<64x128xf32, #tpu.memory_space<vmem>> -> memref<48x128xf32, #tpu.memory_space<vmem>>
      %dma_start3A_179 = arith.constant 0 : i32
      %dma_start3A_180 = tpu.memref_slice %arg8[%add3A_118, %dma_start3A_179] : memref<10008x128xf32, #tpu.memory_space<vmem_shared>> -> memref<48x128xf32, #tpu.memory_space<vmem_shared>>
      %dma_start3A_181 = arith.constant 0 : i32
      %dma_start3A_182 = tpu.memref_slice %arg8[%add3A_118, %dma_start3A_181] : memref<10008x128xf32, #tpu.memory_space<vmem_shared>> -> memref<48x128xf32, #tpu.memory_space<vmem_shared>>
      %dma_start3A_183 = arith.constant 0 : i32
      %dma_start3A_184 = arith.constant 0 : i32
      %dma_start3A_185 = tpu.memref_slice %arg13[%dma_start3A_183, %dma_start3A_184] : memref<64x128xf32, #tpu.memory_space<vmem>> -> memref<48x128xf32, #tpu.memory_space<vmem>>
      tpu.enqueue_dma source(%dma_start3A_185 : memref<48x128xf32, #tpu.memory_space<vmem>>) target(%dma_start3A_182 : memref<48x128xf32, #tpu.memory_space<vmem_shared>>) target_semaphore(%run_scoped3A : memref<!tpu.dma_semaphore, #tpu.memory_space<semaphore_mem>>)
      %dma_wait3A_186 = arith.constant 0 : i32
      %dma_wait3A_187 = arith.constant 0 : i32
      %dma_wait3A_188 = tpu.memref_slice %arg13[%dma_wait3A_186, %dma_wait3A_187] : memref<64x128xf32, #tpu.memory_space<vmem>> -> memref<48x128xf32, #tpu.memory_space<vmem>>
      %dma_wait3A_189 = arith.constant 0 : i32
      %dma_wait3A_190 = tpu.memref_slice %arg8[%add3A_118, %dma_wait3A_189] : memref<10008x128xf32, #tpu.memory_space<vmem_shared>> -> memref<48x128xf32, #tpu.memory_space<vmem_shared>>
      %dma_wait3A_191 = arith.constant 0 : i32
      %dma_wait3A_192 = tpu.memref_slice %arg8[%add3A_118, %dma_wait3A_191] : memref<10008x128xf32, #tpu.memory_space<vmem_shared>> -> memref<48x128xf32, #tpu.memory_space<vmem_shared>>
      %dma_wait3A_193 = arith.constant 0 : i32
      %dma_wait3A_194 = arith.constant 0 : i32
      %dma_wait3A_195 = tpu.memref_slice %arg13[%dma_wait3A_193, %dma_wait3A_194] : memref<64x128xf32, #tpu.memory_space<vmem>> -> memref<48x128xf32, #tpu.memory_space<vmem>>
      tpu.wait_dma2 semaphore(%run_scoped3A : memref<!tpu.dma_semaphore, #tpu.memory_space<semaphore_mem>>) src(%dma_wait3A_195 : memref<48x128xf32, #tpu.memory_space<vmem>>) dst(%dma_wait3A_192 : memref<48x128xf32, #tpu.memory_space<vmem_shared>>)
      tpu.yield
    }) : () -> ()
    %add3A_119 = arith.constant 576 : i32
    %add3A_120 = arith.addi %mul3A_0, %add3A_119 : i32
    "tpu.region"() ({
      %run_scoped3A = tpu.sem_alloc : memref<!tpu.dma_semaphore, #tpu.memory_space<semaphore_mem>>
      %dma_start3A_176 = arith.constant 0 : i32
      %dma_start3A_177 = arith.constant 0 : i32
      %dma_start3A_178 = tpu.memref_slice %arg13[%dma_start3A_176, %dma_start3A_177] : memref<64x128xf32, #tpu.memory_space<vmem>> -> memref<48x128xf32, #tpu.memory_space<vmem>>
      %dma_start3A_179 = arith.constant 0 : i32
      %dma_start3A_180 = tpu.memref_slice %arg8[%add3A_120, %dma_start3A_179] : memref<10008x128xf32, #tpu.memory_space<vmem_shared>> -> memref<48x128xf32, #tpu.memory_space<vmem_shared>>
      %dma_start3A_181 = arith.constant 0 : i32
      %dma_start3A_182 = tpu.memref_slice %arg8[%add3A_120, %dma_start3A_181] : memref<10008x128xf32, #tpu.memory_space<vmem_shared>> -> memref<48x128xf32, #tpu.memory_space<vmem_shared>>
      %dma_start3A_183 = arith.constant 0 : i32
      %dma_start3A_184 = arith.constant 0 : i32
      %dma_start3A_185 = tpu.memref_slice %arg13[%dma_start3A_183, %dma_start3A_184] : memref<64x128xf32, #tpu.memory_space<vmem>> -> memref<48x128xf32, #tpu.memory_space<vmem>>
      tpu.enqueue_dma source(%dma_start3A_185 : memref<48x128xf32, #tpu.memory_space<vmem>>) target(%dma_start3A_182 : memref<48x128xf32, #tpu.memory_space<vmem_shared>>) target_semaphore(%run_scoped3A : memref<!tpu.dma_semaphore, #tpu.memory_space<semaphore_mem>>)
      %dma_wait3A_186 = arith.constant 0 : i32
      %dma_wait3A_187 = arith.constant 0 : i32
      %dma_wait3A_188 = tpu.memref_slice %arg13[%dma_wait3A_186, %dma_wait3A_187] : memref<64x128xf32, #tpu.memory_space<vmem>> -> memref<48x128xf32, #tpu.memory_space<vmem>>
      %dma_wait3A_189 = arith.constant 0 : i32
      %dma_wait3A_190 = tpu.memref_slice %arg8[%add3A_120, %dma_wait3A_189] : memref<10008x128xf32, #tpu.memory_space<vmem_shared>> -> memref<48x128xf32, #tpu.memory_space<vmem_shared>>
      %dma_wait3A_191 = arith.constant 0 : i32
      %dma_wait3A_192 = tpu.memref_slice %arg8[%add3A_120, %dma_wait3A_191] : memref<10008x128xf32, #tpu.memory_space<vmem_shared>> -> memref<48x128xf32, #tpu.memory_space<vmem_shared>>
      %dma_wait3A_193 = arith.constant 0 : i32
      %dma_wait3A_194 = arith.constant 0 : i32
      %dma_wait3A_195 = tpu.memref_slice %arg13[%dma_wait3A_193, %dma_wait3A_194] : memref<64x128xf32, #tpu.memory_space<vmem>> -> memref<48x128xf32, #tpu.memory_space<vmem>>
      tpu.wait_dma2 semaphore(%run_scoped3A : memref<!tpu.dma_semaphore, #tpu.memory_space<semaphore_mem>>) src(%dma_wait3A_195 : memref<48x128xf32, #tpu.memory_space<vmem>>) dst(%dma_wait3A_192 : memref<48x128xf32, #tpu.memory_space<vmem_shared>>)
      tpu.yield
    }) : () -> ()
    %eq3A_121 = arith.constant 15 : i32
    %eq3A_122 = arith.cmpi eq, %arg1, %eq3A_121 : i32
    %convert_element_type3A_123 = arith.extui %eq3A_122 : i1 to i32
    %cond3A_124 = arith.constant 0 : i32
    %cond3A_125 = arith.cmpi ne, %convert_element_type3A_123, %cond3A_124 : i32
    scf.if %cond3A_125 {
      "tpu.region"() ({
        %run_scoped3A = tpu.sem_alloc : memref<!tpu.dma_semaphore, #tpu.memory_space<semaphore_mem>>
        %dma_start3A_176 = arith.constant 0 : i32
        %dma_start3A_177 = arith.constant 0 : i32
        %dma_start3A_178 = tpu.memref_slice %arg13[%dma_start3A_176, %dma_start3A_177] : memref<64x128xf32, #tpu.memory_space<vmem>> -> memref<24x128xf32, #tpu.memory_space<vmem>>
        %dma_start3A_179 = arith.constant 9984 : i32
        %dma_start3A_180 = arith.constant 0 : i32
        %dma_start3A_181 = tpu.memref_slice %arg8[%dma_start3A_179, %dma_start3A_180] : memref<10008x128xf32, #tpu.memory_space<vmem_shared>> -> memref<24x128xf32, #tpu.memory_space<vmem_shared>>
        %dma_start3A_182 = arith.constant 9984 : i32
        %dma_start3A_183 = arith.constant 0 : i32
        %dma_start3A_184 = tpu.memref_slice %arg8[%dma_start3A_182, %dma_start3A_183] : memref<10008x128xf32, #tpu.memory_space<vmem_shared>> -> memref<24x128xf32, #tpu.memory_space<vmem_shared>>
        %dma_start3A_185 = arith.constant 0 : i32
        %dma_start3A_186 = arith.constant 0 : i32
        %dma_start3A_187 = tpu.memref_slice %arg13[%dma_start3A_185, %dma_start3A_186] : memref<64x128xf32, #tpu.memory_space<vmem>> -> memref<24x128xf32, #tpu.memory_space<vmem>>
        tpu.enqueue_dma source(%dma_start3A_187 : memref<24x128xf32, #tpu.memory_space<vmem>>) target(%dma_start3A_184 : memref<24x128xf32, #tpu.memory_space<vmem_shared>>) target_semaphore(%run_scoped3A : memref<!tpu.dma_semaphore, #tpu.memory_space<semaphore_mem>>)
        %dma_wait3A_188 = arith.constant 0 : i32
        %dma_wait3A_189 = arith.constant 0 : i32
        %dma_wait3A_190 = tpu.memref_slice %arg13[%dma_wait3A_188, %dma_wait3A_189] : memref<64x128xf32, #tpu.memory_space<vmem>> -> memref<24x128xf32, #tpu.memory_space<vmem>>
        %dma_wait3A_191 = arith.constant 9984 : i32
        %dma_wait3A_192 = arith.constant 0 : i32
        %dma_wait3A_193 = tpu.memref_slice %arg8[%dma_wait3A_191, %dma_wait3A_192] : memref<10008x128xf32, #tpu.memory_space<vmem_shared>> -> memref<24x128xf32, #tpu.memory_space<vmem_shared>>
        %dma_wait3A_194 = arith.constant 9984 : i32
        %dma_wait3A_195 = arith.constant 0 : i32
        %dma_wait3A_196 = tpu.memref_slice %arg8[%dma_wait3A_194, %dma_wait3A_195] : memref<10008x128xf32, #tpu.memory_space<vmem_shared>> -> memref<24x128xf32, #tpu.memory_space<vmem_shared>>
        %dma_wait3A_197 = arith.constant 0 : i32
        %dma_wait3A_198 = arith.constant 0 : i32
        %dma_wait3A_199 = tpu.memref_slice %arg13[%dma_wait3A_197, %dma_wait3A_198] : memref<64x128xf32, #tpu.memory_space<vmem>> -> memref<24x128xf32, #tpu.memory_space<vmem>>
        tpu.wait_dma2 semaphore(%run_scoped3A : memref<!tpu.dma_semaphore, #tpu.memory_space<semaphore_mem>>) src(%dma_wait3A_199 : memref<24x128xf32, #tpu.memory_space<vmem>>) dst(%dma_wait3A_196 : memref<24x128xf32, #tpu.memory_space<vmem_shared>>)
        tpu.yield
      }) : () -> ()
    } else {
    }
    %scan3A_126 = arith.constant 0 : i32
    %scan3A_127 = arith.constant 0 : i32
    %scan3A_128 = arith.constant 64 : i32
    %scan3A_129 = arith.addi %scan3A_127, %scan3A_128 : i32
    %scan3A_130 = arith.constant 1 : i32
    %scan3A_131 = scf.for %scan3A_176 = %scan3A_127 to %scan3A_129 step %scan3A_130 iter_args(%scan3A_177 = %scan3A_126) -> (i32)  : i32 {
      %swap3A = arith.index_cast %scan3A_176 : i32 to index
      %swap3A_178 = arith.constant 0 : index
      %swap3A_179 = tpu.vector_load %arg13[%swap3A, %swap3A_178] {strides = array<i32>} : memref<64x128xf32, #tpu.memory_space<vmem>>, vector<1x16xf32>,
      %swap3A_180 = vector.shape_cast %swap3A_179 : vector<1x16xf32> to vector<16xf32>
      %swap3A_181 = vector.shape_cast %broadcast_in_dim3A_3 : vector<16xf32> to vector<1x16xf32>
      tpu.vector_store %arg13[%swap3A, %swap3A_178], %swap3A_181 {strides = array<i32>} : memref<64x128xf32, #tpu.memory_space<vmem>>, vector<1x16xf32>,
      %swap3A_182 = arith.index_cast %scan3A_176 : i32 to index
      %swap3A_183 = arith.constant 16 : index
      %swap3A_184 = tpu.vector_load %arg13[%swap3A_182, %swap3A_183] {strides = array<i32>} : memref<64x128xf32, #tpu.memory_space<vmem>>, vector<1x16xf32>,
      %swap3A_185 = vector.shape_cast %swap3A_184 : vector<1x16xf32> to vector<16xf32>
      %swap3A_186 = vector.shape_cast %broadcast_in_dim3A_3 : vector<16xf32> to vector<1x16xf32>
      tpu.vector_store %arg13[%swap3A_182, %swap3A_183], %swap3A_186 {strides = array<i32>} : memref<64x128xf32, #tpu.memory_space<vmem>>, vector<1x16xf32>,
      %swap3A_187 = arith.index_cast %scan3A_176 : i32 to index
      %swap3A_188 = arith.constant 32 : index
      %swap3A_189 = tpu.vector_load %arg13[%swap3A_187, %swap3A_188] {strides = array<i32>} : memref<64x128xf32, #tpu.memory_space<vmem>>, vector<1x16xf32>,
      %swap3A_190 = vector.shape_cast %swap3A_189 : vector<1x16xf32> to vector<16xf32>
      %swap3A_191 = vector.shape_cast %broadcast_in_dim3A_3 : vector<16xf32> to vector<1x16xf32>
      tpu.vector_store %arg13[%swap3A_187, %swap3A_188], %swap3A_191 {strides = array<i32>} : memref<64x128xf32, #tpu.memory_space<vmem>>, vector<1x16xf32>,
      %swap3A_192 = arith.index_cast %scan3A_176 : i32 to index
      %swap3A_193 = arith.constant 48 : index
      %swap3A_194 = tpu.vector_load %arg13[%swap3A_192, %swap3A_193] {strides = array<i32>} : memref<64x128xf32, #tpu.memory_space<vmem>>, vector<1x16xf32>,
      %swap3A_195 = vector.shape_cast %swap3A_194 : vector<1x16xf32> to vector<16xf32>
      %swap3A_196 = vector.shape_cast %broadcast_in_dim3A_3 : vector<16xf32> to vector<1x16xf32>
      tpu.vector_store %arg13[%swap3A_192, %swap3A_193], %swap3A_196 {strides = array<i32>} : memref<64x128xf32, #tpu.memory_space<vmem>>, vector<1x16xf32>,
      %swap3A_197 = arith.index_cast %scan3A_176 : i32 to index
      %swap3A_198 = arith.constant 64 : index
      %swap3A_199 = tpu.vector_load %arg13[%swap3A_197, %swap3A_198] {strides = array<i32>} : memref<64x128xf32, #tpu.memory_space<vmem>>, vector<1x16xf32>,
      %swap3A_200 = vector.shape_cast %swap3A_199 : vector<1x16xf32> to vector<16xf32>
      %swap3A_201 = vector.shape_cast %broadcast_in_dim3A_3 : vector<16xf32> to vector<1x16xf32>
      tpu.vector_store %arg13[%swap3A_197, %swap3A_198], %swap3A_201 {strides = array<i32>} : memref<64x128xf32, #tpu.memory_space<vmem>>, vector<1x16xf32>,
      %swap3A_202 = arith.index_cast %scan3A_176 : i32 to index
      %swap3A_203 = arith.constant 80 : index
      %swap3A_204 = tpu.vector_load %arg13[%swap3A_202, %swap3A_203] {strides = array<i32>} : memref<64x128xf32, #tpu.memory_space<vmem>>, vector<1x16xf32>,
      %swap3A_205 = vector.shape_cast %swap3A_204 : vector<1x16xf32> to vector<16xf32>
      %swap3A_206 = vector.shape_cast %broadcast_in_dim3A_3 : vector<16xf32> to vector<1x16xf32>
      tpu.vector_store %arg13[%swap3A_202, %swap3A_203], %swap3A_206 {strides = array<i32>} : memref<64x128xf32, #tpu.memory_space<vmem>>, vector<1x16xf32>,
      %swap3A_207 = arith.index_cast %scan3A_176 : i32 to index
      %swap3A_208 = arith.constant 96 : index
      %swap3A_209 = tpu.vector_load %arg13[%swap3A_207, %swap3A_208] {strides = array<i32>} : memref<64x128xf32, #tpu.memory_space<vmem>>, vector<1x16xf32>,
      %swap3A_210 = vector.shape_cast %swap3A_209 : vector<1x16xf32> to vector<16xf32>
      %swap3A_211 = vector.shape_cast %broadcast_in_dim3A_3 : vector<16xf32> to vector<1x16xf32>
      tpu.vector_store %arg13[%swap3A_207, %swap3A_208], %swap3A_211 {strides = array<i32>} : memref<64x128xf32, #tpu.memory_space<vmem>>, vector<1x16xf32>,
      %swap3A_212 = arith.index_cast %scan3A_176 : i32 to index
      %swap3A_213 = arith.constant 112 : index
      %swap3A_214 = tpu.vector_load %arg13[%swap3A_212, %swap3A_213] {strides = array<i32>} : memref<64x128xf32, #tpu.memory_space<vmem>>, vector<1x16xf32>,
      %swap3A_215 = vector.shape_cast %swap3A_214 : vector<1x16xf32> to vector<16xf32>
      %swap3A_216 = vector.shape_cast %broadcast_in_dim3A_3 : vector<16xf32> to vector<1x16xf32>
      tpu.vector_store %arg13[%swap3A_212, %swap3A_213], %swap3A_216 {strides = array<i32>} : memref<64x128xf32, #tpu.memory_space<vmem>>, vector<1x16xf32>,
      %scan3A_217 = arith.constant 0 : i32
      scf.yield %scan3A_217 : i32
    }
    %scan3A_132 = arith.constant 64 : i32
    %barrier3A_133 = arith.constant 0 : index
    tpu.barrier barrier_id(%barrier3A_133)
    %mul3A_134 = arith.constant 160 : i32
    %mul3A_135 = arith.muli %arg0, %mul3A_134 : i32
    %add3A_136 = arith.addi %mul3A_135, %arg1 : i32
    %mul3A_137 = arith.constant 2048 : i32
    %mul3A_138 = arith.muli %add3A_136, %mul3A_137 : i32
    %dma_start3A_139 = arith.constant 1 : i32
    %dma_start3A_140 = tpu.memref_slice %arg2[%dma_start3A_139, %mul3A_138] : memref<2x655360xi32, #tpu.memory_space<hbm>> -> memref<1x2048xi32, #tpu.memory_space<hbm>>
    %dma_start3A_141 = tpu.memref_squeeze %dma_start3A_140 : memref<1x2048xi32, #tpu.memory_space<hbm>> -> memref<2048xi32, #tpu.memory_space<hbm>>
    %dma_start3A_142 = tpu.memref_slice %arg2[%dma_start3A_139, %mul3A_138] : memref<2x655360xi32, #tpu.memory_space<hbm>> -> memref<1x2048xi32, #tpu.memory_space<hbm>>
    %dma_start3A_143 = tpu.memref_squeeze %dma_start3A_142 : memref<1x2048xi32, #tpu.memory_space<hbm>> -> memref<2048xi32, #tpu.memory_space<hbm>>
    tpu.enqueue_dma source(%dma_start3A_143 : memref<2048xi32, #tpu.memory_space<hbm>>) target(%arg12 : memref<2048xi32, #tpu.memory_space<vmem>>) target_semaphore(%arg19 : memref<!tpu.dma_semaphore, #tpu.memory_space<semaphore_mem>>)
    %scan3A_144 = arith.constant 0 : i32
    %scan3A_145 = arith.constant 0 : i32
    %scan3A_146 = arith.constant 160 : i32
    %scan3A_147 = arith.addi %scan3A_145, %scan3A_146 : i32
    %scan3A_148 = arith.constant 1 : i32
    %scan3A_149 = scf.for %scan3A_176 = %scan3A_145 to %scan3A_147 step %scan3A_148 iter_args(%scan3A_177 = %scan3A_144) -> (i32)  : i32 {
      %jit3A = arith.constant 16 : i32
      %div3A = arith.divsi %scan3A_176, %jit3A : i32
      %sign3A = arith.constant 0 : i32
      %sign3A_178 = arith.cmpi sgt, %scan3A_176, %sign3A : i32
      %sign3A_179 = arith.extui %sign3A_178 : i1 to i32
      %sign3A_180 = arith.constant 0 : i32
      %sign3A_181 = arith.cmpi slt, %scan3A_176, %sign3A_180 : i32
      %sign3A_182 = arith.extui %sign3A_181 : i1 to i32
      %sign3A_183 = arith.subi %sign3A_179, %sign3A_182 : i32
      %sign3A_184 = arith.constant 0 : i32
      %sign3A_185 = arith.cmpi sgt, %jit3A, %sign3A_184 : i32
      %sign3A_186 = arith.extui %sign3A_185 : i1 to i32
      %sign3A_187 = arith.constant 0 : i32
      %sign3A_188 = arith.cmpi slt, %jit3A, %sign3A_187 : i32
      %sign3A_189 = arith.extui %sign3A_188 : i1 to i32
      %sign3A_190 = arith.subi %sign3A_186, %sign3A_189 : i32
      %ne3A = arith.cmpi ne, %sign3A_183, %sign3A_190 : i32
      %rem3A = arith.remsi %scan3A_176, %jit3A : i32
      %ne3A_191 = arith.constant 0 : i32
      %ne3A_192 = arith.cmpi ne, %rem3A, %ne3A_191 : i32
      %and3A = arith.andi %ne3A, %ne3A_192 : i1
      %sub3A = arith.constant 1 : i32
      %sub3A_193 = arith.subi %div3A, %sub3A : i32
      %select_n3A = arith.select %and3A, %sub3A_193, %div3A : i32
      %jit3A_194 = arith.constant 2 : i32
      %eq3A_195 = arith.constant 0 : i32
      %eq3A_196 = arith.cmpi eq, %jit3A_194, %eq3A_195 : i32
      %jit3A_197 = arith.constant 1 : i32
      %select_n3A_198 = arith.select %eq3A_196, %jit3A_197, %jit3A_194 : i32
      %rem3A_199 = arith.remsi %select_n3A, %select_n3A_198 : i32
      %ne3A_200 = arith.constant 0 : i32
      %ne3A_201 = arith.cmpi ne, %rem3A_199, %ne3A_200 : i32
      %lt3A = arith.constant 0 : i32
      %lt3A_202 = arith.cmpi slt, %rem3A_199, %lt3A : i32
      %lt3A_203 = arith.constant 0 : i32
      %lt3A_204 = arith.cmpi slt, %select_n3A_198, %lt3A_203 : i32
      %ne3A_205 = arith.xori %lt3A_202, %lt3A_204 : i1
      %and3A_206 = arith.andi %ne3A_205, %ne3A_201 : i1
      %add3A_207 = arith.addi %rem3A_199, %select_n3A_198 : i32
      %select_n3A_208 = arith.select %and3A_206, %add3A_207, %rem3A_199 : i32
      %mul3A_209 = arith.constant 16 : i32
      %mul3A_210 = arith.muli %select_n3A_208, %mul3A_209 : i32
      %jit3A_211 = arith.constant 16 : i32
      %eq3A_212 = arith.constant 0 : i32
      %eq3A_213 = arith.cmpi eq, %jit3A_211, %eq3A_212 : i32
      %jit3A_214 = arith.constant 1 : i32
      %select_n3A_215 = arith.select %eq3A_213, %jit3A_214, %jit3A_211 : i32
      %rem3A_216 = arith.remsi %scan3A_176, %select_n3A_215 : i32
      %ne3A_217 = arith.constant 0 : i32
      %ne3A_218 = arith.cmpi ne, %rem3A_216, %ne3A_217 : i32
      %lt3A_219 = arith.constant 0 : i32
      %lt3A_220 = arith.cmpi slt, %rem3A_216, %lt3A_219 : i32
      %lt3A_221 = arith.constant 0 : i32
      %lt3A_222 = arith.cmpi slt, %select_n3A_215, %lt3A_221 : i32
      %ne3A_223 = arith.xori %lt3A_220, %lt3A_222 : i1
      %and3A_224 = arith.andi %ne3A_223, %ne3A_218 : i1
      %add3A_225 = arith.addi %rem3A_216, %select_n3A_215 : i32
      %select_n3A_226 = arith.select %and3A_224, %add3A_225, %rem3A_216 : i32
      %add3A_227 = arith.addi %mul3A_210, %select_n3A_226 : i32
      %jit3A_228 = arith.constant 16 : i32
      %eq3A_229 = arith.constant 0 : i32
      %eq3A_230 = arith.cmpi eq, %jit3A_228, %eq3A_229 : i32
      %jit3A_231 = arith.constant 1 : i32
      %select_n3A_232 = arith.select %eq3A_230, %jit3A_231, %jit3A_228 : i32
      %rem3A_233 = arith.remsi %scan3A_176, %select_n3A_232 : i32
      %ne3A_234 = arith.constant 0 : i32
      %ne3A_235 = arith.cmpi ne, %rem3A_233, %ne3A_234 : i32
      %lt3A_236 = arith.constant 0 : i32
      %lt3A_237 = arith.cmpi slt, %rem3A_233, %lt3A_236 : i32
      %lt3A_238 = arith.constant 0 : i32
      %lt3A_239 = arith.cmpi slt, %select_n3A_232, %lt3A_238 : i32
      %ne3A_240 = arith.xori %lt3A_237, %lt3A_239 : i1
      %and3A_241 = arith.andi %ne3A_240, %ne3A_235 : i1
      %add3A_242 = arith.addi %rem3A_233, %select_n3A_232 : i32
      %select_n3A_243 = arith.select %and3A_241, %add3A_242, %rem3A_233 : i32
      %eq3A_244 = arith.constant 0 : i32
      %eq3A_245 = arith.cmpi eq, %select_n3A_243, %eq3A_244 : i32
      %convert_element_type3A_246 = arith.extui %eq3A_245 : i1 to i32
      %cond3A_247 = arith.constant 0 : i32
      %cond3A_248 = arith.cmpi ne, %convert_element_type3A_246, %cond3A_247 : i32
      scf.if %cond3A_248 {
        %dma_wait3A_260 = arith.constant 1 : i32
        %dma_wait3A_261 = arith.constant 0 : i32
        %dma_wait3A_262 = tpu.memref_slice %arg2[%dma_wait3A_260, %dma_wait3A_261] : memref<2x655360xi32, #tpu.memory_space<hbm>> -> memref<1x2048xi32, #tpu.memory_space<hbm>>
        %dma_wait3A_263 = tpu.memref_squeeze %dma_wait3A_262 : memref<1x2048xi32, #tpu.memory_space<hbm>> -> memref<2048xi32, #tpu.memory_space<hbm>>
        %dma_wait3A_264 = arith.constant 0 : i32
        %dma_wait3A_265 = tpu.memref_slice %arg2[%dma_wait3A_260, %dma_wait3A_264] : memref<2x655360xi32, #tpu.memory_space<hbm>> -> memref<1x2048xi32, #tpu.memory_space<hbm>>
        %dma_wait3A_266 = tpu.memref_squeeze %dma_wait3A_265 : memref<1x2048xi32, #tpu.memory_space<hbm>> -> memref<2048xi32, #tpu.memory_space<hbm>>
        tpu.wait_dma2 semaphore(%arg19 : memref<!tpu.dma_semaphore, #tpu.memory_space<semaphore_mem>>) src(%dma_wait3A_266 : memref<2048xi32, #tpu.memory_space<hbm>>) dst(%arg12 : memref<2048xi32, #tpu.memory_space<vmem>>)
        %iota3A = tpu.iota {dimensions = array<i32: 0>} : vector<16xi32>
        %lt3A_267 = arith.constant 8 : i32
        %lt3A_268 = vector.broadcast %lt3A_267 : i32 to vector<16xi32>
        %lt3A_269 = arith.cmpi slt, %iota3A, %lt3A_268 : vector<16xi32>
        %mul3A_270 = arith.constant 2 : i32
        %mul3A_271 = vector.broadcast %mul3A_270 : i32 to vector<16xi32>
        %mul3A_272 = arith.muli %mul3A_271, %iota3A : vector<16xi32>
        %mul3A_273 = arith.constant 2 : i32
        %mul3A_274 = vector.broadcast %mul3A_273 : i32 to vector<16xi32>
        %mul3A_275 = arith.muli %mul3A_274, %iota3A : vector<16xi32>
        %sub3A_276 = arith.constant 16 : i32
        %sub3A_277 = vector.broadcast %sub3A_276 : i32 to vector<16xi32>
        %sub3A_278 = arith.subi %mul3A_275, %sub3A_277 : vector<16xi32>
        %select_n3A_279 = arith.select %lt3A_269, %mul3A_272, %sub3A_278 : vector<16xi1>, vector<16xi32>
        %scan3A_280 = arith.constant 0 : i32
        %scan3A_281 = arith.constant 0 : i32
        %scan3A_282 = arith.constant 64 : i32
        %scan3A_283 = arith.addi %scan3A_281, %scan3A_282 : i32
        %scan3A_284 = arith.constant 1 : i32
        %scan3A_285 = scf.for %scan3A_292 = %scan3A_281 to %scan3A_283 step %scan3A_284 iter_args(%scan3A_293 = %scan3A_280) -> (i32)  : i32 {
          %jit3A_294 = arith.constant 4 : i32
          %div3A_295 = arith.divsi %scan3A_292, %jit3A_294 : i32
          %sign3A_296 = arith.constant 0 : i32
          %sign3A_297 = arith.cmpi sgt, %scan3A_292, %sign3A_296 : i32
          %sign3A_298 = arith.extui %sign3A_297 : i1 to i32
          %sign3A_299 = arith.constant 0 : i32
          %sign3A_300 = arith.cmpi slt, %scan3A_292, %sign3A_299 : i32
          %sign3A_301 = arith.extui %sign3A_300 : i1 to i32
          %sign3A_302 = arith.subi %sign3A_298, %sign3A_301 : i32
          %sign3A_303 = arith.constant 0 : i32
          %sign3A_304 = arith.cmpi sgt, %jit3A_294, %sign3A_303 : i32
          %sign3A_305 = arith.extui %sign3A_304 : i1 to i32
          %sign3A_306 = arith.constant 0 : i32
          %sign3A_307 = arith.cmpi slt, %jit3A_294, %sign3A_306 : i32
          %sign3A_308 = arith.extui %sign3A_307 : i1 to i32
          %sign3A_309 = arith.subi %sign3A_305, %sign3A_308 : i32
          %ne3A_310 = arith.cmpi ne, %sign3A_302, %sign3A_309 : i32
          %rem3A_311 = arith.remsi %scan3A_292, %jit3A_294 : i32
          %ne3A_312 = arith.constant 0 : i32
          %ne3A_313 = arith.cmpi ne, %rem3A_311, %ne3A_312 : i32
          %and3A_314 = arith.andi %ne3A_310, %ne3A_313 : i1
          %sub3A_315 = arith.constant 1 : i32
          %sub3A_316 = arith.subi %div3A_295, %sub3A_315 : i32
          %select_n3A_317 = arith.select %and3A_314, %sub3A_316, %div3A_295 : i32
          %jit3A_318 = arith.constant 4 : i32
          %eq3A_319 = arith.constant 0 : i32
          %eq3A_320 = arith.cmpi eq, %jit3A_318, %eq3A_319 : i32
          %jit3A_321 = arith.constant 1 : i32
          %select_n3A_322 = arith.select %eq3A_320, %jit3A_321, %jit3A_318 : i32
          %rem3A_323 = arith.remsi %scan3A_292, %select_n3A_322 : i32
          %ne3A_324 = arith.constant 0 : i32
          %ne3A_325 = arith.cmpi ne, %rem3A_323, %ne3A_324 : i32
          %lt3A_326 = arith.constant 0 : i32
          %lt3A_327 = arith.cmpi slt, %rem3A_323, %lt3A_326 : i32
          %lt3A_328 = arith.constant 0 : i32
          %lt3A_329 = arith.cmpi slt, %select_n3A_322, %lt3A_328 : i32
          %ne3A_330 = arith.xori %lt3A_327, %lt3A_329 : i1
          %and3A_331 = arith.andi %ne3A_330, %ne3A_325 : i1
          %add3A_332 = arith.addi %rem3A_323, %select_n3A_322 : i32
          %select_n3A_333 = arith.select %and3A_331, %add3A_332, %rem3A_323 : i32
          %mul3A_334 = arith.constant 32 : i32
          %mul3A_335 = arith.muli %scan3A_292, %mul3A_334 : i32
          %get3A = arith.index_cast %mul3A_335 : i32 to index
          %get3A_336 = tpu.vector_load %arg12[%get3A] {strides = array<i32>} : memref<2048xi32, #tpu.memory_space<vmem>>, vector<16xi32>,
          %get3A_337 = vector.shape_cast %get3A_336 : vector<16xi32> to vector<16xi32>
          %mul3A_338 = arith.constant 32 : i32
          %mul3A_339 = arith.muli %scan3A_292, %mul3A_338 : i32
          %add3A_340 = arith.constant 16 : i32
          %add3A_341 = arith.addi %mul3A_339, %add3A_340 : i32
          %get3A_342 = arith.index_cast %add3A_341 : i32 to index
          %get3A_343 = tpu.vector_load %arg12[%get3A_342] {strides = array<i32>} : memref<2048xi32, #tpu.memory_space<vmem>>, vector<16xi32>,
          %get3A_344 = vector.shape_cast %get3A_343 : vector<16xi32> to vector<16xi32>
          %add3A_345 = arith.constant 0 : i32
          %add3A_346 = vector.broadcast %add3A_345 : i32 to vector<16xi32>
          %add3A_347 = arith.addi %select_n3A_279, %add3A_346 : vector<16xi32>
          %lt3A_348 = arith.constant 8 : i32
          %lt3A_349 = vector.broadcast %lt3A_348 : i32 to vector<16xi32>
          %lt3A_350 = arith.cmpi slt, %iota3A, %lt3A_349 : vector<16xi32>
          %broadcast_in_dim3A_351 = vector.shape_cast %add3A_347 : vector<16xi32> to vector<16x1xi32>
          %gather3A = vector.shape_cast %broadcast_in_dim3A_351 : vector<16x1xi32> to vector<16xi32>
          %gather3A_352 = tpu.dynamic_gather %get3A_337[%gather3A] in [0] : vector<16xi32>, vector<16xi32> -> vector<16xi32>
          %broadcast_in_dim3A_353 = vector.shape_cast %add3A_347 : vector<16xi32> to vector<16x1xi32>
          %gather3A_354 = vector.shape_cast %broadcast_in_dim3A_353 : vector<16x1xi32> to vector<16xi32>
          %gather3A_355 = tpu.dynamic_gather %get3A_344[%gather3A_354] in [0] : vector<16xi32>, vector<16xi32> -> vector<16xi32>
          %select_n3A_356 = arith.select %lt3A_350, %gather3A_352, %gather3A_355 : vector<16xi1>, vector<16xi32>
          %add3A_357 = arith.addi %mul3A_210, %select_n3A_317 : i32
          %mul3A_358 = arith.constant 16 : i32
          %mul3A_359 = arith.muli %select_n3A_333, %mul3A_358 : i32
          %swap3A = arith.index_cast %add3A_357 : i32 to index
          %swap3A_360 = arith.index_cast %mul3A_359 : i32 to index
          %swap3A_361 = tpu.vector_load %arg10[%swap3A, %swap3A_360] {strides = array<i32>} : memref<32x64xi32, #tpu.memory_space<vmem>>, vector<1x16xi32>,
          %swap3A_362 = vector.shape_cast %swap3A_361 : vector<1x16xi32> to vector<16xi32>
          %swap3A_363 = vector.shape_cast %select_n3A_356 : vector<16xi32> to vector<1x16xi32>
          tpu.vector_store %arg10[%swap3A, %swap3A_360], %swap3A_363 {strides = array<i32>} : memref<32x64xi32, #tpu.memory_space<vmem>>, vector<1x16xi32>,
          %scan3A_364 = arith.constant 0 : i32
          scf.yield %scan3A_364 : i32
        }
        %scan3A_286 = arith.constant 64 : i32
        %lt3A_287 = arith.constant 9 : i32
        %lt3A_288 = arith.cmpi slt, %select_n3A, %lt3A_287 : i32
        %convert_element_type3A_289 = arith.extui %lt3A_288 : i1 to i32
        %cond3A_290 = arith.constant 0 : i32
        %cond3A_291 = arith.cmpi ne, %convert_element_type3A_289, %cond3A_290 : i32
        scf.if %cond3A_291 {
          %add3A_292 = arith.constant 1 : i32
          %add3A_293 = arith.addi %select_n3A, %add3A_292 : i32
          %mul3A_294 = arith.constant 16 : i32
          %mul3A_295 = arith.muli %mul3A_294, %add3A_293 : i32
          %add3A_296 = arith.addi %add3A_136, %mul3A_295 : i32
          %mul3A_297 = arith.constant 2048 : i32
          %mul3A_298 = arith.muli %add3A_296, %mul3A_297 : i32
          %dma_start3A_299 = arith.constant 1 : i32
          %dma_start3A_300 = tpu.memref_slice %arg2[%dma_start3A_299, %mul3A_298] : memref<2x655360xi32, #tpu.memory_space<hbm>> -> memref<1x2048xi32, #tpu.memory_space<hbm>>
          %dma_start3A_301 = tpu.memref_squeeze %dma_start3A_300 : memref<1x2048xi32, #tpu.memory_space<hbm>> -> memref<2048xi32, #tpu.memory_space<hbm>>
          %dma_start3A_302 = tpu.memref_slice %arg2[%dma_start3A_299, %mul3A_298] : memref<2x655360xi32, #tpu.memory_space<hbm>> -> memref<1x2048xi32, #tpu.memory_space<hbm>>
          %dma_start3A_303 = tpu.memref_squeeze %dma_start3A_302 : memref<1x2048xi32, #tpu.memory_space<hbm>> -> memref<2048xi32, #tpu.memory_space<hbm>>
          tpu.enqueue_dma source(%dma_start3A_303 : memref<2048xi32, #tpu.memory_space<hbm>>) target(%arg12 : memref<2048xi32, #tpu.memory_space<vmem>>) target_semaphore(%arg19 : memref<!tpu.dma_semaphore, #tpu.memory_space<semaphore_mem>>)
        } else {
        }
      } else {
      }
      %ge3A = arith.constant 2 : i32
      %ge3A_249 = arith.cmpi sge, %scan3A_176, %ge3A : i32
      %convert_element_type3A_250 = arith.extui %ge3A_249 : i1 to i32
      %cond3A_251 = arith.constant 0 : i32
      %cond3A_252 = arith.cmpi ne, %convert_element_type3A_250, %cond3A_251 : i32
      scf.if %cond3A_252 {
        %dma_wait3A_260 = arith.constant 0 : i32
        %dma_wait3A_261 = tpu.memref_slice %arg10[%add3A_227, %dma_wait3A_260] : memref<32x64xi32, #tpu.memory_space<vmem>> -> memref<1x64xi32, #tpu.memory_space<vmem>>
        %dma_wait3A_262 = tpu.memref_squeeze %dma_wait3A_261 : memref<1x64xi32, #tpu.memory_space<vmem>> -> memref<64xi32, #tpu.memory_space<vmem>>
        %dma_wait3A_263 = arith.constant 0 : i32
        %dma_wait3A_264 = arith.constant 0 : i32
        %dma_wait3A_265 = tpu.memref_slice %arg8[%dma_wait3A_263, %dma_wait3A_264] : memref<10008x128xf32, #tpu.memory_space<vmem_shared>> -> memref<10008x128xf32, #tpu.memory_space<vmem_shared>>
        tpu.wait_indirect_dma semaphore(%arg17 : memref<!tpu.dma_semaphore, #tpu.memory_space<semaphore_mem>>) src(%arg13 : memref<64x128xf32, #tpu.memory_space<vmem>>) dst(%dma_wait3A_265 : memref<10008x128xf32, #tpu.memory_space<vmem_shared>>)
      } else {
      }
      %dma_start3A_253 = arith.constant 0 : i32
      %dma_start3A_254 = tpu.memref_slice %arg10[%add3A_227, %dma_start3A_253] : memref<32x64xi32, #tpu.memory_space<vmem>> -> memref<1x64xi32, #tpu.memory_space<vmem>>
      %dma_start3A_255 = tpu.memref_squeeze %dma_start3A_254 : memref<1x64xi32, #tpu.memory_space<vmem>> -> memref<64xi32, #tpu.memory_space<vmem>>
      %dma_start3A_256 = arith.constant 0 : i32
      %dma_start3A_257 = arith.constant 0 : i32
      %dma_start3A_258 = tpu.memref_slice %arg8[%dma_start3A_256, %dma_start3A_257] : memref<10008x128xf32, #tpu.memory_space<vmem_shared>> -> memref<10008x128xf32, #tpu.memory_space<vmem_shared>>
      tpu.enqueue_indirect_dma source(%arg13 : memref<64x128xf32, #tpu.memory_space<vmem>>) target(%dma_start3A_258 : memref<10008x128xf32, #tpu.memory_space<vmem_shared>>) offsets(%dma_start3A_255 : memref<64xi32, #tpu.memory_space<vmem>>) semaphore(%arg17 : memref<!tpu.dma_semaphore, #tpu.memory_space<semaphore_mem>>) {add = true}
      %scan3A_259 = arith.constant 0 : i32
      scf.yield %scan3A_259 : i32
    }
    %scan3A_150 = arith.constant 160 : i32
    %dma_wait3A_151 = arith.constant 0 : i32
    %dma_wait3A_152 = arith.constant 0 : i32
    %dma_wait3A_153 = tpu.memref_slice %arg10[%dma_wait3A_151, %dma_wait3A_152] : memref<32x64xi32, #tpu.memory_space<vmem>> -> memref<1x64xi32, #tpu.memory_space<vmem>>
    %dma_wait3A_154 = tpu.memref_squeeze %dma_wait3A_153 : memref<1x64xi32, #tpu.memory_space<vmem>> -> memref<64xi32, #tpu.memory_space<vmem>>
    %dma_wait3A_155 = arith.constant 0 : i32
    %dma_wait3A_156 = arith.constant 0 : i32
    %dma_wait3A_157 = tpu.memref_slice %arg8[%dma_wait3A_155, %dma_wait3A_156] : memref<10008x128xf32, #tpu.memory_space<vmem_shared>> -> memref<10008x128xf32, #tpu.memory_space<vmem_shared>>
    tpu.wait_indirect_dma semaphore(%arg17 : memref<!tpu.dma_semaphore, #tpu.memory_space<semaphore_mem>>) src(%arg13 : memref<64x128xf32, #tpu.memory_space<vmem>>) dst(%dma_wait3A_157 : memref<10008x128xf32, #tpu.memory_space<vmem_shared>>)
    %dma_wait3A_158 = arith.constant 0 : i32
    %dma_wait3A_159 = arith.constant 0 : i32
    %dma_wait3A_160 = tpu.memref_slice %arg10[%dma_wait3A_158, %dma_wait3A_159] : memref<32x64xi32, #tpu.memory_space<vmem>> -> memref<1x64xi32, #tpu.memory_space<vmem>>
    %dma_wait3A_161 = tpu.memref_squeeze %dma_wait3A_160 : memref<1x64xi32, #tpu.memory_space<vmem>> -> memref<64xi32, #tpu.memory_space<vmem>>
    %dma_wait3A_162 = arith.constant 0 : i32
    %dma_wait3A_163 = arith.constant 0 : i32
    %dma_wait3A_164 = tpu.memref_slice %arg8[%dma_wait3A_162, %dma_wait3A_163] : memref<10008x128xf32, #tpu.memory_space<vmem_shared>> -> memref<10008x128xf32, #tpu.memory_space<vmem_shared>>
    tpu.wait_indirect_dma semaphore(%arg17 : memref<!tpu.dma_semaphore, #tpu.memory_space<semaphore_mem>>) src(%arg13 : memref<64x128xf32, #tpu.memory_space<vmem>>) dst(%dma_wait3A_164 : memref<10008x128xf32, #tpu.memory_space<vmem_shared>>)
    %barrier3A_165 = arith.constant 0 : index
    tpu.barrier barrier_id(%barrier3A_165)
    %eq3A_166 = arith.constant 0 : i32
    %eq3A_167 = arith.cmpi eq, %arg0, %eq3A_166 : i32
    %convert_element_type3A_168 = arith.extui %eq3A_167 : i1 to i32
    %cond3A_169 = arith.constant 0 : i32
    %cond3A_170 = arith.cmpi ne, %convert_element_type3A_168, %cond3A_169 : i32
    scf.if %cond3A_170 {
      "tpu.region"() ({
        %run_scoped3A = tpu.sem_alloc : memref<!tpu.dma_semaphore, #tpu.memory_space<semaphore_mem>>
        %dma_start3A_181 = arith.constant 0 : i32
        %dma_start3A_182 = tpu.memref_slice %arg6[%mul3A_0, %dma_start3A_181] : memref<10000x128xf32, #tpu.memory_space<hbm>> -> memref<624x128xf32, #tpu.memory_space<hbm>>
        %dma_start3A_183 = arith.constant 0 : i32
        %dma_start3A_184 = tpu.memref_slice %arg8[%mul3A_0, %dma_start3A_183] : memref<10008x128xf32, #tpu.memory_space<vmem_shared>> -> memref<624x128xf32, #tpu.memory_space<vmem_shared>>
        tpu.enqueue_dma source(%dma_start3A_184 : memref<624x128xf32, #tpu.memory_space<vmem_shared>>) target(%dma_start3A_182 : memref<624x128xf32, #tpu.memory_space<hbm>>) target_semaphore(%run_scoped3A : memref<!tpu.dma_semaphore, #tpu.memory_space<semaphore_mem>>)
        %dma_wait3A_185 = arith.constant 0 : i32
        %dma_wait3A_186 = tpu.memref_slice %arg6[%mul3A_0, %dma_wait3A_185] : memref<10000x128xf32, #tpu.memory_space<hbm>> -> memref<624x128xf32, #tpu.memory_space<hbm>>
        %dma_wait3A_187 = arith.constant 0 : i32
        %dma_wait3A_188 = tpu.memref_slice %arg8[%mul3A_0, %dma_wait3A_187] : memref<10008x128xf32, #tpu.memory_space<vmem_shared>> -> memref<624x128xf32, #tpu.memory_space<vmem_shared>>
        tpu.wait_dma2 semaphore(%run_scoped3A : memref<!tpu.dma_semaphore, #tpu.memory_space<semaphore_mem>>) src(%dma_wait3A_188 : memref<624x128xf32, #tpu.memory_space<vmem_shared>>) dst(%dma_wait3A_186 : memref<624x128xf32, #tpu.memory_space<hbm>>)
        tpu.yield
      }) : () -> ()
      %eq3A_176 = arith.constant 15 : i32
      %eq3A_177 = arith.cmpi eq, %arg1, %eq3A_176 : i32
      %convert_element_type3A_178 = arith.extui %eq3A_177 : i1 to i32
      %cond3A_179 = arith.constant 0 : i32
      %cond3A_180 = arith.cmpi ne, %convert_element_type3A_178, %cond3A_179 : i32
      scf.if %cond3A_180 {
        "tpu.region"() ({
          %run_scoped3A = tpu.sem_alloc : memref<!tpu.dma_semaphore, #tpu.memory_space<semaphore_mem>>
          %dma_start3A_181 = arith.constant 9984 : i32
          %dma_start3A_182 = arith.constant 0 : i32
          %dma_start3A_183 = tpu.memref_slice %arg6[%dma_start3A_181, %dma_start3A_182] : memref<10000x128xf32, #tpu.memory_space<hbm>> -> memref<16x128xf32, #tpu.memory_space<hbm>>
          %dma_start3A_184 = arith.constant 9984 : i32
          %dma_start3A_185 = arith.constant 0 : i32
          %dma_start3A_186 = tpu.memref_slice %arg8[%dma_start3A_184, %dma_start3A_185] : memref<10008x128xf32, #tpu.memory_space<vmem_shared>> -> memref<16x128xf32, #tpu.memory_space<vmem_shared>>
          tpu.enqueue_dma source(%dma_start3A_186 : memref<16x128xf32, #tpu.memory_space<vmem_shared>>) target(%dma_start3A_183 : memref<16x128xf32, #tpu.memory_space<hbm>>) target_semaphore(%run_scoped3A : memref<!tpu.dma_semaphore, #tpu.memory_space<semaphore_mem>>)
          %dma_wait3A_187 = arith.constant 9984 : i32
          %dma_wait3A_188 = arith.constant 0 : i32
          %dma_wait3A_189 = tpu.memref_slice %arg6[%dma_wait3A_187, %dma_wait3A_188] : memref<10000x128xf32, #tpu.memory_space<hbm>> -> memref<16x128xf32, #tpu.memory_space<hbm>>
          %dma_wait3A_190 = arith.constant 9984 : i32
          %dma_wait3A_191 = arith.constant 0 : i32
          %dma_wait3A_192 = tpu.memref_slice %arg8[%dma_wait3A_190, %dma_wait3A_191] : memref<10008x128xf32, #tpu.memory_space<vmem_shared>> -> memref<16x128xf32, #tpu.memory_space<vmem_shared>>
          tpu.wait_dma2 semaphore(%run_scoped3A : memref<!tpu.dma_semaphore, #tpu.memory_space<semaphore_mem>>) src(%dma_wait3A_192 : memref<16x128xf32, #tpu.memory_space<vmem_shared>>) dst(%dma_wait3A_189 : memref<16x128xf32, #tpu.memory_space<hbm>>)
          tpu.yield
        }) : () -> ()
      } else {
      }
    } else {
    }
    %eq3A_171 = arith.constant 1 : i32
    %eq3A_172 = arith.cmpi eq, %arg0, %eq3A_171 : i32
    %convert_element_type3A_173 = arith.extui %eq3A_172 : i1 to i32
    %cond3A_174 = arith.constant 0 : i32
    %cond3A_175 = arith.cmpi ne, %convert_element_type3A_173, %cond3A_174 : i32
    scf.if %cond3A_175 {
      "tpu.region"() ({
        %run_scoped3A = tpu.sem_alloc : memref<!tpu.dma_semaphore, #tpu.memory_space<semaphore_mem>>
        %dma_start3A_181 = arith.constant 0 : i32
        %dma_start3A_182 = tpu.memref_slice %arg7[%mul3A_0, %dma_start3A_181] : memref<10000x128xf32, #tpu.memory_space<hbm>> -> memref<624x128xf32, #tpu.memory_space<hbm>>
        %dma_start3A_183 = arith.constant 0 : i32
        %dma_start3A_184 = tpu.memref_slice %arg8[%mul3A_0, %dma_start3A_183] : memref<10008x128xf32, #tpu.memory_space<vmem_shared>> -> memref<624x128xf32, #tpu.memory_space<vmem_shared>>
        tpu.enqueue_dma source(%dma_start3A_184 : memref<624x128xf32, #tpu.memory_space<vmem_shared>>) target(%dma_start3A_182 : memref<624x128xf32, #tpu.memory_space<hbm>>) target_semaphore(%run_scoped3A : memref<!tpu.dma_semaphore, #tpu.memory_space<semaphore_mem>>)
        %dma_wait3A_185 = arith.constant 0 : i32
        %dma_wait3A_186 = tpu.memref_slice %arg7[%mul3A_0, %dma_wait3A_185] : memref<10000x128xf32, #tpu.memory_space<hbm>> -> memref<624x128xf32, #tpu.memory_space<hbm>>
        %dma_wait3A_187 = arith.constant 0 : i32
        %dma_wait3A_188 = tpu.memref_slice %arg8[%mul3A_0, %dma_wait3A_187] : memref<10008x128xf32, #tpu.memory_space<vmem_shared>> -> memref<624x128xf32, #tpu.memory_space<vmem_shared>>
        tpu.wait_dma2 semaphore(%run_scoped3A : memref<!tpu.dma_semaphore, #tpu.memory_space<semaphore_mem>>) src(%dma_wait3A_188 : memref<624x128xf32, #tpu.memory_space<vmem_shared>>) dst(%dma_wait3A_186 : memref<624x128xf32, #tpu.memory_space<hbm>>)
        tpu.yield
      }) : () -> ()
      %eq3A_176 = arith.constant 15 : i32
      %eq3A_177 = arith.cmpi eq, %arg1, %eq3A_176 : i32
      %convert_element_type3A_178 = arith.extui %eq3A_177 : i1 to i32
      %cond3A_179 = arith.constant 0 : i32
      %cond3A_180 = arith.cmpi ne, %convert_element_type3A_178, %cond3A_179 : i32
      scf.if %cond3A_180 {
        "tpu.region"() ({
          %run_scoped3A = tpu.sem_alloc : memref<!tpu.dma_semaphore, #tpu.memory_space<semaphore_mem>>
          %dma_start3A_181 = arith.constant 9984 : i32
          %dma_start3A_182 = arith.constant 0 : i32
          %dma_start3A_183 = tpu.memref_slice %arg7[%dma_start3A_181, %dma_start3A_182] : memref<10000x128xf32, #tpu.memory_space<hbm>> -> memref<16x128xf32, #tpu.memory_space<hbm>>
          %dma_start3A_184 = arith.constant 9984 : i32
          %dma_start3A_185 = arith.constant 0 : i32
          %dma_start3A_186 = tpu.memref_slice %arg8[%dma_start3A_184, %dma_start3A_185] : memref<10008x128xf32, #tpu.memory_space<vmem_shared>> -> memref<16x128xf32, #tpu.memory_space<vmem_shared>>
          tpu.enqueue_dma source(%dma_start3A_186 : memref<16x128xf32, #tpu.memory_space<vmem_shared>>) target(%dma_start3A_183 : memref<16x128xf32, #tpu.memory_space<hbm>>) target_semaphore(%run_scoped3A : memref<!tpu.dma_semaphore, #tpu.memory_space<semaphore_mem>>)
          %dma_wait3A_187 = arith.constant 9984 : i32
          %dma_wait3A_188 = arith.constant 0 : i32
          %dma_wait3A_189 = tpu.memref_slice %arg7[%dma_wait3A_187, %dma_wait3A_188] : memref<10000x128xf32, #tpu.memory_space<hbm>> -> memref<16x128xf32, #tpu.memory_space<hbm>>
          %dma_wait3A_190 = arith.constant 9984 : i32
          %dma_wait3A_191 = arith.constant 0 : i32
          %dma_wait3A_192 = tpu.memref_slice %arg8[%dma_wait3A_190, %dma_wait3A_191] : memref<10008x128xf32, #tpu.memory_space<vmem_shared>> -> memref<16x128xf32, #tpu.memory_space<vmem_shared>>
          tpu.wait_dma2 semaphore(%run_scoped3A : memref<!tpu.dma_semaphore, #tpu.memory_space<semaphore_mem>>) src(%dma_wait3A_192 : memref<16x128xf32, #tpu.memory_space<vmem_shared>>) dst(%dma_wait3A_189 : memref<16x128xf32, #tpu.memory_space<hbm>>)
          tpu.yield
        }) : () -> ()
      } else {
      }
    } else {
    }
    return
  }
}

module attributes {stable_mosaic.version = 14 : i64} {
  func.func @_dense_body(%arg0: i32, %arg1: memref<1000x128xf32, #tpu.memory_space<vmem>>, %arg2: memref<1000x128xf32, #tpu.memory_space<vmem>>, %arg3: memref<1000x128xf32, #tpu.memory_space<vmem>>, %arg4: memref<1000x128xf32, #tpu.memory_space<vmem>>, %arg5: memref<1000x128xf32, #tpu.memory_space<vmem>>, %arg6: memref<128x128xf32, #tpu.memory_space<vmem>>, %arg7: memref<128x128xf32, #tpu.memory_space<vmem>>, %arg8: memref<128x128xf32, #tpu.memory_space<vmem>>, %arg9: memref<1x128xf32, #tpu.memory_space<vmem>>, %arg10: memref<1000x128xf32, #tpu.memory_space<vmem>>) attributes {dimension_semantics = [#tpu.dimension_semantics<arbitrary>], iteration_bounds = array<i64: 10>, scalar_prefetch = 0 : i64, scratch_operands = 0 : i64, tpu.core_type = #tpu.core_type<tc>, window_params = [{transform_indices = @transform_0, window_bounds = array<i64: 1000, 128>}, {transform_indices = @transform_1, window_bounds = array<i64: 1000, 128>}, {transform_indices = @transform_2, window_bounds = array<i64: 1000, 128>}, {transform_indices = @transform_3, window_bounds = array<i64: 1000, 128>}, {transform_indices = @transform_4, window_bounds = array<i64: 1000, 128>}, {pipeline_mode = #tpu.pipeline_mode<synchronous>, transform_indices = @transform_5, window_bounds = array<i64: 128, 128>}, {pipeline_mode = #tpu.pipeline_mode<synchronous>, transform_indices = @transform_6, window_bounds = array<i64: 128, 128>}, {pipeline_mode = #tpu.pipeline_mode<synchronous>, transform_indices = @transform_7, window_bounds = array<i64: 128, 128>}, {pipeline_mode = #tpu.pipeline_mode<synchronous>, transform_indices = @transform_8, window_bounds = array<i64: 1, 128>}, {transform_indices = @transform_9, window_bounds = array<i64: 1000, 128>}]} {
    %get3A = arith.constant 0 : index
    %get3A_0 = arith.constant 0 : index
    %get3A_1 = vector.load %arg4[%get3A, %get3A_0] : memref<1000x128xf32, #tpu.memory_space<vmem>>, vector<1000x1xf32>
    %get3A_2 = arith.constant 0 : index
    %get3A_3 = arith.constant 0 : index
    %get3A_4 = vector.load %arg5[%get3A_2, %get3A_3] : memref<1000x128xf32, #tpu.memory_space<vmem>>, vector<1000x1xf32>
    %add3A = arith.addf %get3A_1, %get3A_4 : vector<1000x1xf32>
    %gt3A = arith.constant 0.000000e+00 : f32
    %gt3A_5 = vector.broadcast %gt3A : f32 to vector<1000x1xf32>
    %gt3A_6 = arith.cmpf ogt, %add3A, %gt3A_5 : vector<1000x1xf32>
    %div3A = arith.constant 1.000000e+00 : f32
    %div3A_7 = vector.broadcast %div3A : f32 to vector<1000x1xf32>
    %div3A_8 = arith.divf %div3A_7, %add3A : vector<1000x1xf32>
    %jit3A = arith.constant 0.000000e+00 : f32
    %broadcast_in_dim3A = vector.broadcast %jit3A : f32 to vector<1000x1xf32>
    %select_n3A = arith.select %gt3A_6, %div3A_8, %broadcast_in_dim3A : vector<1000x1xi1>, vector<1000x1xf32>
    %get3A_9 = arith.constant 0 : index
    %get3A_10 = arith.constant 0 : index
    %get3A_11 = vector.load %arg1[%get3A_9, %get3A_10] : memref<1000x128xf32, #tpu.memory_space<vmem>>, vector<1000x128xf32>
    %get3A_12 = arith.constant 0 : index
    %get3A_13 = arith.constant 0 : index
    %get3A_14 = vector.load %arg6[%get3A_12, %get3A_13] : memref<128x128xf32, #tpu.memory_space<vmem>>, vector<128x128xf32>
    %dot_general3A = arith.constant dense<0.000000e+00> : vector<1000x128xf32>
    %dot_general3A_15 = tpu.matmul %get3A_11, %get3A_14, %dot_general3A {dimension_numbers = #tpu.dot_dimension_numbers<[1], [0], [0], [1], [0, 0, 1, 1], [], []>, transpose_lhs_hint = false} : vector<1000x128xf32>, vector<128x128xf32>, vector<1000x128xf32> -> vector<1000x128xf32>
    %get3A_16 = arith.constant 0 : index
    %get3A_17 = arith.constant 0 : index
    %get3A_18 = vector.load %arg2[%get3A_16, %get3A_17] : memref<1000x128xf32, #tpu.memory_space<vmem>>, vector<1000x128xf32>
    %mul3A = vector.broadcast %select_n3A : vector<1000x1xf32> to vector<1000x128xf32>
    %mul3A_19 = arith.mulf %get3A_18, %mul3A : vector<1000x128xf32>
    %get3A_20 = arith.constant 0 : index
    %get3A_21 = arith.constant 0 : index
    %get3A_22 = vector.load %arg7[%get3A_20, %get3A_21] : memref<128x128xf32, #tpu.memory_space<vmem>>, vector<128x128xf32>
    %dot_general3A_23 = arith.constant dense<0.000000e+00> : vector<1000x128xf32>
    %dot_general3A_24 = tpu.matmul %mul3A_19, %get3A_22, %dot_general3A_23 {dimension_numbers = #tpu.dot_dimension_numbers<[1], [0], [0], [1], [0, 0, 1, 1], [], []>, transpose_lhs_hint = false} : vector<1000x128xf32>, vector<128x128xf32>, vector<1000x128xf32> -> vector<1000x128xf32>
    %add3A_25 = arith.addf %dot_general3A_15, %dot_general3A_24 : vector<1000x128xf32>
    %get3A_26 = arith.constant 0 : index
    %get3A_27 = arith.constant 0 : index
    %get3A_28 = vector.load %arg3[%get3A_26, %get3A_27] : memref<1000x128xf32, #tpu.memory_space<vmem>>, vector<1000x128xf32>
    %mul3A_29 = vector.broadcast %select_n3A : vector<1000x1xf32> to vector<1000x128xf32>
    %mul3A_30 = arith.mulf %get3A_28, %mul3A_29 : vector<1000x128xf32>
    %get3A_31 = arith.constant 0 : index
    %get3A_32 = arith.constant 0 : index
    %get3A_33 = vector.load %arg8[%get3A_31, %get3A_32] : memref<128x128xf32, #tpu.memory_space<vmem>>, vector<128x128xf32>
    %dot_general3A_34 = arith.constant dense<0.000000e+00> : vector<1000x128xf32>
    %dot_general3A_35 = tpu.matmul %mul3A_30, %get3A_33, %dot_general3A_34 {dimension_numbers = #tpu.dot_dimension_numbers<[1], [0], [0], [1], [0, 0, 1, 1], [], []>, transpose_lhs_hint = false} : vector<1000x128xf32>, vector<128x128xf32>, vector<1000x128xf32> -> vector<1000x128xf32>
    %add3A_36 = arith.addf %add3A_25, %dot_general3A_35 : vector<1000x128xf32>
    %get3A_37 = arith.constant 0 : index
    %get3A_38 = arith.constant 0 : index
    %get3A_39 = vector.load %arg9[%get3A_37, %get3A_38] : memref<1x128xf32, #tpu.memory_space<vmem>>, vector<1x128xf32>
    %add3A_40 = vector.broadcast %get3A_39 : vector<1x128xf32> to vector<1000x128xf32>
    %add3A_41 = arith.addf %add3A_36, %add3A_40 : vector<1000x128xf32>
    %swap3A = arith.constant 0 : index
    %swap3A_42 = arith.constant 0 : index
    %swap3A_43 = vector.load %arg10[%swap3A, %swap3A_42] : memref<1000x128xf32, #tpu.memory_space<vmem>>, vector<1000x128xf32>
    tpu.vector_store %arg10[%swap3A, %swap3A_42], %add3A_41 {strides = array<i32>} : memref<1000x128xf32, #tpu.memory_space<vmem>>, vector<1000x128xf32>,
    return
  }
  func.func @transform_0(%arg0: i32) -> (i32, i32) {
    %c0_i32 = arith.constant 0 : i32
    %c0_i32_0 = arith.constant 0 : i32
    return %arg0, %c0_i32 : i32, i32
  }
  func.func @transform_1(%arg0: i32) -> (i32, i32) {
    %c0_i32 = arith.constant 0 : i32
    %c0_i32_0 = arith.constant 0 : i32
    return %arg0, %c0_i32 : i32, i32
  }
  func.func @transform_2(%arg0: i32) -> (i32, i32) {
    %c0_i32 = arith.constant 0 : i32
    %c0_i32_0 = arith.constant 0 : i32
    return %arg0, %c0_i32 : i32, i32
  }
  func.func @transform_3(%arg0: i32) -> (i32, i32) {
    %c0_i32 = arith.constant 0 : i32
    %c0_i32_0 = arith.constant 0 : i32
    return %arg0, %c0_i32 : i32, i32
  }
  func.func @transform_4(%arg0: i32) -> (i32, i32) {
    %c0_i32 = arith.constant 0 : i32
    %c0_i32_0 = arith.constant 0 : i32
    return %arg0, %c0_i32 : i32, i32
  }
  func.func @transform_5(%arg0: i32) -> (i32, i32) {
    %c0_i32 = arith.constant 0 : i32
    %c0_i32_0 = arith.constant 0 : i32
    %c0_i32_1 = arith.constant 0 : i32
    return %c0_i32, %c0_i32_0 : i32, i32
  }
  func.func @transform_6(%arg0: i32) -> (i32, i32) {
    %c0_i32 = arith.constant 0 : i32
    %c0_i32_0 = arith.constant 0 : i32
    %c0_i32_1 = arith.constant 0 : i32
    return %c0_i32, %c0_i32_0 : i32, i32
  }
  func.func @transform_7(%arg0: i32) -> (i32, i32) {
    %c0_i32 = arith.constant 0 : i32
    %c0_i32_0 = arith.constant 0 : i32
    %c0_i32_1 = arith.constant 0 : i32
    return %c0_i32, %c0_i32_0 : i32, i32
  }
  func.func @transform_8(%arg0: i32) -> (i32, i32) {
    %c0_i32 = arith.constant 0 : i32
    %c0_i32_0 = arith.constant 0 : i32
    %c0_i32_1 = arith.constant 0 : i32
    return %c0_i32, %c0_i32_0 : i32, i32
  }
  func.func @transform_9(%arg0: i32) -> (i32, i32) {
    %c0_i32 = arith.constant 0 : i32
    %c0_i32_0 = arith.constant 0 : i32
    return %arg0, %c0_i32 : i32, i32
  }
}

</mosaic_0001>

<sc_bundles>
// kernel: kernel.4.cloned.1.call-start
scs
__scs_entry_jumppad:
0x0: {  	(pc) =	sbr.rel $0x88, $3  }
0x1: {  	(tag) =	ssettag $0x0;
	lr =	simm.s32 $0x1  }
0x2: {  	[smem:$0x3F9C] =	sst lr;
	_ =	strace $0xD0000000  }
0x3: {  	_ = 	snop  }
0x4: {  	_ = 	snop  }
0x5: {  	_ = 	snop  }
0x6: {  	_ = 	snop  }
0x7: {  	_ = 	snop  }
__scs_overlays_trampoline_lowered:
0x8: {  	[smem:$0x3FAB] =	sst s0  }
0x9: {  	[smem:$0x3FAC] =	sst s1  }
0xa: {  	[smem:$0x3FAD] =	sst s2  }
0xb: {  	[smem:$0x3FAE] =	sst s3  }
0xc: {  	[smem:$0x3FAF] =	sst s4  }
0xd: {  	[smem:$0x3FB0] =	sst s5  }
0xe: {  	[smem:$0x3FB1] =	sst s6  }
0xf: {  	[smem:$0x3FB2] =	sst s7  }
0x10: {  	[smem:$0x3FB3] =	sst s8  }
0x11: {  	[smem:$0x3FB4] =	sst s9;
	s0 =	simm.s32 @!p0 $0x0  }
0x12: {  	s1 =	sld [smem:$0x3F9A];
	s0 =	simm.s32 @p0 $0x1  }
0x13: {  	[smem:$0x3FB5] =	sst s0;
	s0 =	simm.s32 @!p1 $0x0  }
0x14: {  	s2 =	sld [smem:$0x3F99];
	s0 =	simm.s32 @p1 $0x1  }
0x15: {  	[smem:$0x3FB6] =	sst s0;
	s0 =	simm.s32 @!p2 $0x0  }
0x16: {  	s3 =	sld [smem:$0x3FDB];
	s0 =	simm.s32 @p2 $0x1  }
0x17: {  	s4 =	simm.s32 $0x1BF5;
	[smem:$0x3FB8] =	sst s0  }
0x18: {  	s0 =	sld [smem:$0x3F9B];
	_ =	swait.ge [sflag:s4], $0x0  }
0x19: {  	s7 =	sld [smem:$0x3F9C]  }
0x1a: {  	s8 =	sadd.s32 $0xFFFFE003, lr  }
0x1b: {  	s9 =	sadd.s32 $0xFFFFFEF7, lr;
	s5 =	simm.s32 $0xFFFFFFFF;
	p2 =	slt.u32 s8, $0xFFFFF086  }
0x1c: {  	p1 =	slt.u32 s9, $0xF7A;
	s5 =	simm.s32 @!p2 $0x0  }
0x1d: {  	s5 =	simm.s32 @p1 $0x1;
	p0 =	seq.s32 s7, s2  }
0x1e: {  	s7 =	smul.u32 @!p0 $0xF7A, s2;
	p2 =	seq.s32 @!p0 s5, $0x0  }
0x1f: {  	s9 =	smul.u32 $0xF7A, s1;
	s8 =	simm.s32 @!p0 $0x1BF5;
	p2 =	por !p2, p0  }
0x20: {  	[sflag:s8] =	ssyncset.s32 @!p0 $0xFFFFF086;
	s6 =	sadd.s32 @!p0 s3, s7;
	s7 =	simm.s32 @!p0 $0x108  }
0x21: {  	s3 =	sadd.s32 s3, s9;
	s6 =	sadd.s32 @!p0 $0x88, s6;
	s7 =	simm.s32 @p2 $0x1082  }
0x22: {  	[simem:s7], [sflag:s8] =	dma.local @!p0 [hbm:s6], $0xF7A  }
0x23: {  	s9 =	sor.u32 $0xD0000000, s2;
	s6 =	simm.s32 $0x108;
	_ =	swait.ge @!p0 [sflag:s8], $0x0  }
0x24: {  	s3 =	sadd.s32 $0x88, s3;
	s6 =	simm.s32 @!p1 $0x1082;
	[sflag:s4] =	ssyncset.s32 $0xFFFFF086  }
0x25: {  	[simem:s6], [sflag:s4] =	dma.local [hbm:s3], $0xF7A  }
0x26: {  	[smem:$0x3F9C] =	sst s1;
	(tag) =	ssettag s2;
	_ =	strace s9  }
0x27: {  	s1 =	sld [smem:$0x3FAC]  }
0x28: {  	s2 =	sld [smem:$0x3FAD]  }
0x29: {  	s4 =	sld [smem:$0x3FAF]  }
0x2a: {  	p0 =	seq.s32 s5, $0x0;
	s5 =	sld [smem:$0x3FB0]  }
0x2b: {  	s6 =	sld [smem:$0x3FB1]  }
0x2c: {  	s7 =	sld [smem:$0x3FB2]  }
0x2d: {  	s3 =	simm.s32 $0x108;
	s8 =	sld [smem:$0x3FB3]  }
0x2e: {  	s3 =	simm.s32 @!p0 $0x1082;
	s9 =	sld [smem:$0x3FB4]  }
0x2f: {  	lr =	sadd.s32 s0, s3;
	s0 =	sld [smem:$0x3FAB]  }
0x30: {  	s3 =	sld [smem:$0x3FAE]  }
0x31: {  	[smem:$0x3FB7] =	sst s10  }
0x32: {  	s10 =	sld [smem:$0x3FB5];
	_ =	sdelay $0x3  }
0x33: {  	p0 =	seq.s32 s10, $0x1;
	s10 =	sld [smem:$0x3FB7];
	_ =	sdelay $0x3  }
0x34: {  	[smem:$0x3FB7] =	sst s10  }
0x35: {  	s10 =	sld [smem:$0x3FB6];
	_ =	sdelay $0x3  }
0x36: {  	p1 =	seq.s32 s10, $0x1;
	s10 =	sld [smem:$0x3FB7];
	_ =	sdelay $0x3  }
0x37: {  	[smem:$0x3FB7] =	sst s10  }
0x38: {  	s10 =	sld [smem:$0x3FB8]  }
0x39: {  	_ = 	snop;
	(pc) =	sbr.ind lr, $3  }
0x3a: {  	_ = 	snop  }
0x3b: {  	_ = 	snop  }
0x3c: {  	p2 =	seq.s32 s10, $0x1;
	s10 =	sld [smem:$0x3FB7]  }
0x3d: {  	_ =	shalt  }
0x3e: {  	_ =	shalt  }
0x3f: {  	_ =	shalt  }
0x40: {  	_ =	shalt  }
0x41: {  	_ =	shalt  }
0x42: {  	_ =	shalt  }
0x43: {  	_ =	shalt  }
0x44: {  	_ =	shalt  }
0x45: {  	_ =	shalt  }
0x46: {  	_ =	shalt  }
0x47: {  	_ =	shalt  }
0x48: {  	_ =	shalt  }
0x49: {  	_ =	shalt  }
0x4a: {  	_ =	shalt  }
0x4b: {  	_ =	shalt  }
0x4c: {  	_ =	shalt  }
0x4d: {  	_ =	shalt  }
0x4e: {  	_ =	shalt  }
0x4f: {  	_ =	shalt  }
0x50: {  	_ =	shalt  }
0x51: {  	_ =	shalt  }
0x52: {  	_ =	shalt  }
0x53: {  	_ =	shalt  }
0x54: {  	_ =	shalt  }
0x55: {  	_ =	shalt  }
0x56: {  	_ =	shalt  }
0x57: {  	_ =	shalt  }
0x58: {  	_ =	shalt  }
0x59: {  	_ =	shalt  }
0x5a: {  	_ =	shalt  }
0x5b: {  	_ =	shalt  }
0x5c: {  	_ =	shalt  }
0x5d: {  	_ =	shalt  }
0x5e: {  	_ =	shalt  }
0x5f: {  	_ =	shalt  }
0x60: {  	_ =	shalt  }
0x61: {  	_ =	shalt  }
0x62: {  	_ =	shalt  }
0x63: {  	_ =	shalt  }
0x64: {  	_ =	shalt  }
0x65: {  	_ =	shalt  }
0x66: {  	_ =	shalt  }
0x67: {  	_ =	shalt  }
0x68: {  	_ =	shalt  }
0x69: {  	_ =	shalt  }
0x6a: {  	_ =	shalt  }
0x6b: {  	_ =	shalt  }
0x6c: {  	_ =	shalt  }
0x6d: {  	_ =	shalt  }
0x6e: {  	_ =	shalt  }
0x6f: {  	_ =	shalt  }
0x70: {  	_ =	shalt  }
0x71: {  	_ =	shalt  }
0x72: {  	_ =	shalt  }
0x73: {  	_ =	shalt  }
0x74: {  	_ =	shalt  }
0x75: {  	_ =	shalt  }
0x76: {  	_ =	shalt  }
0x77: {  	_ =	shalt  }
0x78: {  	_ =	shalt  }
0x79: {  	_ =	shalt  }
0x7a: {  	_ =	shalt  }
0x7b: {  	_ =	shalt  }
0x7c: {  	_ =	shalt  }
0x7d: {  	_ =	shalt  }
0x7e: {  	_ =	shalt  }
0x7f: {  	_ =	shalt  }
0x80: {  	_ =	shalt  }
0x81: {  	_ =	shalt  }
0x82: {  	_ =	shalt  }
0x83: {  	_ =	shalt  }
0x84: {  	_ =	shalt  }
0x85: {  	_ =	shalt  }
0x86: {  	_ =	shalt  }
0x87: {  	_ =	shalt  }
.Lfunc_end0:
.L_simem_size_0:
called_computation_lowered:
.L_overlay_start_0:
0x88: {  	s2 =	sld [smem:$0x3FD9]  }
0x89: {  	s3 =	sld [smem:$0x3FFE];
	_ =	sdelay $0x1  }
0x8a: {  	s1 =	srdreg.scid  }
0x8b: {  	s0 =	sand.u32 $0x1, s1  }
0x8c: {  	s17 =	sshll.u32 s0, $0xA;
	s2 =	sadd.s32 s3, s2  }
0x8d: {  	s2 =	sadd.s32 s2, s17  }
0x8e: {  	[smem:$0x3FC3] =	sst s2  }
0x8f: {  	_ = 	snop  }
0x90: {  	s2 =	sld [smem:$0x3FC9]  }
0x91: {  	s18 =	sld [smem:$0x3FD0];
	(tm) =	ssettm $0x1  }
0x92: {  	s4 =	sld [smem:$0x3FFB];
	_ =	sdelay $0x3  }
0x93: {  	_ =	strace s4  }
0x94: {  	s4 =	sld [smem:$0x3FFC];
	_ =	sdelay $0x3  }
0x95: {  	_ =	strace s4  }
0x96: {  	s4 =	sld [smem:$0x3FFD];
	_ =	sdelay $0x3  }
0x97: {  	_ =	strace s4  }
0x98: {  	_ =	strace $0x8FFFFFFF  }
0x99: {  	s19 =	sld [smem:$0x3FDB];
	_ =	sdelay $0x1  }
0x9a: {  	s5 =	simm.s32 $_scs_section_size  }
0x9b: {  	s6 =	simm.s32 $_size__tile_overlayer_lowered;
	s7 =	simm.s32 $_tile_overlayer_lowered  }
0x9c: {  	s22 =	simm.s32 $0x1BFF;
	s21 =	sshll.u32 s7, $0x1;
	s4 =	sadd.s32 s5, s19  }
0x9d: {  	s8 =	simm.s32 $0x0;
	s20 =	sshll.u32 s6, $0x1;
	s6 =	sadd.s32 s21, s4  }
0x9e: {  	[timem:s8], [sflag:s22] =	dma.local [hbm:s6], s20  }
0x9f: {  	_ =	swait.ge [sflag:s22], s20  }
0xa0: {  	s5 =	ssub.s32 $0x0, s20;
	[sflag:s22] =	ssyncset.done $0x0  }
0xa1: {  	[sflag:s22] =	ssyncadd.s32 s5;
	_ =	sdelay $0x1  }
0xa2: {  	s23 =	simm.s32 $0x1B8B  }
0xa3: {  	_ =	swait.ge [sflag:s23], $0x1  }
0xa4: {  	[sflag:s23] =	ssyncset.done $0x0  }
0xa5: {  	s25 =	simm.s32 $0x1B8E;
	s24 =	sld [smem:$0x3FFE];
	[sflag:s23] =	ssyncadd.s32 $0xFFFFFFFF  }
0xa6: {  	s26 =	simm.s32 $execute0_lowered;
	[smem:$0x3FD2] =	sst s25  }
0xa7: {  	s6 =	sshll.u32 s26, $0x1;
	_ =	strace $0x80000046;
	[dreg:$0x1] =	wrdreg $0xFFFFFFFF  }
0xa8: {  	s28 =	simm.s32 $_size_execute0_lowered;
	s4 =	sadd.s32 s4, s6;
	[dreg:$0x0] =	wrdreg $0x0  }
0xa9: {  	s6 =	sshll.u32 s28, $0x1;
	[dreg:$0x2] =	wrdreg s4  }
0xaa: {  	[dreg:$0x3] =	wrdreg s6  }
0xab: {  	[dreg:$0x4] =	wrdreg $0xC0  }
0xac: {  	_ =	task [dreg:s8], $0x5FFFF  }
0xad: {  	[dreg:$0x1] =	wrdreg $0xFFFFFFFF  }
0xae: {  	[dreg:$0x0] =	wrdreg $0x60  }
0xaf: {  	[dreg:$0x2] =	wrdreg s24  }
0xb0: {  	[dreg:$0x3] =	wrdreg s2  }
0xb1: {  	[dreg:$0x4] =	wrdreg s18  }
0xb2: {  	[dreg:$0x5] =	wrdreg $0x0  }
0xb3: {  	[dreg:$0x6] =	wrdreg $0x9  }
0xb4: {  	_ =	task.clear_ibuf [dreg:s8], $0x7FFFF;
	_ =	strace $0x90000046  }
0xb5: {  	s29 =	simm.s32 $0x9;
	_ =	strace $0x80000048  }
0xb6: {  	_ =	swait.ge [sflag:s29], $0x1  }
0xb7: {  	[sflag:s29] =	ssyncadd.s32 $0xFFFFFFFF  }
0xb8: {  	_ =	strace $0x90000048  }
0xb9: {  	_ =	sfence  }
0xba: {  	s30 =	sld [smem:$0x0];
	_ =	sdelay $0x2  }
0xbb: {  	s31 =	sshll.u32 s1, $0xD;
	s1 =	sshrl.u32 s1, $0x2  }
0xbc: {  	s3 =	sand.u32 $0x4000, s31;
	s1 =	sadd.s32 s1, s30  }
0xbd: {  	s0 =	sor.u32 s3, s0;
	s1 =	sshll.u32 s1, $0x11  }
0xbe: {  	s0 =	sor.u32 s1, s0  }
0xbf: {  	s0 =	sadd.s32 $0x8F2B, s0  }
0xc0: {  	[sflag:s0] =	ssyncadd.remote.s32 $0x1  }
0xc1: {  	_ =	sfence.sel $0xFFFF  }
0xc2: {  	[dreg:$0x0] =	wrdreg $0xFFFFFFFF;
	(pc) =	sbr.abs _section_cstart, $3  }
0xc3: {  	[dreg:$0x1] =	wrdreg $0xFFFFFFFF  }
0xc4: {  	_ =	task.clear_ibuf [dreg:s8], $0x2FFFF;
	_ =	strace $0x9FFFFFFF  }
0xc5: {  	(tm) =	ssettm $0x7FFFFFFF  }
tec
execute0_lowered:
.L_overlay_start_1:
0x0: {  	(tag) =	ssettag $0x1  }
0x1: {  	s0 =	rddreg [dreg:$0x0]  }
0x2: {  	s1 =	rddreg [dreg:$0x1]  }
0x3: {  	s11 =	rddreg [dreg:$0x2]  }
0x4: {  	s4 =	rddreg [dreg:$0x3]  }
0x5: {  	s5 =	simm.s32 $0x0;
	s12 =	stileid.u32;
	s2 =	srdreg.scid  }
0x6: {  	[smem:$0x7FF] =	sst s5;
	s3 =	smul.u32 $0x4E000, s12;
	s6 =	sadd.s32 $0x1E00, s0  }
0x7: {  	s2 =	sand.u32 $0x1, s2;
	s13 =	sadd.s32 $0x29E00, s0;
	s14 =	sadd.s32 $0x51000, s0  }
0x8: {  	s15 =	sadd.s32 $0x78200, s0;
	s30 =	sshll.u32 s12, $0x9;
	s10 =	smul.u32 $0x2700, s12  }
0x9: {  	p0 =	sne.s32 s12, $0xF;
	_ =	strace $0x80000047;
	[dreg:$0x5] =	wrdreg s13  }
0xa: {  	p2 =	seq.s32 s12, $0xF;
	s7 =	ssub.s32 $0x2, s2;
	[dreg:$0x7] =	wrdreg s15  }
0xb: {  	s28 =	smul.u32 $0xA0, s2;
	s16 =	sadd.s32 s6, s30;
	[dreg:$0x6] =	wrdreg s14  }
0xc: {  	p1 =	sne.s32 s2, $0x0;
	s3 =	sshrl.u32 s3, $0x2;
	s8 =	sshrl.u32 s7, $0x1  }
0xd: {  	[dreg:$0xc] =	wrdreg s16;
	s16 =	sadd.s32 $0x1E10, s0;
	s13 =	sadd.s32 s13, s10  }
0xe: {  	s18 =	sadd.s32 s11, s10;
	s19 =	sadd.s32 s15, s10;
	[dreg:$0xe] =	wrdreg s13  }
0xf: {  	s20 =	sadd.s32 s14, s10;
	s10 =	simm.s32 $0x160C0;
	[dreg:$0xf] =	wrdreg s18  }
0x10: {  	s15 =	simm.s32 $0x40;
	s9 =	sadd.s32 s3, s4;
	[dreg:$0x11] =	wrdreg s19  }
0x11: {  	s23 =	ssub.s32 s7, s8;
	s8 =	sadd.s32 s30, s16;
	[dreg:$0x12] =	wrdreg s20  }
0x12: {  	s11 =	simm.s32 $0x2;
	s24 =	sadd.s32 $0x1800, s9;
	[dreg:$0xd] =	wrdreg s8  }
0x13: {  	s31 =	sor.u32 s12, s28;
	s25 =	sadd.s32 $0x3000, s9;
	[dreg:$0x8] =	wrdreg s24  }
0x14: {  	s18 =	sadd.s32 $0x138000, s4;
	s26 =	sadd.s32 $0x4800, s9;
	[dreg:$0x9] =	wrdreg s25  }
0x15: {  	s19 =	sor.u32 $0x10, s12;
	s29 =	sadd.s32 $0x6000, s9;
	[dreg:$0xa] =	wrdreg s26  }
0x16: {  	s3 =	simm.s32 $0x5;
	s22 =	smax.u32 s23, $0x1;
	[dreg:$0xb] =	wrdreg s29  }
0x17: {  	s20 =	simm.s32 $0x188C0;
	s23 =	sadd.s32 $0x7800, s9;
	[dreg:$0x13] =	wrdreg s22  }
0x18: {  	s12 =	simm.s32 $0x3;
	s28 =	sadd.s32 $0xD800, s9;
	[dreg:$0x14] =	wrdreg s23  }
0x19: {  	s17 =	sshll.u32 s31, $0x9;
	s30 =	sadd.s32 $0x10800, s9;
	[dreg:$0x18] =	wrdreg s28  }
0x1a: {  	s21 =	sor.u32 $0x10, s31;
	s31 =	sadd.s32 $0x12000, s9;
	[dreg:$0x1a] =	wrdreg s30  }
0x1b: {  	s13 =	simm.s32 $0x4;
	s7 =	sadd.s32 s17, s16;
	[dreg:$0x1b] =	wrdreg s31  }
.Ltmp0:
0x1c: {  	v0 =	vlaneseq.u32;
	s24 =	sadd.s32 $0x9000, s9;
	[dreg:$0x10] =	wrdreg s7;
	(pc) =	sbr.rel .LBB2_1-.Ltmp0, $4  }
0x1d: {  	v0 =	vand.u32 $0x7, v0;
	s8 =	simm.s32 $0x100;
	s25 =	sadd.s32 $0xA800, s9;
	[dreg:$0x15] =	wrdreg s24  }
0x1e: {  	v0 =	vmul.u32 $0x2, v0;
	s26 =	sadd.s32 $0xC000, s9;
	s29 =	sadd.s32 $0xF000, s9;
	[dreg:$0x16] =	wrdreg s25  }
0x1f: {  	v2 =	vimm.f32 $0.0e+00;
	s22 =	simm.s32 $0x168C0;
	s23 =	simm.s32 $0x6;
	[dreg:$0x17] =	wrdreg s26  }
0x20: {  	vm0 =	vmmov $0xff;
	v3 =	vimm.f32 $1.000000000e+00;
	v1 =	vor.u32 s2, v0;
	[dreg:$0x19] =	wrdreg s29;
	s7 =	simm.s32 $0x80;
	s24 =	simm.s32 $0x1  }
.LBB2_33:
0x21: {  	s2 =	sadd.s32 $0x27000, s2;
	s14 =	sshrl.u32 s18, $0x3  }
0x22: {  	[hbm:s2], [sflag:s0] =	dma.local [spmem:s14], $0x100  }
0x23: {  	_ =	swait.ge [sflag:s23], $0x100  }
0x24: {  	[sflag:s23] =	ssyncset.done $0x0  }
0x25: {  	[sflag:s23] =	ssyncadd.s32 $0xFFFFFF00  }
.LBB2_34:
0x26: {  	s5 =	sadd.s32 $0x1, s5;
	s0 =	rddreg [dreg:$0x13]  }
0x27: {  	p3 =	sne.s32 s5, s0  }
.Ltmp1:
0x28: {  	_ = 	snop;
	(pc) =	sbr.rel @!p3 .LBB2_35-.Ltmp1, $1  }
0x29: {  	_ =	sdelay $0x3  }
.LBB2_1:
0x2a: {  	s0 =	simm.s32 $0x0;
	s2 =	simm.s32 $0x200  }
.LBB2_2:
0x2b: {  	p3 =	sne.s32 s2, $0x7E00;
	[tilespmem:s0+$0x16930] =	vst v2  }
0x2c: {  	[tilespmem:s0+$0x168C0] =	vst v2  }
0x2d: {  	[tilespmem:s0+$0x168D0] =	vst v2  }
.Ltmp2:
0x2e: {  	[tilespmem:s0+$0x168E0] =	vst v2;
	(pc) =	sbr.rel @p3 .LBB2_2-.Ltmp2, $4  }
0x2f: {  	[tilespmem:s0+$0x168F0] =	vst v2  }
0x30: {  	[tilespmem:s0+$0x16900] =	vst v2  }
0x31: {  	[tilespmem:s0+$0x16910] =	vst v2  }
0x32: {  	[tilespmem:s0+$0x16920] =	vst v2;
	s0 =	sshra.s32 s2, $0x2;
	s2 =	sadd.s32 $0x200, s2  }
0x33: {  	[tilespmem:s0+$0x16930] =	vst v2  }
0x34: {  	[tilespmem:s0+$0x168C0] =	vst v2  }
0x35: {  	[tilespmem:s0+$0x168D0] =	vst v2  }
0x36: {  	[tilespmem:s0+$0x168E0] =	vst v2  }
0x37: {  	[tilespmem:s0+$0x168F0] =	vst v2  }
0x38: {  	[tilespmem:s0+$0x16900] =	vst v2  }
0x39: {  	[tilespmem:s0+$0x16910] =	vst v2  }
0x3a: {  	[tilespmem:s0+$0x16920] =	vst v2;
	s0 =	simm.s32 $0x0;
	s2 =	simm.s32 $0x200  }
.LBB2_4:
0x3b: {  	p3 =	sne.s32 s2, $0x7E00;
	[tilespmem:s0+$0x18930] =	vst v2  }
0x3c: {  	[tilespmem:s0+$0x188C0] =	vst v2  }
0x3d: {  	[tilespmem:s0+$0x188D0] =	vst v2  }
.Ltmp3:
0x3e: {  	[tilespmem:s0+$0x188E0] =	vst v2;
	(pc) =	sbr.rel @p3 .LBB2_4-.Ltmp3, $4  }
0x3f: {  	[tilespmem:s0+$0x188F0] =	vst v2  }
0x40: {  	[tilespmem:s0+$0x18900] =	vst v2  }
0x41: {  	[tilespmem:s0+$0x18910] =	vst v2  }
0x42: {  	[tilespmem:s0+$0x18920] =	vst v2;
	s0 =	sshra.s32 s2, $0x2;
	s2 =	sadd.s32 $0x200, s2  }
0x43: {  	[tilespmem:s0+$0x18930] =	vst v2  }
0x44: {  	[tilespmem:s0+$0x188C0] =	vst v2  }
0x45: {  	[tilespmem:s0+$0x188D0] =	vst v2  }
0x46: {  	[tilespmem:s0+$0x188E0] =	vst v2  }
0x47: {  	[tilespmem:s0+$0x188F0] =	vst v2  }
0x48: {  	[tilespmem:s0+$0x18900] =	vst v2  }
0x49: {  	[tilespmem:s0+$0x18910] =	vst v2  }
0x4a: {  	[tilespmem:s0+$0x18920] =	vst v2  }
0x4b: {  	[spmem:s9] =	stream.linear.scatter [tilespmem:s22], [sflag:$0x6], $0x1800, $0x38;
	[tilespmem:$0x1A8C0] =	vst v63  }
0x4c: {  	_ =	swait.ge [sflag:s23], $0x1800  }
0x4d: {  	[sflag:s23] =	ssyncset.done $0x0  }
0x4e: {  	s26 =	rddreg [dreg:$0x8];
	[sflag:s23] =	ssyncadd.s32 $0xFFFFE800  }
0x4f: {  	[spmem:s26] =	stream.linear.scatter [tilespmem:s22], [sflag:$0x6], $0x1800, $0x38;
	[tilespmem:$0x1A8C0] =	vst v63  }
0x50: {  	_ =	swait.ge [sflag:s23], $0x1800  }
0x51: {  	[sflag:s23] =	ssyncset.done $0x0  }
0x52: {  	s28 =	rddreg [dreg:$0x9];
	[sflag:s23] =	ssyncadd.s32 $0xFFFFE800  }
0x53: {  	[spmem:s28] =	stream.linear.scatter [tilespmem:s22], [sflag:$0x6], $0x1800, $0x38;
	[tilespmem:$0x1A8C0] =	vst v63  }
0x54: {  	_ =	swait.ge [sflag:s23], $0x1800  }
0x55: {  	[sflag:s23] =	ssyncset.done $0x0  }
0x56: {  	s29 =	rddreg [dreg:$0xa];
	[sflag:s23] =	ssyncadd.s32 $0xFFFFE800  }
0x57: {  	[spmem:s29] =	stream.linear.scatter [tilespmem:s22], [sflag:$0x6], $0x1800, $0x38;
	[tilespmem:$0x1A8C0] =	vst v63  }
0x58: {  	_ =	swait.ge [sflag:s23], $0x1800  }
0x59: {  	[sflag:s23] =	ssyncset.done $0x0  }
0x5a: {  	s30 =	rddreg [dreg:$0xb];
	[sflag:s23] =	ssyncadd.s32 $0xFFFFE800  }
0x5b: {  	[spmem:s30] =	stream.linear.scatter [tilespmem:s22], [sflag:$0x6], $0x1800, $0x38;
	[tilespmem:$0x1A8C0] =	vst v63  }
0x5c: {  	_ =	swait.ge [sflag:s23], $0x1800  }
0x5d: {  	[sflag:s23] =	ssyncset.done $0x0  }
0x5e: {  	s31 =	rddreg [dreg:$0x14];
	[sflag:s23] =	ssyncadd.s32 $0xFFFFE800  }
0x5f: {  	[spmem:s31] =	stream.linear.scatter [tilespmem:s22], [sflag:$0x6], $0x1800, $0x38;
	[tilespmem:$0x1A8C0] =	vst v63  }
0x60: {  	_ =	swait.ge [sflag:s23], $0x1800  }
0x61: {  	[sflag:s23] =	ssyncset.done $0x0  }
0x62: {  	s2 =	rddreg [dreg:$0x15];
	[sflag:s23] =	ssyncadd.s32 $0xFFFFE800  }
0x63: {  	[spmem:s2] =	stream.linear.scatter [tilespmem:s22], [sflag:$0x6], $0x1800, $0x38;
	[tilespmem:$0x1A8C0] =	vst v63  }
0x64: {  	_ =	swait.ge [sflag:s23], $0x1800  }
0x65: {  	[sflag:s23] =	ssyncset.done $0x0  }
0x66: {  	s14 =	rddreg [dreg:$0x16];
	[sflag:s23] =	ssyncadd.s32 $0xFFFFE800  }
0x67: {  	[spmem:s14] =	stream.linear.scatter [tilespmem:s22], [sflag:$0x6], $0x1800, $0x38;
	[tilespmem:$0x1A8C0] =	vst v63  }
0x68: {  	_ =	swait.ge [sflag:s23], $0x1800  }
0x69: {  	[sflag:s23] =	ssyncset.done $0x0  }
0x6a: {  	s17 =	rddreg [dreg:$0x17];
	[sflag:s23] =	ssyncadd.s32 $0xFFFFE800  }
0x6b: {  	[spmem:s17] =	stream.linear.scatter [tilespmem:s22], [sflag:$0x6], $0x1800, $0x38;
	[tilespmem:$0x1A8C0] =	vst v63  }
0x6c: {  	_ =	swait.ge [sflag:s23], $0x1800  }
0x6d: {  	[sflag:s23] =	ssyncset.done $0x0  }
0x6e: {  	s25 =	rddreg [dreg:$0x18];
	[sflag:s23] =	ssyncadd.s32 $0xFFFFE800  }
0x6f: {  	[spmem:s25] =	stream.linear.scatter [tilespmem:s22], [sflag:$0x6], $0x1800, $0x38;
	[tilespmem:$0x1A8C0] =	vst v63  }
0x70: {  	_ =	swait.ge [sflag:s23], $0x1800  }
0x71: {  	[sflag:s23] =	ssyncset.done $0x0  }
0x72: {  	s26 =	rddreg [dreg:$0x19];
	[sflag:s23] =	ssyncadd.s32 $0xFFFFE800  }
0x73: {  	[spmem:s26] =	stream.linear.scatter [tilespmem:s22], [sflag:$0x6], $0x1800, $0x38;
	[tilespmem:$0x1A8C0] =	vst v63  }
0x74: {  	_ =	swait.ge [sflag:s23], $0x1800  }
0x75: {  	[sflag:s23] =	ssyncset.done $0x0  }
0x76: {  	s28 =	rddreg [dreg:$0x1a];
	[sflag:s23] =	ssyncadd.s32 $0xFFFFE800  }
0x77: {  	[spmem:s28] =	stream.linear.scatter [tilespmem:s22], [sflag:$0x6], $0x1800, $0x38;
	[tilespmem:$0x1A8C0] =	vst v63  }
0x78: {  	_ =	swait.ge [sflag:s23], $0x1800  }
0x79: {  	[sflag:s23] =	ssyncset.done $0x0  }
0x7a: {  	s29 =	rddreg [dreg:$0x1b];
	[sflag:s23] =	ssyncadd.s32 $0xFFFFE800  }
0x7b: {  	[spmem:s29] =	stream.linear.scatter [tilespmem:s22], [sflag:$0x6], $0x1800, $0x38;
	[tilespmem:$0x1A8C0] =	vst v63  }
0x7c: {  	_ =	swait.ge [sflag:s23], $0x1800  }
0x7d: {  	[sflag:s23] =	ssyncset.done $0x0  }
0x7e: {  	s0 =	simm.s32 @!p0 $0x168C0;
	[sflag:s23] =	ssyncadd.s32 $0xFFFFE800  }
0x7f: {  	[spmem:s18] =	stream.linear.scatter @!p0 [tilespmem:s0], [sflag:$0x6], $0xC00, $0x38;
	[tilespmem:$0x1A8C0] =	vst v63  }
0x80: {  	s0 =	simm.s32 @!p0 $0x6  }
0x81: {  	_ =	swait.ge @!p0 [sflag:s0], $0xC00  }
0x82: {  	[sflag:s0] =	ssyncset.done @!p0 $0x0  }
0x83: {  	[sflag:s0] =	ssyncadd.s32 @!p0 $0xFFFFF400  }
.Ltmp4:
0x84: {  	[bflag:$0x0] =	sbarrier.arrive $0xFFFF;
	(pc) =	sbr.rel .LBB2_6-.Ltmp4, $4  }
0x85: {  	s2 =	simm.s32 $0x158C0;
	s30 =	rddreg [dreg:$0xc]  }
0x86: {  	[tilespmem:s2], [sflag:$0x5] =	stream.strided.gather [hbm4b:s30+s7], $0x800, s8, s7, $0x38;
	[tilespmem:$0x1A8C0] =	vst v63  }
0x87: {  	s14 =	simm.s32 $0x0;
	s31 =	rddreg [dreg:$0xd]  }
0x88: {  	[tilespmem:s10], [sflag:$0x5] =	stream.strided.gather [hbm4b:s31+s7], $0x800, s8, s7, $0x38;
	[tilespmem:$0x1A8C0] =	vst v63  }
.LBB2_11:
0x89: {  	_ =	swait.ge [sflag:s12], $0x2000;
	s0 =	sshll.u32 s25, $0x8;
	s2 =	sshll.u32 s26, $0x7  }
0x8a: {  	[sflag:s12] =	ssyncset.done $0x0;
	s0 =	sor.u32 s0, s2  }
0x8b: {  	[sflag:s12] =	ssyncadd.s32 $0xFFFFE000;
	s2 =	sadd.s32 $0x138C0, s0  }
0x8c: {  	[tilespmem:s22], [sflag:$0x1] =	stream.indirect.gather [hbm4b:s1+s15], $0x80, s2, s15, $0xb8;
	[tilespmem:$0x1A8C0] =	vst v63  }
0x8d: {  	_ =	swait.ge [sflag:s13], $0x2000  }
0x8e: {  	[sflag:s13] =	ssyncset.done $0x0  }
0x8f: {  	[sflag:s13] =	ssyncadd.s32 $0xFFFFE000  }
.LBB2_12:
0x90: {  	s2 =	sadd.s32 $0x13940, s0  }
0x91: {  	[tilespmem:s20], [sflag:$0x2] =	stream.indirect.gather [hbm4b:s1+s15], $0x80, s2, s15, $0xb8;
	[tilespmem:$0x1A8C0] =	vst v63  }
0x92: {  	_ =	swait.ge [sflag:s24], $0x2000  }
0x93: {  	s14 =	sadd.s32 $0x1, s14;
	[sflag:s24] =	ssyncset.done $0x0  }
0x94: {  	s30 =	sadd.s32 $0x148C0, s0;
	p3 =	sne.s32 s14, $0xA0;
	[sflag:s24] =	ssyncadd.s32 $0xFFFFE000  }
0x95: {  	[spmem:s4] =	stream.indirect.scatter.add.f32 [tilespmem:s22], [sflag:$0x3], $0x80, s30, s15, $0xb8;
	[tilespmem:$0x1A8C0] =	vst v63  }
.Ltmp5:
0x96: {  	_ = 	snop;
	(pc) =	sbr.rel @!p3 .LBB2_13-.Ltmp5, $4  }
0x97: {  	_ =	swait.ge [sflag:s11], $0x2000  }
0x98: {  	[sflag:s11] =	ssyncset.done $0x0  }
0x99: {  	s31 =	sadd.s32 $0x14940, s0;
	[sflag:s11] =	ssyncadd.s32 $0xFFFFE000  }
0x9a: {  	[spmem:s4] =	stream.indirect.scatter.add.f32 [tilespmem:s20], [sflag:$0x4], $0x80, s31, s15, $0xb8;
	[tilespmem:$0x1A8C0] =	vst v63  }
.LBB2_6:
0x9b: {  	s25 =	sand.u32 $0x7, s14  }
0x9c: {  	p3 =	sne.s32 s25, $0x0  }
.Ltmp6:
0x9d: {  	_ = 	snop;
	(pc) =	sbr.rel @p3 .LBB2_11-.Ltmp6, $3  }
0x9e: {  	_ =	sdelay $0x1  }
0x9f: {  	s28 =	sshll.u32 s14, $0x1  }
0xa0: {  	s26 =	sand.u32 $0x10, s28  }
0xa1: {  	_ =	swait.ge [sflag:s3], $0x800  }
0xa2: {  	[sflag:s3] =	ssyncset.done $0x0  }
0xa3: {  	[sflag:s3] =	ssyncadd.s32 $0xFFFFF800  }
0xa4: {  	_ =	swait.ge [sflag:s3], $0x800  }
0xa5: {  	[sflag:s3] =	ssyncset.done $0x0  }
0xa6: {  	s29 =	simm.s32 $0x160D0;
	[sflag:s3] =	ssyncadd.s32 $0xFFFFF800  }
0xa7: {  	v4 =	vld [tilespmem:s29+$0x0]  }
0xa8: {  	v5 =	vld [tilespmem:s29+$0xFFFFFFF0];
	_ =	sdelay $0x4  }
0xa9: {  	s30 =	simm.s32 $0x0;
	s0 =	sadd.s32 $0x0, s26;
	v5 =	vperm.xlane v5, v0;
	v4 =	vperm.xlane v4, v0  }
0xaa: {  	s2 =	sand.u32 $0x30, s30;
	s0 =	sshll.u32 s0, $0x7  }
0xab: {  	s2 =	sor.u32 s2, s0;
	v4 =	vsel vm0, v5, v4  }
0xac: {  	s31 =	simm.s32 $0x158D0;
	[tilespmem:s2+$0x148C0] =	vst v4  }
0xad: {  	v4 =	vld [tilespmem:s31+$0xFFFFFFF0]  }
0xae: {  	v5 =	vld [tilespmem:s31+$0x0];
	_ =	sdelay $0x4  }
0xaf: {  	s0 =	simm.s32 $0x1;
	v4 =	vperm.xlane v4, v1;
	v5 =	vperm.xlane v5, v1  }
.LBB2_8:
0xb0: {  	_ = 	snop  }
0xb1: {  	s31 =	sadd.s32 $0x20, s31;
	s29 =	sadd.s32 $0x20, s29;
	s30 =	sadd.s32 $0x10, s30;
	v4 =	vsel vm0, v4, v5  }
0xb2: {  	p3 =	sne.s32 s0, $0x3F;
	[tilespmem:s2+$0x138C0] =	vst v4;
	s2 =	smov.u32 s0;
	s0 =	sadd.s32 $0x1, s0  }
0xb3: {  	v4 =	vld [tilespmem:s29+$0x0]  }
0xb4: {  	v5 =	vld [tilespmem:s29+$0xFFFFFFF0];
	_ =	sdelay $0x3  }
0xb5: {  	s2 =	sshrl.u32 s2, $0x2  }
0xb6: {  	s2 =	sadd.s32 s26, s2;
	v4 =	vperm.xlane v4, v0;
	v5 =	vperm.xlane v5, v0  }
0xb7: {  	s17 =	sand.u32 $0x30, s30;
	s2 =	sshll.u32 s2, $0x7  }
0xb8: {  	s2 =	sor.u32 s17, s2;
	v4 =	vsel vm0, v5, v4  }
0xb9: {  	[tilespmem:s2+$0x148C0] =	vst v4  }
0xba: {  	v4 =	vld [tilespmem:s31+$0xFFFFFFF0]  }
0xbb: {  	v5 =	vld [tilespmem:s31+$0x0]  }
.Ltmp7:
0xbc: {  	(pc) =	sbr.rel @p3 .LBB2_8-.Ltmp7, $3  }
0xbd: {  	_ =	sdelay $0x1  }
0xbe: {  	v4 =	vperm.xlane v4, v1  }
0xbf: {  	v5 =	vperm.xlane v5, v1  }
0xc0: {  	p3 =	sgt.u32 s14, $0x97  }
0xc1: {  	s0 =	sadd.s32 @!p3 s19, s28  }
0xc2: {  	v4 =	vsel vm0, v4, v5;
	s28 =	simm.s32 @!p3 $0x100;
	s0 =	sshll.u32 @!p3 s0, $0x9  }
0xc3: {  	s29 =	simm.s32 @!p3 $0x158C0;
	[tilespmem:s2+$0x138C0] =	vst v4;
	s2 =	simm.s32 @!p3 $0x80;
	s17 =	sadd.s32 @!p3 s6, s0  }
0xc4: {  	[tilespmem:s29], [sflag:$0x5] =	stream.strided.gather @!p3 [hbm4b:s17+s2], $0x800, s28, s2, $0x38;
	[tilespmem:$0x1A8C0] =	vst v63  }
0xc5: {  	p4 =	sne.s32 @!p3 s14, $0x0;
	s0 =	sadd.s32 @!p3 s0, s16;
	s17 =	simm.s32 @!p3 $0x160C0  }
0xc6: {  	[tilespmem:s17], [sflag:$0x5] =	stream.strided.gather @!p3 [hbm4b:s0+s2], $0x800, s28, s2, $0x38;
	[tilespmem:$0x1A8C0] =	vst v63  }
0xc7: {  	p3 =	por p3, p4  }
.Ltmp8:
0xc8: {  	_ = 	snop;
	(pc) =	sbr.rel @p3 .LBB2_11-.Ltmp8, $1  }
0xc9: {  	_ =	sdelay $0x3  }
.Ltmp9:
0xca: {  	(pc) =	sbr.rel .LBB2_12-.Ltmp9, $4  }
0xcb: {  	_ = 	snop  }
0xcc: {  	s0 =	simm.s32 $0x138C0  }
0xcd: {  	[tilespmem:s22], [sflag:$0x1] =	stream.indirect.gather [hbm4b:s1+s15], $0x80, s0, s15, $0xb8;
	[tilespmem:$0x1A8C0] =	vst v63  }
0xce: {  	s0 =	simm.s32 $0x0  }
.LBB2_13:
0xcf: {  	_ =	swait.ge [sflag:s12], $0x2000  }
0xd0: {  	[sflag:s12] =	ssyncset.done $0x0  }
0xd1: {  	[sflag:s12] =	ssyncadd.s32 $0xFFFFE000  }
.Ltmp10:
0xd2: {  	_ =	swait.ge [sflag:s13], $0x2000;
	(pc) =	sbr.rel @p1 .LBB2_15-.Ltmp10, $4  }
0xd3: {  	[sflag:s13] =	ssyncset.done $0x0  }
0xd4: {  	s0 =	stileid.u32;
	[sflag:s13] =	ssyncadd.s32 $0xFFFFE000  }
0xd5: {  	s14 =	sshll.u32 s0, $0x6;
	[bflag:$0x0] =	sbarrier.arrive $0xFFFF  }
0xd6: {  	s25 =	sshrl.u32 s9, $0x3;
	s0 =	sor.u32 $0x1C06, s14  }
0xd7: {  	s0 =	sor.u32 $0x1C06, s14;
	s2 =	rddreg [dreg:$0xf]  }
0xd8: {  	[hbm:s2], [sflag:s0] =	dma.local [spmem:s25], $0x2700  }
.Ltmp11:
0xd9: {  	_ = 	snop;
	(pc) =	sbr.rel @p2 .LBB2_16-.Ltmp11, $4  }
.Ltmp12:
0xda: {  	_ =	swait.ge [sflag:s23], $0x2700;
	(pc) =	sbr.rel @!p2 .LBB2_17-.Ltmp12, $4  }
0xdb: {  	[sflag:s23] =	ssyncset.done $0x0  }
0xdc: {  	[sflag:s23] =	ssyncadd.s32 $0xFFFFD900  }
0xdd: {  	s2 =	rddreg [dreg:$0x2]  }
0xde: {  	_ = 	snop  }
.LBB2_15:
.Ltmp13:
0xdf: {  	s2 =	rddreg [dreg:$0xe];
	(pc) =	sbr.rel @p0 .LBB2_17-.Ltmp13, $4  }
0xe0: {  	[hbm:s2], [sflag:s0] =	dma.local [spmem:s25], $0x2700  }
0xe1: {  	_ =	swait.ge [sflag:s23], $0x2700  }
0xe2: {  	[sflag:s23] =	ssyncset.done $0x0  }
0xe3: {  	s2 =	rddreg [dreg:$0x5];
	[sflag:s23] =	ssyncadd.s32 $0xFFFFD900  }
.LBB2_16:
0xe4: {  	s2 =	sadd.s32 $0x27000, s2;
	s17 =	sshrl.u32 s18, $0x3  }
0xe5: {  	[hbm:s2], [sflag:s0] =	dma.local [spmem:s17], $0x100  }
0xe6: {  	_ =	swait.ge [sflag:s23], $0x100  }
0xe7: {  	[sflag:s23] =	ssyncset.done $0x0  }
0xe8: {  	[sflag:s23] =	ssyncadd.s32 $0xFFFFFF00  }
.LBB2_17:
0xe9: {  	s0 =	simm.s32 $0x0;
	s2 =	simm.s32 $0x200  }
.LBB2_18:
0xea: {  	p3 =	sne.s32 s2, $0x7E00;
	[tilespmem:s0+$0x16930] =	vst v2  }
0xeb: {  	[tilespmem:s0+$0x168C0] =	vst v2  }
0xec: {  	[tilespmem:s0+$0x168D0] =	vst v2  }
.Ltmp14:
0xed: {  	[tilespmem:s0+$0x168E0] =	vst v2;
	(pc) =	sbr.rel @p3 .LBB2_18-.Ltmp14, $4  }
0xee: {  	[tilespmem:s0+$0x168F0] =	vst v2  }
0xef: {  	[tilespmem:s0+$0x16900] =	vst v2  }
0xf0: {  	[tilespmem:s0+$0x16910] =	vst v2  }
0xf1: {  	[tilespmem:s0+$0x16920] =	vst v2;
	s0 =	sshra.s32 s2, $0x2;
	s2 =	sadd.s32 $0x200, s2  }
0xf2: {  	[tilespmem:s0+$0x16930] =	vst v2  }
0xf3: {  	[tilespmem:s0+$0x168C0] =	vst v2  }
0xf4: {  	[tilespmem:s0+$0x168D0] =	vst v2  }
0xf5: {  	[tilespmem:s0+$0x168E0] =	vst v2  }
0xf6: {  	[tilespmem:s0+$0x168F0] =	vst v2  }
0xf7: {  	[tilespmem:s0+$0x16900] =	vst v2  }
0xf8: {  	[tilespmem:s0+$0x16910] =	vst v2  }
0xf9: {  	[tilespmem:s0+$0x16920] =	vst v2  }
0xfa: {  	[spmem:s9] =	stream.linear.scatter [tilespmem:s22], [sflag:$0x6], $0x1800, $0x38;
	[tilespmem:$0x1A8C0] =	vst v63  }
0xfb: {  	_ =	swait.ge [sflag:s23], $0x1800  }
0xfc: {  	[sflag:s23] =	ssyncset.done $0x0  }
0xfd: {  	s26 =	rddreg [dreg:$0x8];
	[sflag:s23] =	ssyncadd.s32 $0xFFFFE800  }
0xfe: {  	[spmem:s26] =	stream.linear.scatter [tilespmem:s22], [sflag:$0x6], $0x1800, $0x38;
	[tilespmem:$0x1A8C0] =	vst v63  }
0xff: {  	_ =	swait.ge [sflag:s23], $0x1800  }
0x100: {  	[sflag:s23] =	ssyncset.done $0x0  }
0x101: {  	s28 =	rddreg [dreg:$0x9];
	[sflag:s23] =	ssyncadd.s32 $0xFFFFE800  }
0x102: {  	[spmem:s28] =	stream.linear.scatter [tilespmem:s22], [sflag:$0x6], $0x1800, $0x38;
	[tilespmem:$0x1A8C0] =	vst v63  }
0x103: {  	_ =	swait.ge [sflag:s23], $0x1800  }
0x104: {  	[sflag:s23] =	ssyncset.done $0x0  }
0x105: {  	s29 =	rddreg [dreg:$0xa];
	[sflag:s23] =	ssyncadd.s32 $0xFFFFE800  }
0x106: {  	[spmem:s29] =	stream.linear.scatter [tilespmem:s22], [sflag:$0x6], $0x1800, $0x38;
	[tilespmem:$0x1A8C0] =	vst v63  }
0x107: {  	_ =	swait.ge [sflag:s23], $0x1800  }
0x108: {  	[sflag:s23] =	ssyncset.done $0x0  }
0x109: {  	s30 =	rddreg [dreg:$0xb];
	[sflag:s23] =	ssyncadd.s32 $0xFFFFE800  }
0x10a: {  	[spmem:s30] =	stream.linear.scatter [tilespmem:s22], [sflag:$0x6], $0x1800, $0x38;
	[tilespmem:$0x1A8C0] =	vst v63  }
0x10b: {  	_ =	swait.ge [sflag:s23], $0x1800  }
0x10c: {  	[sflag:s23] =	ssyncset.done $0x0  }
0x10d: {  	s31 =	rddreg [dreg:$0x14];
	[sflag:s23] =	ssyncadd.s32 $0xFFFFE800  }
0x10e: {  	[spmem:s31] =	stream.linear.scatter [tilespmem:s22], [sflag:$0x6], $0x1800, $0x38;
	[tilespmem:$0x1A8C0] =	vst v63  }
0x10f: {  	_ =	swait.ge [sflag:s23], $0x1800  }
0x110: {  	[sflag:s23] =	ssyncset.done $0x0  }
0x111: {  	s2 =	rddreg [dreg:$0x15];
	[sflag:s23] =	ssyncadd.s32 $0xFFFFE800  }
0x112: {  	[spmem:s2] =	stream.linear.scatter [tilespmem:s22], [sflag:$0x6], $0x1800, $0x38;
	[tilespmem:$0x1A8C0] =	vst v63  }
0x113: {  	_ =	swait.ge [sflag:s23], $0x1800  }
0x114: {  	[sflag:s23] =	ssyncset.done $0x0  }
0x115: {  	s17 =	rddreg [dreg:$0x16];
	[sflag:s23] =	ssyncadd.s32 $0xFFFFE800  }
0x116: {  	[spmem:s17] =	stream.linear.scatter [tilespmem:s22], [sflag:$0x6], $0x1800, $0x38;
	[tilespmem:$0x1A8C0] =	vst v63  }
0x117: {  	_ =	swait.ge [sflag:s23], $0x1800  }
0x118: {  	[sflag:s23] =	ssyncset.done $0x0  }
0x119: {  	s26 =	rddreg [dreg:$0x17];
	[sflag:s23] =	ssyncadd.s32 $0xFFFFE800  }
0x11a: {  	[spmem:s26] =	stream.linear.scatter [tilespmem:s22], [sflag:$0x6], $0x1800, $0x38;
	[tilespmem:$0x1A8C0] =	vst v63  }
0x11b: {  	_ =	swait.ge [sflag:s23], $0x1800  }
0x11c: {  	[sflag:s23] =	ssyncset.done $0x0  }
0x11d: {  	s28 =	rddreg [dreg:$0x18];
	[sflag:s23] =	ssyncadd.s32 $0xFFFFE800  }
0x11e: {  	[spmem:s28] =	stream.linear.scatter [tilespmem:s22], [sflag:$0x6], $0x1800, $0x38;
	[tilespmem:$0x1A8C0] =	vst v63  }
0x11f: {  	_ =	swait.ge [sflag:s23], $0x1800  }
0x120: {  	[sflag:s23] =	ssyncset.done $0x0  }
0x121: {  	s29 =	rddreg [dreg:$0x19];
	[sflag:s23] =	ssyncadd.s32 $0xFFFFE800  }
0x122: {  	[spmem:s29] =	stream.linear.scatter [tilespmem:s22], [sflag:$0x6], $0x1800, $0x38;
	[tilespmem:$0x1A8C0] =	vst v63  }
0x123: {  	_ =	swait.ge [sflag:s23], $0x1800  }
0x124: {  	[sflag:s23] =	ssyncset.done $0x0  }
0x125: {  	s30 =	rddreg [dreg:$0x1a];
	[sflag:s23] =	ssyncadd.s32 $0xFFFFE800  }
0x126: {  	[spmem:s30] =	stream.linear.scatter [tilespmem:s22], [sflag:$0x6], $0x1800, $0x38;
	[tilespmem:$0x1A8C0] =	vst v63  }
0x127: {  	_ =	swait.ge [sflag:s23], $0x1800  }
0x128: {  	[sflag:s23] =	ssyncset.done $0x0  }
0x129: {  	s31 =	rddreg [dreg:$0x1b];
	[sflag:s23] =	ssyncadd.s32 $0xFFFFE800  }
0x12a: {  	[spmem:s31] =	stream.linear.scatter [tilespmem:s22], [sflag:$0x6], $0x1800, $0x38;
	[tilespmem:$0x1A8C0] =	vst v63  }
0x12b: {  	_ =	swait.ge [sflag:s23], $0x1800  }
0x12c: {  	[sflag:s23] =	ssyncset.done $0x0  }
0x12d: {  	s0 =	simm.s32 @!p0 $0x168C0;
	[sflag:s23] =	ssyncadd.s32 $0xFFFFE800  }
0x12e: {  	[spmem:s18] =	stream.linear.scatter @!p0 [tilespmem:s0], [sflag:$0x6], $0xC00, $0x38;
	[tilespmem:$0x1A8C0] =	vst v63  }
0x12f: {  	s0 =	simm.s32 @!p0 $0x6  }
0x130: {  	_ =	swait.ge @!p0 [sflag:s0], $0xC00  }
0x131: {  	[sflag:s0] =	ssyncset.done @!p0 $0x0  }
0x132: {  	s2 =	simm.s32 $0x200;
	[sflag:s0] =	ssyncadd.s32 @!p0 $0xFFFFF400;
	s0 =	simm.s32 $0x0  }
.LBB2_20:
0x133: {  	p3 =	sne.s32 s2, $0x7E00;
	[tilespmem:s0+$0x16930] =	vst v3  }
0x134: {  	[tilespmem:s0+$0x168C0] =	vst v3  }
0x135: {  	[tilespmem:s0+$0x168D0] =	vst v3  }
.Ltmp15:
0x136: {  	[tilespmem:s0+$0x168E0] =	vst v3;
	(pc) =	sbr.rel @p3 .LBB2_20-.Ltmp15, $4  }
0x137: {  	[tilespmem:s0+$0x168F0] =	vst v3  }
0x138: {  	[tilespmem:s0+$0x16900] =	vst v3  }
0x139: {  	[tilespmem:s0+$0x16910] =	vst v3  }
0x13a: {  	[tilespmem:s0+$0x16920] =	vst v3;
	s0 =	sshra.s32 s2, $0x2;
	s2 =	sadd.s32 $0x200, s2  }
0x13b: {  	[tilespmem:s0+$0x16930] =	vst v3  }
0x13c: {  	[tilespmem:s0+$0x168C0] =	vst v3  }
0x13d: {  	[tilespmem:s0+$0x168D0] =	vst v3  }
0x13e: {  	[tilespmem:s0+$0x168E0] =	vst v3  }
0x13f: {  	[tilespmem:s0+$0x168F0] =	vst v3  }
0x140: {  	[tilespmem:s0+$0x16900] =	vst v3  }
.Ltmp16:
0x141: {  	[tilespmem:s0+$0x16910] =	vst v3;
	(pc) =	sbr.rel .LBB2_22-.Ltmp16, $4  }
0x142: {  	[tilespmem:s0+$0x16920] =	vst v3  }
0x143: {  	[bflag:$0x0] =	sbarrier.arrive $0xFFFF  }
0x144: {  	s26 =	simm.s32 $0x0;
	s31 =	rddreg [dreg:$0x10]  }
0x145: {  	[tilespmem:s10], [sflag:$0x5] =	stream.strided.gather [hbm4b:s31+s7], $0x800, s8, s7, $0x38;
	[tilespmem:$0x1A8C0] =	vst v63  }
.LBB2_28:
0x146: {  	_ =	swait.ge [sflag:s12], $0x2000  }
0x147: {  	[sflag:s12] =	ssyncset.done $0x0  }
0x148: {  	[sflag:s12] =	ssyncadd.s32 $0xFFFFE000  }
.LBB2_29:
0x149: {  	s0 =	sshll.u32 s26, $0x7;
	s26 =	sadd.s32 $0x1, s26  }
0x14a: {  	p3 =	sne.s32 s26, $0xA0  }
.Ltmp17:
0x14b: {  	_ = 	snop;
	(pc) =	sbr.rel @!p3 .LBB2_30-.Ltmp17, $4  }
0x14c: {  	_ = 	snop  }
0x14d: {  	s0 =	sand.u32 $0xF80, s0  }
0x14e: {  	s0 =	sadd.s32 $0x148C0, s0  }
0x14f: {  	[spmem:s4] =	stream.indirect.scatter.add.f32 [tilespmem:s22], [sflag:$0x3], $0x80, s0, s15, $0xb8;
	[tilespmem:$0x1A8C0] =	vst v63  }
.LBB2_22:
0x150: {  	s0 =	sand.u32 $0xF, s26  }
0x151: {  	p3 =	sne.s32 s0, $0x0  }
.Ltmp18:
0x152: {  	_ = 	snop;
	(pc) =	sbr.rel @p3 .LBB2_27-.Ltmp18, $1  }
0x153: {  	_ =	sdelay $0x3  }
0x154: {  	_ =	swait.ge [sflag:s3], $0x800  }
0x155: {  	[sflag:s3] =	ssyncset.done $0x0  }
0x156: {  	s0 =	simm.s32 $0x160D0;
	[sflag:s3] =	ssyncadd.s32 $0xFFFFF800  }
0x157: {  	v4 =	vld [tilespmem:s0+$0xFFFFFFF0]  }
0x158: {  	v5 =	vld [tilespmem:s0+$0x0];
	_ =	sdelay $0x2  }
0x159: {  	s29 =	sand.u32 $0x10, s26  }
0x15a: {  	s31 =	sadd.s32 $0x0, s29  }
0x15b: {  	s28 =	simm.s32 $0x0;
	s0 =	sshll.u32 s31, $0x7;
	v4 =	vperm.xlane v4, v0;
	v5 =	vperm.xlane v5, v0  }
0x15c: {  	s2 =	sand.u32 $0x30, s28;
	s0 =	sand.u32 $0x3FFFFF80, s0  }
0x15d: {  	s0 =	sor.u32 s2, s0;
	v4 =	vsel vm0, v4, v5  }
0x15e: {  	[tilespmem:s0+$0x148C0] =	vst v4;
	s0 =	simm.s32 $0x160F0  }
0x15f: {  	v4 =	vld [tilespmem:s0+$0xFFFFFFF0]  }
0x160: {  	s30 =	simm.s32 $0x2;
	s2 =	simm.s32 $0x1;
	v5 =	vld [tilespmem:s0+$0x0]  }
.LBB2_24:
0x161: {  	p3 =	sne.s32 s30, $0x3F;
	_ =	sdelay $0x1  }
0x162: {  	s17 =	sshrl.u32 s2, $0x2;
	s2 =	smov.u32 s30  }
0x163: {  	s17 =	sadd.s32 s29, s17  }
0x164: {  	s28 =	sadd.s32 $0x10, s28;
	s17 =	sshll.u32 s17, $0x7;
	v4 =	vperm.xlane v4, v0;
	v5 =	vperm.xlane v5, v0  }
.Ltmp19:
0x165: {  	s31 =	sand.u32 $0x30, s28;
	s17 =	sand.u32 $0x3FFFFF80, s17;
	(pc) =	sbr.rel @p3 .LBB2_24-.Ltmp19, $4  }
0x166: {  	s17 =	sor.u32 s31, s17;
	v4 =	vsel vm0, v4, v5  }
0x167: {  	s0 =	sadd.s32 $0x20, s0;
	[tilespmem:s17+$0x148C0] =	vst v4  }
0x168: {  	v4 =	vld [tilespmem:s0+$0xFFFFFFF0]  }
0x169: {  	s30 =	sadd.s32 $0x1, s30;
	v5 =	vld [tilespmem:s0+$0x0]  }
0x16a: {  	_ =	sdelay $0x1  }
0x16b: {  	s0 =	sshrl.u32 s2, $0x2;
	p3 =	sgt.u32 s26, $0x8F  }
.Ltmp20:
0x16c: {  	s0 =	sadd.s32 s29, s0;
	(pc) =	sbr.rel @p3 .LBB2_28-.Ltmp20, $4  }
0x16d: {  	s31 =	sadd.s32 $0x10, s28;
	s0 =	sshll.u32 s0, $0x7;
	v4 =	vperm.xlane v4, v0;
	v5 =	vperm.xlane v5, v0  }
0x16e: {  	s2 =	sand.u32 $0x30, s31;
	s0 =	sand.u32 $0x3FFFFF80, s0  }
0x16f: {  	s0 =	sor.u32 s2, s0;
	v4 =	vsel vm0, v4, v5  }
0x170: {  	[tilespmem:s0+$0x148C0] =	vst v4  }
0x171: {  	s0 =	sadd.s32 s26, s21  }
0x172: {  	s0 =	sshll.u32 s0, $0x9  }
0x173: {  	s0 =	sadd.s32 s0, s16  }
0x174: {  	[tilespmem:s10], [sflag:$0x5] =	stream.strided.gather [hbm4b:s0+s7], $0x800, s8, s7, $0x38;
	[tilespmem:$0x1A8C0] =	vst v63  }
.LBB2_27:
0x175: {  	p3 =	slt.u32 s26, $0x2  }
.Ltmp21:
0x176: {  	_ = 	snop;
	(pc) =	sbr.rel @p3 .LBB2_29-.Ltmp21, $4  }
.Ltmp22:
0x177: {  	_ = 	snop;
	(pc) =	sbr.rel @!p3 .LBB2_28-.Ltmp22, $4  }
0x178: {  	_ = 	snop  }
0x179: {  	_ = 	snop  }
0x17a: {  	_ = 	snop  }
0x17b: {  	_ = 	snop  }
.LBB2_30:
0x17c: {  	_ =	swait.ge [sflag:s12], $0x2000  }
0x17d: {  	[sflag:s12] =	ssyncset.done $0x0  }
0x17e: {  	[sflag:s12] =	ssyncadd.s32 $0xFFFFE000  }
.Ltmp23:
0x17f: {  	_ =	swait.ge [sflag:s12], $0x2000;
	(pc) =	sbr.rel @p1 .LBB2_32-.Ltmp23, $4  }
0x180: {  	[sflag:s12] =	ssyncset.done $0x0  }
0x181: {  	[sflag:s12] =	ssyncadd.s32 $0xFFFFE000  }
0x182: {  	[bflag:$0x0] =	sbarrier.arrive $0xFFFF  }
0x183: {  	s0 =	sor.u32 $0x1C06, s14  }
0x184: {  	s2 =	rddreg [dreg:$0x12]  }
0x185: {  	[hbm:s2], [sflag:s0] =	dma.local [spmem:s25], $0x2700  }
.Ltmp24:
0x186: {  	_ = 	snop;
	(pc) =	sbr.rel @p2 .LBB2_33-.Ltmp24, $4  }
.Ltmp25:
0x187: {  	_ = 	snop;
	(pc) =	sbr.rel @!p2 .LBB2_34-.Ltmp25, $4  }
0x188: {  	_ =	swait.ge [sflag:s23], $0x2700  }
0x189: {  	[sflag:s23] =	ssyncset.done $0x0  }
0x18a: {  	s2 =	rddreg [dreg:$0x6];
	[sflag:s23] =	ssyncadd.s32 $0xFFFFD900  }
0x18b: {  	_ = 	snop  }
.LBB2_32:
0x18c: {  	s2 =	rddreg [dreg:$0x11]  }
0x18d: {  	[hbm:s2], [sflag:s0] =	dma.local [spmem:s25], $0x2700  }
.Ltmp26:
0x18e: {  	_ = 	snop;
	(pc) =	sbr.rel @p0 .LBB2_34-.Ltmp26, $4  }
.Ltmp27:
0x18f: {  	_ = 	snop;
	(pc) =	sbr.rel @!p0 .LBB2_33-.Ltmp27, $4  }
0x190: {  	_ =	swait.ge [sflag:s23], $0x2700  }
0x191: {  	[sflag:s23] =	ssyncset.done $0x0  }
0x192: {  	s2 =	rddreg [dreg:$0x7];
	[sflag:s23] =	ssyncadd.s32 $0xFFFFD900  }
0x193: {  	_ = 	snop  }
.LBB2_35:
0x194: {  	_ =	sfence.sel $0x180000  }
0x195: {  	[bflag:$0x0] =	sbarrier.arrive $0xFFFF  }
0x196: {  	_ =	strace $0x90000047  }
0x197: {  	s0 =	stileid.u32;
	[bflag:$0x2] =	sbarrier.arrive $0xFFFF  }
0x198: {  	p0 =	sne.s32 s0, $0x0;
	s0 =	rddreg [dreg:$0x4]  }
0x199: {  	s0 =	sadd.s32 @!p0 $0x100000, s0  }
0x19a: {  	[sflag:s0] =	ssyncadd.tile.s32 @!p0 $0x1;
	_ =	shalt  }
.Lfunc_end2:
_tile_overlayer_lowered:
.L_overlay_start_2:
0x19b: {  	(tag) =	ssettag $0x2  }
0x19c: {  	s0 =	rddreg [dreg:$0x0];
	s2 =	stileid.u32  }
0x19d: {  	s1 =	rddreg [dreg:$0x1];
	p0 =	sne.s32 s2, $0x0  }
0x19e: {  	s3 =	rddreg [dreg:$0x2];
	[bflag:$0x3] =	sbarrier.arrive $0xFFFF;
	s2 =	simm.s32 @!p0 $0x1C06  }
0x19f: {  	[timem:s3], [sflag:s2] =	dma.local @!p0 [hbm:s0], s1  }
0x1a0: {  	s0 =	simm.s32 @!p0 $0x6  }
0x1a1: {  	_ =	swait.ge @!p0 [sflag:s0], s1  }
0x1a2: {  	s1 =	ssub.s32 @!p0 $0x0, s1;
	[sflag:s0] =	ssyncset.done @!p0 $0x0  }
0x1a3: {  	[sflag:s0] =	ssyncadd.s32 @!p0 s1  }
0x1a4: {  	[bflag:$0x3] =	sbarrier.arrive $0xFFFF  }
0x1a5: {  	_ =	shalt  }

</sc_bundles>
